<compile_context>
chip_gen: v7x
topology: tpu7x:2x2x1
jax: 0.10.2.dev20260603
libtpu: 0.0.44.dev20260713+nightly
codegen_flags: <defaults>
</compile_context>

<pallas_src>
import functools

import jax
import jax.numpy as jnp
from jax import lax
from jax.experimental import pallas as pl
from jax.experimental.pallas import tpu as pltpu
from jax.experimental.pallas import tpu_sc as plsc

BATCH = 4096
HIST = 200
EMBED = 32
N = BATCH * HIST

NUM_CORES = 2
NUM_SUBCORES = 16
NW = NUM_CORES * NUM_SUBCORES
H1 = HIST // 8
B1 = BATCH // 128
NBLK = H1 * B1
BLK_PER_W = NBLK // NW
TILE = 8 * 128


@functools.partial(
    pl.kernel,
    mesh=plsc.VectorSubcoreMesh(core_axis_name="c", subcore_axis_name="s"),
    out_type=jax.ShapeDtypeStruct((HIST, EMBED // 8, B1, 8, 128), jnp.float32),
    scratch_types=[
        pltpu.VMEM((TILE,), jnp.int32),
        pltpu.VMEM((TILE,), jnp.int32),
        pltpu.VMEM((TILE, EMBED), jnp.float32),
        pltpu.VMEM((TILE, EMBED), jnp.float32),
        pltpu.VMEM((EMBED // 8, 8, 129), jnp.float32),
        pltpu.VMEM((EMBED // 8, 8, 129), jnp.float32),
        pltpu.SemaphoreType.DMA,
        pltpu.SemaphoreType.DMA,
        pltpu.SemaphoreType.DMA,
    ],
    compiler_params=pltpu.CompilerParams(
        use_tc_tiling_on_sc=False, needs_layout_passes=False),
)
def _gather_kernel(idx_hbm, table_hbm, out_hbm, idx0, idx1, rows0, rows1,
                   tb0, tb1, gsem0, gsem1, wsem):
    wid = lax.axis_index("s") * NUM_CORES + lax.axis_index("c")
    j0 = wid * BLK_PER_W
    idxb = (idx0, idx1)
    rows = (rows0, rows1)
    gsem = (gsem0, gsem1)
    tbuf = (tb0, tb1)
    lane = lax.iota(jnp.int32, 16)

    def stage_and_gather(k, b):
        pltpu.sync_copy(idx_hbm.at[pl.ds((j0 + k) * TILE, TILE)], idxb[b])
        pltpu.async_copy(table_hbm.at[idxb[b]], rows[b], gsem[b])

    def wait_gather(b):
        pltpu.make_async_copy(table_hbm.at[idxb[b]], rows[b], gsem[b]).wait()

    def wait_one_write(p):
        pltpu.make_async_copy(
            tbuf[p].at[:, :, pl.ds(0, 128)], out_hbm.at[0, :, 0],
            wsem).wait()

    def transpose_block(kk, b, do_wait):
        h1 = (j0 + kk) // B1
        b1 = (j0 + kk) % B1
        src = rows[b]
        e1v0 = lane >> 3
        e1v1 = e1v0 + 2
        e0v = lane & 7

        @pl.loop(0, 8, step=2)
        def _h(h0b):
            for p in range(2):
                h0 = h0b + p
                if do_wait:
                    wait_one_write(p)

                @plsc.parallel_loop(0, 128, unroll=4)
                def _r(r):
                    rr = h0 * 128 + r
                    v0 = src[rr, pl.ds(0, 16)]
                    v1 = src[rr, pl.ds(16, 16)]
                    bv = jnp.full((16,), r, jnp.int32)
                    plsc.store_scatter(tbuf[p], [e1v0, e0v, bv], v0)
                    plsc.store_scatter(tbuf[p], [e1v1, e0v, bv], v1)
                pltpu.async_copy(
                    tbuf[p].at[:, :, pl.ds(0, 128)],
                    out_hbm.at[h1 * 8 + h0, :, b1], wsem)

    stage_and_gather(0, 0)
    stage_and_gather(1, 1)
    wait_gather(0)
    transpose_block(0, 0, do_wait=False)

    @pl.loop(1, BLK_PER_W - 2, step=2)
    def _steady(kk0):
        for off in range(2):
            kk = kk0 + off
            b = (1 + off) % 2
            stage_and_gather(kk + 1, 1 - b)
            wait_gather(b)
            transpose_block(kk, b, do_wait=True)

    stage_and_gather(BLK_PER_W - 1, 0)
    wait_gather(1)
    transpose_block(BLK_PER_W - 2, 1, do_wait=True)
    wait_gather(0)
    transpose_block(BLK_PER_W - 1, 0, do_wait=True)
    for _ in range(4):
        wait_one_write(0)
        wait_one_write(1)


def kernel(indices, table):
    vi = (indices.T.reshape(H1, 8, B1, 128).transpose(0, 2, 1, 3).reshape(N))
    out5d = _gather_kernel(vi, table)
    return (out5d.transpose(2, 4, 0, 1, 3).reshape(BATCH, HIST, EMBED))

# --- scband reference (transcript-rebuilt; emitter-appended) ---
"""Pipeline reference for scband-pretrained-embedding-13769665151465 (READ-ONLY COPY).

The authoritative reference and input builder live on the scoring server;
editing this copy changes nothing except your own understanding.
"""

import jax, jax.numpy as jnp
import numpy as np

VOCAB = 1000000
EMBED_DIM = 32
BATCH = 4096
HIST = 200


def setup_inputs(seed: int = 0) -> dict:
    key = jax.random.key(seed)
    k1, k2 = jax.random.split(key)
    indices = jax.random.randint(k1, (BATCH, HIST), 0, VOCAB, dtype=jnp.int64 if jax.config.jax_enable_x64 else jnp.int32).astype(jnp.int32)
    table = jax.random.normal(k2, (VOCAB, EMBED_DIM), dtype=jnp.float32)
    return {"indices": indices, "table": table}


def reference(indices, table):
    # PretrainedEmbedding.forward: queries the pretrained vector store for each
    # token and concatenates the resulting vectors. Faithful dense equivalent:
    # gather rows of the embedding table for every token id.
    # Output shape: [BATCH, HIST, EMBED_DIM] (the torch version returns the
    # row-concatenated [num_tokens, EMBED_DIM]; this is the same data batched).
    embs = jnp.take(table, indices, axis=0)
    return embs

if __name__ == "__main__":
    import jax
    _d = setup_inputs()
    print(jax.jit(kernel)(*tuple(_d.values())))

</pallas_src>

<mosaic_0001>
#map = affine_map<(d0, d1) -> (0)>
#map1 = affine_map<(d0, d1) -> (0, 0)>
#map2 = affine_map<(d0, d1) -> (0, 0, 0, 0, 0)>
module attributes {stable_mosaic.version = 14 : i64} {
  func.func @_gather_kernel(%arg0: i32, %arg1: i32, %arg2: memref<819200xi32, #tpu.memory_space<hbm>>, %arg3: memref<1000000x32xf32, #tpu.memory_space<hbm>>, %arg4: memref<200x4x32x8x128xf32, #tpu.memory_space<hbm>>, %arg5: memref<1024xi32, #tpu.memory_space<vmem>>, %arg6: memref<1024xi32, #tpu.memory_space<vmem>>, %arg7: memref<1024x32xf32, #tpu.memory_space<vmem>>, %arg8: memref<1024x32xf32, #tpu.memory_space<vmem>>, %arg9: memref<4x8x129xf32, #tpu.memory_space<vmem>>, %arg10: memref<4x8x129xf32, #tpu.memory_space<vmem>>, %arg11: memref<!tpu.dma_semaphore, #tpu.memory_space<semaphore_mem>>, %arg12: memref<!tpu.dma_semaphore, #tpu.memory_space<semaphore_mem>>, %arg13: memref<!tpu.dma_semaphore, #tpu.memory_space<semaphore_mem>>) attributes {dimension_semantics = [#tpu.dimension_semantics<core_parallel>, #tpu.dimension_semantics<subcore_parallel>], iteration_bounds = array<i64: 2, 16>, scalar_prefetch = 0 : i64, scratch_operands = 9 : i64, tpu.core_type = #tpu.core_type<sc_vector_subcore>, window_params = [{transform_indices = #map}, {transform_indices = #map1}, {transform_indices = #map2}]} {
    %mul3A = arith.constant 2 : i32
    %mul3A_0 = arith.muli %arg1, %mul3A : i32
    %add3A = arith.addi %mul3A_0, %arg0 : i32
    %mul3A_1 = arith.constant 25 : i32
    %mul3A_2 = arith.muli %add3A, %mul3A_1 : i32
    %iota3A = tpu.iota {dimensions = array<i32: 0>} : vector<16xi32>
    %add3A_3 = arith.constant 0 : i32
    %add3A_4 = arith.addi %mul3A_2, %add3A_3 : i32
    %mul3A_5 = arith.constant 1024 : i32
    %mul3A_6 = arith.muli %add3A_4, %mul3A_5 : i32
    "tpu.region"() ({
      %run_scoped3A = tpu.sem_alloc : memref<!tpu.dma_semaphore, #tpu.memory_space<semaphore_mem>>
      %dma_start3A_358 = tpu.memref_slice %arg2[%mul3A_6] : memref<819200xi32, #tpu.memory_space<hbm>> -> memref<1024xi32, #tpu.memory_space<hbm>>
      %dma_start3A_359 = tpu.memref_slice %arg2[%mul3A_6] : memref<819200xi32, #tpu.memory_space<hbm>> -> memref<1024xi32, #tpu.memory_space<hbm>>
      tpu.enqueue_dma source(%dma_start3A_359 : memref<1024xi32, #tpu.memory_space<hbm>>) target(%arg5 : memref<1024xi32, #tpu.memory_space<vmem>>) target_semaphore(%run_scoped3A : memref<!tpu.dma_semaphore, #tpu.memory_space<semaphore_mem>>)
      %dma_wait3A_360 = tpu.memref_slice %arg2[%mul3A_6] : memref<819200xi32, #tpu.memory_space<hbm>> -> memref<1024xi32, #tpu.memory_space<hbm>>
      %dma_wait3A_361 = tpu.memref_slice %arg2[%mul3A_6] : memref<819200xi32, #tpu.memory_space<hbm>> -> memref<1024xi32, #tpu.memory_space<hbm>>
      tpu.wait_dma2 semaphore(%run_scoped3A : memref<!tpu.dma_semaphore, #tpu.memory_space<semaphore_mem>>) src(%dma_wait3A_361 : memref<1024xi32, #tpu.memory_space<hbm>>) dst(%arg5 : memref<1024xi32, #tpu.memory_space<vmem>>)
      tpu.yield
    }) : () -> ()
    %dma_start3A = arith.constant 0 : i32
    %dma_start3A_7 = arith.constant 0 : i32
    %dma_start3A_8 = tpu.memref_slice %arg3[%dma_start3A, %dma_start3A_7] : memref<1000000x32xf32, #tpu.memory_space<hbm>> -> memref<1000000x32xf32, #tpu.memory_space<hbm>>
    tpu.enqueue_indirect_dma source(%dma_start3A_8 : memref<1000000x32xf32, #tpu.memory_space<hbm>>) target(%arg7 : memref<1024x32xf32, #tpu.memory_space<vmem>>) offsets(%arg5 : memref<1024xi32, #tpu.memory_space<vmem>>) semaphore(%arg11 : memref<!tpu.dma_semaphore, #tpu.memory_space<semaphore_mem>>)
    %add3A_9 = arith.constant 1 : i32
    %add3A_10 = arith.addi %mul3A_2, %add3A_9 : i32
    %mul3A_11 = arith.constant 1024 : i32
    %mul3A_12 = arith.muli %add3A_10, %mul3A_11 : i32
    "tpu.region"() ({
      %run_scoped3A = tpu.sem_alloc : memref<!tpu.dma_semaphore, #tpu.memory_space<semaphore_mem>>
      %dma_start3A_358 = tpu.memref_slice %arg2[%mul3A_12] : memref<819200xi32, #tpu.memory_space<hbm>> -> memref<1024xi32, #tpu.memory_space<hbm>>
      %dma_start3A_359 = tpu.memref_slice %arg2[%mul3A_12] : memref<819200xi32, #tpu.memory_space<hbm>> -> memref<1024xi32, #tpu.memory_space<hbm>>
      tpu.enqueue_dma source(%dma_start3A_359 : memref<1024xi32, #tpu.memory_space<hbm>>) target(%arg6 : memref<1024xi32, #tpu.memory_space<vmem>>) target_semaphore(%run_scoped3A : memref<!tpu.dma_semaphore, #tpu.memory_space<semaphore_mem>>)
      %dma_wait3A_360 = tpu.memref_slice %arg2[%mul3A_12] : memref<819200xi32, #tpu.memory_space<hbm>> -> memref<1024xi32, #tpu.memory_space<hbm>>
      %dma_wait3A_361 = tpu.memref_slice %arg2[%mul3A_12] : memref<819200xi32, #tpu.memory_space<hbm>> -> memref<1024xi32, #tpu.memory_space<hbm>>
      tpu.wait_dma2 semaphore(%run_scoped3A : memref<!tpu.dma_semaphore, #tpu.memory_space<semaphore_mem>>) src(%dma_wait3A_361 : memref<1024xi32, #tpu.memory_space<hbm>>) dst(%arg6 : memref<1024xi32, #tpu.memory_space<vmem>>)
      tpu.yield
    }) : () -> ()
    %dma_start3A_13 = arith.constant 0 : i32
    %dma_start3A_14 = arith.constant 0 : i32
    %dma_start3A_15 = tpu.memref_slice %arg3[%dma_start3A_13, %dma_start3A_14] : memref<1000000x32xf32, #tpu.memory_space<hbm>> -> memref<1000000x32xf32, #tpu.memory_space<hbm>>
    tpu.enqueue_indirect_dma source(%dma_start3A_15 : memref<1000000x32xf32, #tpu.memory_space<hbm>>) target(%arg8 : memref<1024x32xf32, #tpu.memory_space<vmem>>) offsets(%arg6 : memref<1024xi32, #tpu.memory_space<vmem>>) semaphore(%arg12 : memref<!tpu.dma_semaphore, #tpu.memory_space<semaphore_mem>>)
    %dma_wait3A = arith.constant 0 : i32
    %dma_wait3A_16 = arith.constant 0 : i32
    %dma_wait3A_17 = tpu.memref_slice %arg3[%dma_wait3A, %dma_wait3A_16] : memref<1000000x32xf32, #tpu.memory_space<hbm>> -> memref<1000000x32xf32, #tpu.memory_space<hbm>>
    tpu.wait_indirect_dma semaphore(%arg11 : memref<!tpu.dma_semaphore, #tpu.memory_space<semaphore_mem>>) src(%dma_wait3A_17 : memref<1000000x32xf32, #tpu.memory_space<hbm>>) dst(%arg7 : memref<1024x32xf32, #tpu.memory_space<vmem>>)
    %add3A_18 = arith.constant 0 : i32
    %add3A_19 = arith.addi %mul3A_2, %add3A_18 : i32
    %jit3A = arith.constant 32 : i32
    %div3A = arith.divsi %add3A_19, %jit3A : i32
    %sign3A = arith.constant 0 : i32
    %sign3A_20 = arith.cmpi sgt, %add3A_19, %sign3A : i32
    %sign3A_21 = arith.extui %sign3A_20 : i1 to i32
    %sign3A_22 = arith.constant 0 : i32
    %sign3A_23 = arith.cmpi slt, %add3A_19, %sign3A_22 : i32
    %sign3A_24 = arith.extui %sign3A_23 : i1 to i32
    %sign3A_25 = arith.subi %sign3A_21, %sign3A_24 : i32
    %sign3A_26 = arith.constant 0 : i32
    %sign3A_27 = arith.cmpi sgt, %jit3A, %sign3A_26 : i32
    %sign3A_28 = arith.extui %sign3A_27 : i1 to i32
    %sign3A_29 = arith.constant 0 : i32
    %sign3A_30 = arith.cmpi slt, %jit3A, %sign3A_29 : i32
    %sign3A_31 = arith.extui %sign3A_30 : i1 to i32
    %sign3A_32 = arith.subi %sign3A_28, %sign3A_31 : i32
    %ne3A = arith.cmpi ne, %sign3A_25, %sign3A_32 : i32
    %rem3A = arith.remsi %add3A_19, %jit3A : i32
    %ne3A_33 = arith.constant 0 : i32
    %ne3A_34 = arith.cmpi ne, %rem3A, %ne3A_33 : i32
    %and3A = arith.andi %ne3A, %ne3A_34 : i1
    %sub3A = arith.constant 1 : i32
    %sub3A_35 = arith.subi %div3A, %sub3A : i32
    %select_n3A = arith.select %and3A, %sub3A_35, %div3A : i32
    %add3A_36 = arith.constant 0 : i32
    %add3A_37 = arith.addi %mul3A_2, %add3A_36 : i32
    %jit3A_38 = arith.constant 32 : i32
    %eq3A = arith.constant 0 : i32
    %eq3A_39 = arith.cmpi eq, %jit3A_38, %eq3A : i32
    %jit3A_40 = arith.constant 1 : i32
    %select_n3A_41 = arith.select %eq3A_39, %jit3A_40, %jit3A_38 : i32
    %rem3A_42 = arith.remsi %add3A_37, %select_n3A_41 : i32
    %ne3A_43 = arith.constant 0 : i32
    %ne3A_44 = arith.cmpi ne, %rem3A_42, %ne3A_43 : i32
    %lt3A = arith.constant 0 : i32
    %lt3A_45 = arith.cmpi slt, %rem3A_42, %lt3A : i32
    %lt3A_46 = arith.constant 0 : i32
    %lt3A_47 = arith.cmpi slt, %select_n3A_41, %lt3A_46 : i32
    %ne3A_48 = arith.xori %lt3A_45, %lt3A_47 : i1
    %and3A_49 = arith.andi %ne3A_48, %ne3A_44 : i1
    %add3A_50 = arith.addi %rem3A_42, %select_n3A_41 : i32
    %select_n3A_51 = arith.select %and3A_49, %add3A_50, %rem3A_42 : i32
    %shift_right_arithmetic3A = arith.constant 3 : i32
    %shift_right_arithmetic3A_52 = vector.broadcast %shift_right_arithmetic3A : i32 to vector<16xi32>
    %shift_right_arithmetic3A_53 = arith.shrsi %iota3A, %shift_right_arithmetic3A_52 : vector<16xi32>
    %add3A_54 = arith.constant 2 : i32
    %add3A_55 = vector.broadcast %add3A_54 : i32 to vector<16xi32>
    %add3A_56 = arith.addi %shift_right_arithmetic3A_53, %add3A_55 : vector<16xi32>
    %and3A_57 = arith.constant 7 : i32
    %and3A_58 = vector.broadcast %and3A_57 : i32 to vector<16xi32>
    %and3A_59 = arith.andi %iota3A, %and3A_58 : vector<16xi32>
    %scan3A = arith.constant 0 : i32
    %scan3A_60 = arith.constant 4 : i32
    %scan3A_61 = arith.addi %scan3A, %scan3A_60 : i32
    %scan3A_62 = arith.constant 1 : i32
    scf.for %scan3A_358 = %scan3A to %scan3A_61 step %scan3A_62  : i32 {
      %mul3A_359 = arith.constant 2 : i32
      %mul3A_360 = arith.muli %scan3A_358, %mul3A_359 : i32
      %add3A_361 = arith.constant 0 : i32
      %add3A_362 = arith.addi %add3A_361, %mul3A_360 : i32
      %add3A_363 = arith.constant 0 : i32
      %add3A_364 = arith.addi %add3A_362, %add3A_363 : i32
      %parallel_loop3A = arith.constant 0 : i32
      %parallel_loop3A_365 = arith.constant 128 : i32
      %parallel_loop3A_366 = arith.constant 1 : i32
      scf.for %parallel_loop3A_414 = %parallel_loop3A to %parallel_loop3A_365 step %parallel_loop3A_366  : i32 {
        %parallel_loop3A_415 = arith.constant 128 : i32
        %parallel_loop3A_416 = arith.muli %add3A_364, %parallel_loop3A_415 : i32
        %parallel_loop3A_417 = arith.addi %parallel_loop3A_416, %parallel_loop3A_414 : i32
        %parallel_loop3A_418 = arith.index_cast %parallel_loop3A_417 : i32 to index
        %parallel_loop3A_419 = arith.constant 0 : index
        %parallel_loop3A_420 = tpu.vector_load %arg7[%parallel_loop3A_418, %parallel_loop3A_419] {strides = array<i32>} : memref<1024x32xf32, #tpu.memory_space<vmem>>, vector<16xf32>,
        %parallel_loop3A_421 = arith.index_cast %parallel_loop3A_417 : i32 to index
        %parallel_loop3A_422 = arith.constant 16 : index
        %parallel_loop3A_423 = tpu.vector_load %arg7[%parallel_loop3A_421, %parallel_loop3A_422] {strides = array<i32>} : memref<1024x32xf32, #tpu.memory_space<vmem>>, vector<16xf32>,
        %parallel_loop3A_424 = vector.broadcast %parallel_loop3A_414 : i32 to vector<16xi32>
        tpu.vector_store_idx %arg9[%shift_right_arithmetic3A_53, %and3A_59, %parallel_loop3A_424], %parallel_loop3A_420 : memref<4x8x129xf32, #tpu.memory_space<vmem>>[vector<16xi32>, vector<16xi32>, vector<16xi32>], vector<16xf32>,
        tpu.vector_store_idx %arg9[%add3A_56, %and3A_59, %parallel_loop3A_424], %parallel_loop3A_423 : memref<4x8x129xf32, #tpu.memory_space<vmem>>[vector<16xi32>, vector<16xi32>, vector<16xi32>], vector<16xf32>,
      } {sc.loop_unroll_factor = 4 : i64, sc.parallel_access}
      %mul3A_367 = arith.constant 8 : i32
      %mul3A_368 = arith.muli %select_n3A, %mul3A_367 : i32
      %add3A_369 = arith.addi %mul3A_368, %add3A_364 : i32
      %dma_start3A_370 = arith.constant 0 : i32
      %dma_start3A_371 = arith.constant 0 : i32
      %dma_start3A_372 = arith.constant 0 : i32
      %dma_start3A_373 = tpu.memref_slice %arg9[%dma_start3A_370, %dma_start3A_371, %dma_start3A_372] : memref<4x8x129xf32, #tpu.memory_space<vmem>> -> memref<4x8x128xf32, #tpu.memory_space<vmem>>
      %dma_start3A_374 = arith.constant 0 : i32
      %dma_start3A_375 = arith.constant 0 : i32
      %dma_start3A_376 = arith.constant 0 : i32
      %dma_start3A_377 = tpu.memref_slice %arg4[%add3A_369, %dma_start3A_374, %select_n3A_51, %dma_start3A_375, %dma_start3A_376] : memref<200x4x32x8x128xf32, #tpu.memory_space<hbm>> -> memref<1x4x1x8x128xf32, #tpu.memory_space<hbm>>
      %dma_start3A_378 = tpu.memref_squeeze %dma_start3A_377 : memref<1x4x1x8x128xf32, #tpu.memory_space<hbm>> -> memref<4x8x128xf32, #tpu.memory_space<hbm>>
      %dma_start3A_379 = arith.constant 0 : i32
      %dma_start3A_380 = arith.constant 0 : i32
      %dma_start3A_381 = arith.constant 0 : i32
      %dma_start3A_382 = tpu.memref_slice %arg4[%add3A_369, %dma_start3A_379, %select_n3A_51, %dma_start3A_380, %dma_start3A_381] : memref<200x4x32x8x128xf32, #tpu.memory_space<hbm>> -> memref<1x4x1x8x128xf32, #tpu.memory_space<hbm>>
      %dma_start3A_383 = tpu.memref_squeeze %dma_start3A_382 : memref<1x4x1x8x128xf32, #tpu.memory_space<hbm>> -> memref<4x8x128xf32, #tpu.memory_space<hbm>>
      %dma_start3A_384 = arith.constant 0 : i32
      %dma_start3A_385 = arith.constant 0 : i32
      %dma_start3A_386 = arith.constant 0 : i32
      %dma_start3A_387 = tpu.memref_slice %arg9[%dma_start3A_384, %dma_start3A_385, %dma_start3A_386] : memref<4x8x129xf32, #tpu.memory_space<vmem>> -> memref<4x8x128xf32, #tpu.memory_space<vmem>>
      tpu.enqueue_dma source(%dma_start3A_387 : memref<4x8x128xf32, #tpu.memory_space<vmem>>) target(%dma_start3A_383 : memref<4x8x128xf32, #tpu.memory_space<hbm>>) target_semaphore(%arg13 : memref<!tpu.dma_semaphore, #tpu.memory_space<semaphore_mem>>)
      %add3A_388 = arith.constant 1 : i32
      %add3A_389 = arith.addi %add3A_362, %add3A_388 : i32
      %parallel_loop3A_390 = arith.constant 0 : i32
      %parallel_loop3A_391 = arith.constant 128 : i32
      %parallel_loop3A_392 = arith.constant 1 : i32
      scf.for %parallel_loop3A_414 = %parallel_loop3A_390 to %parallel_loop3A_391 step %parallel_loop3A_392  : i32 {
        %parallel_loop3A_415 = arith.constant 128 : i32
        %parallel_loop3A_416 = arith.muli %add3A_389, %parallel_loop3A_415 : i32
        %parallel_loop3A_417 = arith.addi %parallel_loop3A_416, %parallel_loop3A_414 : i32
        %parallel_loop3A_418 = arith.index_cast %parallel_loop3A_417 : i32 to index
        %parallel_loop3A_419 = arith.constant 0 : index
        %parallel_loop3A_420 = tpu.vector_load %arg7[%parallel_loop3A_418, %parallel_loop3A_419] {strides = array<i32>} : memref<1024x32xf32, #tpu.memory_space<vmem>>, vector<16xf32>,
        %parallel_loop3A_421 = arith.index_cast %parallel_loop3A_417 : i32 to index
        %parallel_loop3A_422 = arith.constant 16 : index
        %parallel_loop3A_423 = tpu.vector_load %arg7[%parallel_loop3A_421, %parallel_loop3A_422] {strides = array<i32>} : memref<1024x32xf32, #tpu.memory_space<vmem>>, vector<16xf32>,
        %parallel_loop3A_424 = vector.broadcast %parallel_loop3A_414 : i32 to vector<16xi32>
        tpu.vector_store_idx %arg10[%shift_right_arithmetic3A_53, %and3A_59, %parallel_loop3A_424], %parallel_loop3A_420 : memref<4x8x129xf32, #tpu.memory_space<vmem>>[vector<16xi32>, vector<16xi32>, vector<16xi32>], vector<16xf32>,
        tpu.vector_store_idx %arg10[%add3A_56, %and3A_59, %parallel_loop3A_424], %parallel_loop3A_423 : memref<4x8x129xf32, #tpu.memory_space<vmem>>[vector<16xi32>, vector<16xi32>, vector<16xi32>], vector<16xf32>,
      } {sc.loop_unroll_factor = 4 : i64, sc.parallel_access}
      %mul3A_393 = arith.constant 8 : i32
      %mul3A_394 = arith.muli %select_n3A, %mul3A_393 : i32
      %add3A_395 = arith.addi %mul3A_394, %add3A_389 : i32
      %dma_start3A_396 = arith.constant 0 : i32
      %dma_start3A_397 = arith.constant 0 : i32
      %dma_start3A_398 = arith.constant 0 : i32
      %dma_start3A_399 = tpu.memref_slice %arg10[%dma_start3A_396, %dma_start3A_397, %dma_start3A_398] : memref<4x8x129xf32, #tpu.memory_space<vmem>> -> memref<4x8x128xf32, #tpu.memory_space<vmem>>
      %dma_start3A_400 = arith.constant 0 : i32
      %dma_start3A_401 = arith.constant 0 : i32
      %dma_start3A_402 = arith.constant 0 : i32
      %dma_start3A_403 = tpu.memref_slice %arg4[%add3A_395, %dma_start3A_400, %select_n3A_51, %dma_start3A_401, %dma_start3A_402] : memref<200x4x32x8x128xf32, #tpu.memory_space<hbm>> -> memref<1x4x1x8x128xf32, #tpu.memory_space<hbm>>
      %dma_start3A_404 = tpu.memref_squeeze %dma_start3A_403 : memref<1x4x1x8x128xf32, #tpu.memory_space<hbm>> -> memref<4x8x128xf32, #tpu.memory_space<hbm>>
      %dma_start3A_405 = arith.constant 0 : i32
      %dma_start3A_406 = arith.constant 0 : i32
      %dma_start3A_407 = arith.constant 0 : i32
      %dma_start3A_408 = tpu.memref_slice %arg4[%add3A_395, %dma_start3A_405, %select_n3A_51, %dma_start3A_406, %dma_start3A_407] : memref<200x4x32x8x128xf32, #tpu.memory_space<hbm>> -> memref<1x4x1x8x128xf32, #tpu.memory_space<hbm>>
      %dma_start3A_409 = tpu.memref_squeeze %dma_start3A_408 : memref<1x4x1x8x128xf32, #tpu.memory_space<hbm>> -> memref<4x8x128xf32, #tpu.memory_space<hbm>>
      %dma_start3A_410 = arith.constant 0 : i32
      %dma_start3A_411 = arith.constant 0 : i32
      %dma_start3A_412 = arith.constant 0 : i32
      %dma_start3A_413 = tpu.memref_slice %arg10[%dma_start3A_410, %dma_start3A_411, %dma_start3A_412] : memref<4x8x129xf32, #tpu.memory_space<vmem>> -> memref<4x8x128xf32, #tpu.memory_space<vmem>>
      tpu.enqueue_dma source(%dma_start3A_413 : memref<4x8x128xf32, #tpu.memory_space<vmem>>) target(%dma_start3A_409 : memref<4x8x128xf32, #tpu.memory_space<hbm>>) target_semaphore(%arg13 : memref<!tpu.dma_semaphore, #tpu.memory_space<semaphore_mem>>)
    }
    %scan3A_63 = arith.constant 4 : i32
    %scan3A_64 = arith.constant 0 : i32
    %scan3A_65 = arith.constant 11 : i32
    %scan3A_66 = arith.addi %scan3A_64, %scan3A_65 : i32
    %scan3A_67 = arith.constant 1 : i32
    scf.for %scan3A_358 = %scan3A_64 to %scan3A_66 step %scan3A_67  : i32 {
      %mul3A_359 = arith.constant 2 : i32
      %mul3A_360 = arith.muli %scan3A_358, %mul3A_359 : i32
      %add3A_361 = arith.constant 1 : i32
      %add3A_362 = arith.addi %add3A_361, %mul3A_360 : i32
      %add3A_363 = arith.constant 0 : i32
      %add3A_364 = arith.addi %add3A_362, %add3A_363 : i32
      %add3A_365 = arith.constant 1 : i32
      %add3A_366 = arith.addi %add3A_364, %add3A_365 : i32
      %add3A_367 = arith.addi %mul3A_2, %add3A_366 : i32
      %mul3A_368 = arith.constant 1024 : i32
      %mul3A_369 = arith.muli %add3A_367, %mul3A_368 : i32
      "tpu.region"() ({
        %run_scoped3A = tpu.sem_alloc : memref<!tpu.dma_semaphore, #tpu.memory_space<semaphore_mem>>
        %dma_start3A_501 = tpu.memref_slice %arg2[%mul3A_369] : memref<819200xi32, #tpu.memory_space<hbm>> -> memref<1024xi32, #tpu.memory_space<hbm>>
        %dma_start3A_502 = tpu.memref_slice %arg2[%mul3A_369] : memref<819200xi32, #tpu.memory_space<hbm>> -> memref<1024xi32, #tpu.memory_space<hbm>>
        tpu.enqueue_dma source(%dma_start3A_502 : memref<1024xi32, #tpu.memory_space<hbm>>) target(%arg5 : memref<1024xi32, #tpu.memory_space<vmem>>) target_semaphore(%run_scoped3A : memref<!tpu.dma_semaphore, #tpu.memory_space<semaphore_mem>>)
        %dma_wait3A_503 = tpu.memref_slice %arg2[%mul3A_369] : memref<819200xi32, #tpu.memory_space<hbm>> -> memref<1024xi32, #tpu.memory_space<hbm>>
        %dma_wait3A_504 = tpu.memref_slice %arg2[%mul3A_369] : memref<819200xi32, #tpu.memory_space<hbm>> -> memref<1024xi32, #tpu.memory_space<hbm>>
        tpu.wait_dma2 semaphore(%run_scoped3A : memref<!tpu.dma_semaphore, #tpu.memory_space<semaphore_mem>>) src(%dma_wait3A_504 : memref<1024xi32, #tpu.memory_space<hbm>>) dst(%arg5 : memref<1024xi32, #tpu.memory_space<vmem>>)
        tpu.yield
      }) : () -> ()
      %dma_start3A_370 = arith.constant 0 : i32
      %dma_start3A_371 = arith.constant 0 : i32
      %dma_start3A_372 = tpu.memref_slice %arg3[%dma_start3A_370, %dma_start3A_371] : memref<1000000x32xf32, #tpu.memory_space<hbm>> -> memref<1000000x32xf32, #tpu.memory_space<hbm>>
      tpu.enqueue_indirect_dma source(%dma_start3A_372 : memref<1000000x32xf32, #tpu.memory_space<hbm>>) target(%arg7 : memref<1024x32xf32, #tpu.memory_space<vmem>>) offsets(%arg5 : memref<1024xi32, #tpu.memory_space<vmem>>) semaphore(%arg11 : memref<!tpu.dma_semaphore, #tpu.memory_space<semaphore_mem>>)
      %dma_wait3A_373 = arith.constant 0 : i32
      %dma_wait3A_374 = arith.constant 0 : i32
      %dma_wait3A_375 = tpu.memref_slice %arg3[%dma_wait3A_373, %dma_wait3A_374] : memref<1000000x32xf32, #tpu.memory_space<hbm>> -> memref<1000000x32xf32, #tpu.memory_space<hbm>>
      tpu.wait_indirect_dma semaphore(%arg12 : memref<!tpu.dma_semaphore, #tpu.memory_space<semaphore_mem>>) src(%dma_wait3A_375 : memref<1000000x32xf32, #tpu.memory_space<hbm>>) dst(%arg8 : memref<1024x32xf32, #tpu.memory_space<vmem>>)
      %add3A_376 = arith.addi %mul3A_2, %add3A_364 : i32
      %jit3A_377 = arith.constant 32 : i32
      %div3A_378 = arith.divsi %add3A_376, %jit3A_377 : i32
      %sign3A_379 = arith.constant 0 : i32
      %sign3A_380 = arith.cmpi sgt, %add3A_376, %sign3A_379 : i32
      %sign3A_381 = arith.extui %sign3A_380 : i1 to i32
      %sign3A_382 = arith.constant 0 : i32
      %sign3A_383 = arith.cmpi slt, %add3A_376, %sign3A_382 : i32
      %sign3A_384 = arith.extui %sign3A_383 : i1 to i32
      %sign3A_385 = arith.subi %sign3A_381, %sign3A_384 : i32
      %sign3A_386 = arith.constant 0 : i32
      %sign3A_387 = arith.cmpi sgt, %jit3A_377, %sign3A_386 : i32
      %sign3A_388 = arith.extui %sign3A_387 : i1 to i32
      %sign3A_389 = arith.constant 0 : i32
      %sign3A_390 = arith.cmpi slt, %jit3A_377, %sign3A_389 : i32
      %sign3A_391 = arith.extui %sign3A_390 : i1 to i32
      %sign3A_392 = arith.subi %sign3A_388, %sign3A_391 : i32
      %ne3A_393 = arith.cmpi ne, %sign3A_385, %sign3A_392 : i32
      %rem3A_394 = arith.remsi %add3A_376, %jit3A_377 : i32
      %ne3A_395 = arith.constant 0 : i32
      %ne3A_396 = arith.cmpi ne, %rem3A_394, %ne3A_395 : i32
      %and3A_397 = arith.andi %ne3A_393, %ne3A_396 : i1
      %sub3A_398 = arith.constant 1 : i32
      %sub3A_399 = arith.subi %div3A_378, %sub3A_398 : i32
      %select_n3A_400 = arith.select %and3A_397, %sub3A_399, %div3A_378 : i32
      %add3A_401 = arith.addi %mul3A_2, %add3A_364 : i32
      %jit3A_402 = arith.constant 32 : i32
      %eq3A_403 = arith.constant 0 : i32
      %eq3A_404 = arith.cmpi eq, %jit3A_402, %eq3A_403 : i32
      %jit3A_405 = arith.constant 1 : i32
      %select_n3A_406 = arith.select %eq3A_404, %jit3A_405, %jit3A_402 : i32
      %rem3A_407 = arith.remsi %add3A_401, %select_n3A_406 : i32
      %ne3A_408 = arith.constant 0 : i32
      %ne3A_409 = arith.cmpi ne, %rem3A_407, %ne3A_408 : i32
      %lt3A_410 = arith.constant 0 : i32
      %lt3A_411 = arith.cmpi slt, %rem3A_407, %lt3A_410 : i32
      %lt3A_412 = arith.constant 0 : i32
      %lt3A_413 = arith.cmpi slt, %select_n3A_406, %lt3A_412 : i32
      %ne3A_414 = arith.xori %lt3A_411, %lt3A_413 : i1
      %and3A_415 = arith.andi %ne3A_414, %ne3A_409 : i1
      %add3A_416 = arith.addi %rem3A_407, %select_n3A_406 : i32
      %select_n3A_417 = arith.select %and3A_415, %add3A_416, %rem3A_407 : i32
      %shift_right_arithmetic3A_418 = arith.constant 3 : i32
      %shift_right_arithmetic3A_419 = vector.broadcast %shift_right_arithmetic3A_418 : i32 to vector<16xi32>
      %shift_right_arithmetic3A_420 = arith.shrsi %iota3A, %shift_right_arithmetic3A_419 : vector<16xi32>
      %add3A_421 = arith.constant 2 : i32
      %add3A_422 = vector.broadcast %add3A_421 : i32 to vector<16xi32>
      %add3A_423 = arith.addi %shift_right_arithmetic3A_420, %add3A_422 : vector<16xi32>
      %and3A_424 = arith.constant 7 : i32
      %and3A_425 = vector.broadcast %and3A_424 : i32 to vector<16xi32>
      %and3A_426 = arith.andi %iota3A, %and3A_425 : vector<16xi32>
      %scan3A_427 = arith.constant 0 : i32
      %scan3A_428 = arith.constant 4 : i32
      %scan3A_429 = arith.addi %scan3A_427, %scan3A_428 : i32
      %scan3A_430 = arith.constant 1 : i32
      scf.for %scan3A_501 = %scan3A_427 to %scan3A_429 step %scan3A_430  : i32 {
        %mul3A_502 = arith.constant 2 : i32
        %mul3A_503 = arith.muli %scan3A_501, %mul3A_502 : i32
        %add3A_504 = arith.constant 0 : i32
        %add3A_505 = arith.addi %add3A_504, %mul3A_503 : i32
        %add3A_506 = arith.constant 0 : i32
        %add3A_507 = arith.addi %add3A_505, %add3A_506 : i32
        %dma_wait3A_508 = arith.constant 0 : i32
        %dma_wait3A_509 = arith.constant 0 : i32
        %dma_wait3A_510 = arith.constant 0 : i32
        %dma_wait3A_511 = arith.constant 0 : i32
        %dma_wait3A_512 = arith.constant 0 : i32
        %dma_wait3A_513 = tpu.memref_slice %arg9[%dma_wait3A_510, %dma_wait3A_511, %dma_wait3A_512] : memref<4x8x129xf32, #tpu.memory_space<vmem>> -> memref<4x8x128xf32, #tpu.memory_space<vmem>>
        %dma_wait3A_514 = arith.constant 0 : i32
        %dma_wait3A_515 = arith.constant 0 : i32
        %dma_wait3A_516 = arith.constant 0 : i32
        %dma_wait3A_517 = tpu.memref_slice %arg4[%dma_wait3A_508, %dma_wait3A_514, %dma_wait3A_509, %dma_wait3A_515, %dma_wait3A_516] : memref<200x4x32x8x128xf32, #tpu.memory_space<hbm>> -> memref<1x4x1x8x128xf32, #tpu.memory_space<hbm>>
        %dma_wait3A_518 = tpu.memref_squeeze %dma_wait3A_517 : memref<1x4x1x8x128xf32, #tpu.memory_space<hbm>> -> memref<4x8x128xf32, #tpu.memory_space<hbm>>
        %dma_wait3A_519 = arith.constant 0 : i32
        %dma_wait3A_520 = arith.constant 0 : i32
        %dma_wait3A_521 = arith.constant 0 : i32
        %dma_wait3A_522 = tpu.memref_slice %arg4[%dma_wait3A_508, %dma_wait3A_519, %dma_wait3A_509, %dma_wait3A_520, %dma_wait3A_521] : memref<200x4x32x8x128xf32, #tpu.memory_space<hbm>> -> memref<1x4x1x8x128xf32, #tpu.memory_space<hbm>>
        %dma_wait3A_523 = tpu.memref_squeeze %dma_wait3A_522 : memref<1x4x1x8x128xf32, #tpu.memory_space<hbm>> -> memref<4x8x128xf32, #tpu.memory_space<hbm>>
        %dma_wait3A_524 = arith.constant 0 : i32
        %dma_wait3A_525 = arith.constant 0 : i32
        %dma_wait3A_526 = arith.constant 0 : i32
        %dma_wait3A_527 = tpu.memref_slice %arg9[%dma_wait3A_524, %dma_wait3A_525, %dma_wait3A_526] : memref<4x8x129xf32, #tpu.memory_space<vmem>> -> memref<4x8x128xf32, #tpu.memory_space<vmem>>
        tpu.wait_dma2 semaphore(%arg13 : memref<!tpu.dma_semaphore, #tpu.memory_space<semaphore_mem>>) src(%dma_wait3A_527 : memref<4x8x128xf32, #tpu.memory_space<vmem>>) dst(%dma_wait3A_523 : memref<4x8x128xf32, #tpu.memory_space<hbm>>)
        %parallel_loop3A = arith.constant 0 : i32
        %parallel_loop3A_528 = arith.constant 128 : i32
        %parallel_loop3A_529 = arith.constant 1 : i32
        scf.for %parallel_loop3A_597 = %parallel_loop3A to %parallel_loop3A_528 step %parallel_loop3A_529  : i32 {
          %parallel_loop3A_598 = arith.constant 128 : i32
          %parallel_loop3A_599 = arith.muli %add3A_507, %parallel_loop3A_598 : i32
          %parallel_loop3A_600 = arith.addi %parallel_loop3A_599, %parallel_loop3A_597 : i32
          %parallel_loop3A_601 = arith.index_cast %parallel_loop3A_600 : i32 to index
          %parallel_loop3A_602 = arith.constant 0 : index
          %parallel_loop3A_603 = tpu.vector_load %arg8[%parallel_loop3A_601, %parallel_loop3A_602] {strides = array<i32>} : memref<1024x32xf32, #tpu.memory_space<vmem>>, vector<16xf32>,
          %parallel_loop3A_604 = arith.index_cast %parallel_loop3A_600 : i32 to index
          %parallel_loop3A_605 = arith.constant 16 : index
          %parallel_loop3A_606 = tpu.vector_load %arg8[%parallel_loop3A_604, %parallel_loop3A_605] {strides = array<i32>} : memref<1024x32xf32, #tpu.memory_space<vmem>>, vector<16xf32>,
          %parallel_loop3A_607 = vector.broadcast %parallel_loop3A_597 : i32 to vector<16xi32>
          tpu.vector_store_idx %arg9[%shift_right_arithmetic3A_420, %and3A_426, %parallel_loop3A_607], %parallel_loop3A_603 : memref<4x8x129xf32, #tpu.memory_space<vmem>>[vector<16xi32>, vector<16xi32>, vector<16xi32>], vector<16xf32>,
          tpu.vector_store_idx %arg9[%add3A_423, %and3A_426, %parallel_loop3A_607], %parallel_loop3A_606 : memref<4x8x129xf32, #tpu.memory_space<vmem>>[vector<16xi32>, vector<16xi32>, vector<16xi32>], vector<16xf32>,
        } {sc.loop_unroll_factor = 4 : i64, sc.parallel_access}
        %mul3A_530 = arith.constant 8 : i32
        %mul3A_531 = arith.muli %select_n3A_400, %mul3A_530 : i32
        %add3A_532 = arith.addi %mul3A_531, %add3A_507 : i32
        %dma_start3A_533 = arith.constant 0 : i32
        %dma_start3A_534 = arith.constant 0 : i32
        %dma_start3A_535 = arith.constant 0 : i32
        %dma_start3A_536 = tpu.memref_slice %arg9[%dma_start3A_533, %dma_start3A_534, %dma_start3A_535] : memref<4x8x129xf32, #tpu.memory_space<vmem>> -> memref<4x8x128xf32, #tpu.memory_space<vmem>>
        %dma_start3A_537 = arith.constant 0 : i32
        %dma_start3A_538 = arith.constant 0 : i32
        %dma_start3A_539 = arith.constant 0 : i32
        %dma_start3A_540 = tpu.memref_slice %arg4[%add3A_532, %dma_start3A_537, %select_n3A_417, %dma_start3A_538, %dma_start3A_539] : memref<200x4x32x8x128xf32, #tpu.memory_space<hbm>> -> memref<1x4x1x8x128xf32, #tpu.memory_space<hbm>>
        %dma_start3A_541 = tpu.memref_squeeze %dma_start3A_540 : memref<1x4x1x8x128xf32, #tpu.memory_space<hbm>> -> memref<4x8x128xf32, #tpu.memory_space<hbm>>
        %dma_start3A_542 = arith.constant 0 : i32
        %dma_start3A_543 = arith.constant 0 : i32
        %dma_start3A_544 = arith.constant 0 : i32
        %dma_start3A_545 = tpu.memref_slice %arg4[%add3A_532, %dma_start3A_542, %select_n3A_417, %dma_start3A_543, %dma_start3A_544] : memref<200x4x32x8x128xf32, #tpu.memory_space<hbm>> -> memref<1x4x1x8x128xf32, #tpu.memory_space<hbm>>
        %dma_start3A_546 = tpu.memref_squeeze %dma_start3A_545 : memref<1x4x1x8x128xf32, #tpu.memory_space<hbm>> -> memref<4x8x128xf32, #tpu.memory_space<hbm>>
        %dma_start3A_547 = arith.constant 0 : i32
        %dma_start3A_548 = arith.constant 0 : i32
        %dma_start3A_549 = arith.constant 0 : i32
        %dma_start3A_550 = tpu.memref_slice %arg9[%dma_start3A_547, %dma_start3A_548, %dma_start3A_549] : memref<4x8x129xf32, #tpu.memory_space<vmem>> -> memref<4x8x128xf32, #tpu.memory_space<vmem>>
        tpu.enqueue_dma source(%dma_start3A_550 : memref<4x8x128xf32, #tpu.memory_space<vmem>>) target(%dma_start3A_546 : memref<4x8x128xf32, #tpu.memory_space<hbm>>) target_semaphore(%arg13 : memref<!tpu.dma_semaphore, #tpu.memory_space<semaphore_mem>>)
        %add3A_551 = arith.constant 1 : i32
        %add3A_552 = arith.addi %add3A_505, %add3A_551 : i32
        %dma_wait3A_553 = arith.constant 0 : i32
        %dma_wait3A_554 = arith.constant 0 : i32
        %dma_wait3A_555 = arith.constant 0 : i32
        %dma_wait3A_556 = arith.constant 0 : i32
        %dma_wait3A_557 = arith.constant 0 : i32
        %dma_wait3A_558 = tpu.memref_slice %arg10[%dma_wait3A_555, %dma_wait3A_556, %dma_wait3A_557] : memref<4x8x129xf32, #tpu.memory_space<vmem>> -> memref<4x8x128xf32, #tpu.memory_space<vmem>>
        %dma_wait3A_559 = arith.constant 0 : i32
        %dma_wait3A_560 = arith.constant 0 : i32
        %dma_wait3A_561 = arith.constant 0 : i32
        %dma_wait3A_562 = tpu.memref_slice %arg4[%dma_wait3A_553, %dma_wait3A_559, %dma_wait3A_554, %dma_wait3A_560, %dma_wait3A_561] : memref<200x4x32x8x128xf32, #tpu.memory_space<hbm>> -> memref<1x4x1x8x128xf32, #tpu.memory_space<hbm>>
        %dma_wait3A_563 = tpu.memref_squeeze %dma_wait3A_562 : memref<1x4x1x8x128xf32, #tpu.memory_space<hbm>> -> memref<4x8x128xf32, #tpu.memory_space<hbm>>
        %dma_wait3A_564 = arith.constant 0 : i32
        %dma_wait3A_565 = arith.constant 0 : i32
        %dma_wait3A_566 = arith.constant 0 : i32
        %dma_wait3A_567 = tpu.memref_slice %arg4[%dma_wait3A_553, %dma_wait3A_564, %dma_wait3A_554, %dma_wait3A_565, %dma_wait3A_566] : memref<200x4x32x8x128xf32, #tpu.memory_space<hbm>> -> memref<1x4x1x8x128xf32, #tpu.memory_space<hbm>>
        %dma_wait3A_568 = tpu.memref_squeeze %dma_wait3A_567 : memref<1x4x1x8x128xf32, #tpu.memory_space<hbm>> -> memref<4x8x128xf32, #tpu.memory_space<hbm>>
        %dma_wait3A_569 = arith.constant 0 : i32
        %dma_wait3A_570 = arith.constant 0 : i32
        %dma_wait3A_571 = arith.constant 0 : i32
        %dma_wait3A_572 = tpu.memref_slice %arg10[%dma_wait3A_569, %dma_wait3A_570, %dma_wait3A_571] : memref<4x8x129xf32, #tpu.memory_space<vmem>> -> memref<4x8x128xf32, #tpu.memory_space<vmem>>
        tpu.wait_dma2 semaphore(%arg13 : memref<!tpu.dma_semaphore, #tpu.memory_space<semaphore_mem>>) src(%dma_wait3A_572 : memref<4x8x128xf32, #tpu.memory_space<vmem>>) dst(%dma_wait3A_568 : memref<4x8x128xf32, #tpu.memory_space<hbm>>)
        %parallel_loop3A_573 = arith.constant 0 : i32
        %parallel_loop3A_574 = arith.constant 128 : i32
        %parallel_loop3A_575 = arith.constant 1 : i32
        scf.for %parallel_loop3A_597 = %parallel_loop3A_573 to %parallel_loop3A_574 step %parallel_loop3A_575  : i32 {
          %parallel_loop3A_598 = arith.constant 128 : i32
          %parallel_loop3A_599 = arith.muli %add3A_552, %parallel_loop3A_598 : i32
          %parallel_loop3A_600 = arith.addi %parallel_loop3A_599, %parallel_loop3A_597 : i32
          %parallel_loop3A_601 = arith.index_cast %parallel_loop3A_600 : i32 to index
          %parallel_loop3A_602 = arith.constant 0 : index
          %parallel_loop3A_603 = tpu.vector_load %arg8[%parallel_loop3A_601, %parallel_loop3A_602] {strides = array<i32>} : memref<1024x32xf32, #tpu.memory_space<vmem>>, vector<16xf32>,
          %parallel_loop3A_604 = arith.index_cast %parallel_loop3A_600 : i32 to index
          %parallel_loop3A_605 = arith.constant 16 : index
          %parallel_loop3A_606 = tpu.vector_load %arg8[%parallel_loop3A_604, %parallel_loop3A_605] {strides = array<i32>} : memref<1024x32xf32, #tpu.memory_space<vmem>>, vector<16xf32>,
          %parallel_loop3A_607 = vector.broadcast %parallel_loop3A_597 : i32 to vector<16xi32>
          tpu.vector_store_idx %arg10[%shift_right_arithmetic3A_420, %and3A_426, %parallel_loop3A_607], %parallel_loop3A_603 : memref<4x8x129xf32, #tpu.memory_space<vmem>>[vector<16xi32>, vector<16xi32>, vector<16xi32>], vector<16xf32>,
          tpu.vector_store_idx %arg10[%add3A_423, %and3A_426, %parallel_loop3A_607], %parallel_loop3A_606 : memref<4x8x129xf32, #tpu.memory_space<vmem>>[vector<16xi32>, vector<16xi32>, vector<16xi32>], vector<16xf32>,
        } {sc.loop_unroll_factor = 4 : i64, sc.parallel_access}
        %mul3A_576 = arith.constant 8 : i32
        %mul3A_577 = arith.muli %select_n3A_400, %mul3A_576 : i32
        %add3A_578 = arith.addi %mul3A_577, %add3A_552 : i32
        %dma_start3A_579 = arith.constant 0 : i32
        %dma_start3A_580 = arith.constant 0 : i32
        %dma_start3A_581 = arith.constant 0 : i32
        %dma_start3A_582 = tpu.memref_slice %arg10[%dma_start3A_579, %dma_start3A_580, %dma_start3A_581] : memref<4x8x129xf32, #tpu.memory_space<vmem>> -> memref<4x8x128xf32, #tpu.memory_space<vmem>>
        %dma_start3A_583 = arith.constant 0 : i32
        %dma_start3A_584 = arith.constant 0 : i32
        %dma_start3A_585 = arith.constant 0 : i32
        %dma_start3A_586 = tpu.memref_slice %arg4[%add3A_578, %dma_start3A_583, %select_n3A_417, %dma_start3A_584, %dma_start3A_585] : memref<200x4x32x8x128xf32, #tpu.memory_space<hbm>> -> memref<1x4x1x8x128xf32, #tpu.memory_space<hbm>>
        %dma_start3A_587 = tpu.memref_squeeze %dma_start3A_586 : memref<1x4x1x8x128xf32, #tpu.memory_space<hbm>> -> memref<4x8x128xf32, #tpu.memory_space<hbm>>
        %dma_start3A_588 = arith.constant 0 : i32
        %dma_start3A_589 = arith.constant 0 : i32
        %dma_start3A_590 = arith.constant 0 : i32
        %dma_start3A_591 = tpu.memref_slice %arg4[%add3A_578, %dma_start3A_588, %select_n3A_417, %dma_start3A_589, %dma_start3A_590] : memref<200x4x32x8x128xf32, #tpu.memory_space<hbm>> -> memref<1x4x1x8x128xf32, #tpu.memory_space<hbm>>
        %dma_start3A_592 = tpu.memref_squeeze %dma_start3A_591 : memref<1x4x1x8x128xf32, #tpu.memory_space<hbm>> -> memref<4x8x128xf32, #tpu.memory_space<hbm>>
        %dma_start3A_593 = arith.constant 0 : i32
        %dma_start3A_594 = arith.constant 0 : i32
        %dma_start3A_595 = arith.constant 0 : i32
        %dma_start3A_596 = tpu.memref_slice %arg10[%dma_start3A_593, %dma_start3A_594, %dma_start3A_595] : memref<4x8x129xf32, #tpu.memory_space<vmem>> -> memref<4x8x128xf32, #tpu.memory_space<vmem>>
        tpu.enqueue_dma source(%dma_start3A_596 : memref<4x8x128xf32, #tpu.memory_space<vmem>>) target(%dma_start3A_592 : memref<4x8x128xf32, #tpu.memory_space<hbm>>) target_semaphore(%arg13 : memref<!tpu.dma_semaphore, #tpu.memory_space<semaphore_mem>>)
      }
      %scan3A_431 = arith.constant 4 : i32
      %add3A_432 = arith.constant 1 : i32
      %add3A_433 = arith.addi %add3A_362, %add3A_432 : i32
      %add3A_434 = arith.constant 1 : i32
      %add3A_435 = arith.addi %add3A_433, %add3A_434 : i32
      %add3A_436 = arith.addi %mul3A_2, %add3A_435 : i32
      %mul3A_437 = arith.constant 1024 : i32
      %mul3A_438 = arith.muli %add3A_436, %mul3A_437 : i32
      "tpu.region"() ({
        %run_scoped3A = tpu.sem_alloc : memref<!tpu.dma_semaphore, #tpu.memory_space<semaphore_mem>>
        %dma_start3A_501 = tpu.memref_slice %arg2[%mul3A_438] : memref<819200xi32, #tpu.memory_space<hbm>> -> memref<1024xi32, #tpu.memory_space<hbm>>
        %dma_start3A_502 = tpu.memref_slice %arg2[%mul3A_438] : memref<819200xi32, #tpu.memory_space<hbm>> -> memref<1024xi32, #tpu.memory_space<hbm>>
        tpu.enqueue_dma source(%dma_start3A_502 : memref<1024xi32, #tpu.memory_space<hbm>>) target(%arg6 : memref<1024xi32, #tpu.memory_space<vmem>>) target_semaphore(%run_scoped3A : memref<!tpu.dma_semaphore, #tpu.memory_space<semaphore_mem>>)
        %dma_wait3A_503 = tpu.memref_slice %arg2[%mul3A_438] : memref<819200xi32, #tpu.memory_space<hbm>> -> memref<1024xi32, #tpu.memory_space<hbm>>
        %dma_wait3A_504 = tpu.memref_slice %arg2[%mul3A_438] : memref<819200xi32, #tpu.memory_space<hbm>> -> memref<1024xi32, #tpu.memory_space<hbm>>
        tpu.wait_dma2 semaphore(%run_scoped3A : memref<!tpu.dma_semaphore, #tpu.memory_space<semaphore_mem>>) src(%dma_wait3A_504 : memref<1024xi32, #tpu.memory_space<hbm>>) dst(%arg6 : memref<1024xi32, #tpu.memory_space<vmem>>)
        tpu.yield
      }) : () -> ()
      %dma_start3A_439 = arith.constant 0 : i32
      %dma_start3A_440 = arith.constant 0 : i32
      %dma_start3A_441 = tpu.memref_slice %arg3[%dma_start3A_439, %dma_start3A_440] : memref<1000000x32xf32, #tpu.memory_space<hbm>> -> memref<1000000x32xf32, #tpu.memory_space<hbm>>
      tpu.enqueue_indirect_dma source(%dma_start3A_441 : memref<1000000x32xf32, #tpu.memory_space<hbm>>) target(%arg8 : memref<1024x32xf32, #tpu.memory_space<vmem>>) offsets(%arg6 : memref<1024xi32, #tpu.memory_space<vmem>>) semaphore(%arg12 : memref<!tpu.dma_semaphore, #tpu.memory_space<semaphore_mem>>)
      %dma_wait3A_442 = arith.constant 0 : i32
      %dma_wait3A_443 = arith.constant 0 : i32
      %dma_wait3A_444 = tpu.memref_slice %arg3[%dma_wait3A_442, %dma_wait3A_443] : memref<1000000x32xf32, #tpu.memory_space<hbm>> -> memref<1000000x32xf32, #tpu.memory_space<hbm>>
      tpu.wait_indirect_dma semaphore(%arg11 : memref<!tpu.dma_semaphore, #tpu.memory_space<semaphore_mem>>) src(%dma_wait3A_444 : memref<1000000x32xf32, #tpu.memory_space<hbm>>) dst(%arg7 : memref<1024x32xf32, #tpu.memory_space<vmem>>)
      %add3A_445 = arith.addi %mul3A_2, %add3A_433 : i32
      %jit3A_446 = arith.constant 32 : i32
      %div3A_447 = arith.divsi %add3A_445, %jit3A_446 : i32
      %sign3A_448 = arith.constant 0 : i32
      %sign3A_449 = arith.cmpi sgt, %add3A_445, %sign3A_448 : i32
      %sign3A_450 = arith.extui %sign3A_449 : i1 to i32
      %sign3A_451 = arith.constant 0 : i32
      %sign3A_452 = arith.cmpi slt, %add3A_445, %sign3A_451 : i32
      %sign3A_453 = arith.extui %sign3A_452 : i1 to i32
      %sign3A_454 = arith.subi %sign3A_450, %sign3A_453 : i32
      %sign3A_455 = arith.constant 0 : i32
      %sign3A_456 = arith.cmpi sgt, %jit3A_446, %sign3A_455 : i32
      %sign3A_457 = arith.extui %sign3A_456 : i1 to i32
      %sign3A_458 = arith.constant 0 : i32
      %sign3A_459 = arith.cmpi slt, %jit3A_446, %sign3A_458 : i32
      %sign3A_460 = arith.extui %sign3A_459 : i1 to i32
      %sign3A_461 = arith.subi %sign3A_457, %sign3A_460 : i32
      %ne3A_462 = arith.cmpi ne, %sign3A_454, %sign3A_461 : i32
      %rem3A_463 = arith.remsi %add3A_445, %jit3A_446 : i32
      %ne3A_464 = arith.constant 0 : i32
      %ne3A_465 = arith.cmpi ne, %rem3A_463, %ne3A_464 : i32
      %and3A_466 = arith.andi %ne3A_462, %ne3A_465 : i1
      %sub3A_467 = arith.constant 1 : i32
      %sub3A_468 = arith.subi %div3A_447, %sub3A_467 : i32
      %select_n3A_469 = arith.select %and3A_466, %sub3A_468, %div3A_447 : i32
      %add3A_470 = arith.addi %mul3A_2, %add3A_433 : i32
      %jit3A_471 = arith.constant 32 : i32
      %eq3A_472 = arith.constant 0 : i32
      %eq3A_473 = arith.cmpi eq, %jit3A_471, %eq3A_472 : i32
      %jit3A_474 = arith.constant 1 : i32
      %select_n3A_475 = arith.select %eq3A_473, %jit3A_474, %jit3A_471 : i32
      %rem3A_476 = arith.remsi %add3A_470, %select_n3A_475 : i32
      %ne3A_477 = arith.constant 0 : i32
      %ne3A_478 = arith.cmpi ne, %rem3A_476, %ne3A_477 : i32
      %lt3A_479 = arith.constant 0 : i32
      %lt3A_480 = arith.cmpi slt, %rem3A_476, %lt3A_479 : i32
      %lt3A_481 = arith.constant 0 : i32
      %lt3A_482 = arith.cmpi slt, %select_n3A_475, %lt3A_481 : i32
      %ne3A_483 = arith.xori %lt3A_480, %lt3A_482 : i1
      %and3A_484 = arith.andi %ne3A_483, %ne3A_478 : i1
      %add3A_485 = arith.addi %rem3A_476, %select_n3A_475 : i32
      %select_n3A_486 = arith.select %and3A_484, %add3A_485, %rem3A_476 : i32
      %shift_right_arithmetic3A_487 = arith.constant 3 : i32
      %shift_right_arithmetic3A_488 = vector.broadcast %shift_right_arithmetic3A_487 : i32 to vector<16xi32>
      %shift_right_arithmetic3A_489 = arith.shrsi %iota3A, %shift_right_arithmetic3A_488 : vector<16xi32>
      %add3A_490 = arith.constant 2 : i32
      %add3A_491 = vector.broadcast %add3A_490 : i32 to vector<16xi32>
      %add3A_492 = arith.addi %shift_right_arithmetic3A_489, %add3A_491 : vector<16xi32>
      %and3A_493 = arith.constant 7 : i32
      %and3A_494 = vector.broadcast %and3A_493 : i32 to vector<16xi32>
      %and3A_495 = arith.andi %iota3A, %and3A_494 : vector<16xi32>
      %scan3A_496 = arith.constant 0 : i32
      %scan3A_497 = arith.constant 4 : i32
      %scan3A_498 = arith.addi %scan3A_496, %scan3A_497 : i32
      %scan3A_499 = arith.constant 1 : i32
      scf.for %scan3A_501 = %scan3A_496 to %scan3A_498 step %scan3A_499  : i32 {
        %mul3A_502 = arith.constant 2 : i32
        %mul3A_503 = arith.muli %scan3A_501, %mul3A_502 : i32
        %add3A_504 = arith.constant 0 : i32
        %add3A_505 = arith.addi %add3A_504, %mul3A_503 : i32
        %add3A_506 = arith.constant 0 : i32
        %add3A_507 = arith.addi %add3A_505, %add3A_506 : i32
        %dma_wait3A_508 = arith.constant 0 : i32
        %dma_wait3A_509 = arith.constant 0 : i32
        %dma_wait3A_510 = arith.constant 0 : i32
        %dma_wait3A_511 = arith.constant 0 : i32
        %dma_wait3A_512 = arith.constant 0 : i32
        %dma_wait3A_513 = tpu.memref_slice %arg9[%dma_wait3A_510, %dma_wait3A_511, %dma_wait3A_512] : memref<4x8x129xf32, #tpu.memory_space<vmem>> -> memref<4x8x128xf32, #tpu.memory_space<vmem>>
        %dma_wait3A_514 = arith.constant 0 : i32
        %dma_wait3A_515 = arith.constant 0 : i32
        %dma_wait3A_516 = arith.constant 0 : i32
        %dma_wait3A_517 = tpu.memref_slice %arg4[%dma_wait3A_508, %dma_wait3A_514, %dma_wait3A_509, %dma_wait3A_515, %dma_wait3A_516] : memref<200x4x32x8x128xf32, #tpu.memory_space<hbm>> -> memref<1x4x1x8x128xf32, #tpu.memory_space<hbm>>
        %dma_wait3A_518 = tpu.memref_squeeze %dma_wait3A_517 : memref<1x4x1x8x128xf32, #tpu.memory_space<hbm>> -> memref<4x8x128xf32, #tpu.memory_space<hbm>>
        %dma_wait3A_519 = arith.constant 0 : i32
        %dma_wait3A_520 = arith.constant 0 : i32
        %dma_wait3A_521 = arith.constant 0 : i32
        %dma_wait3A_522 = tpu.memref_slice %arg4[%dma_wait3A_508, %dma_wait3A_519, %dma_wait3A_509, %dma_wait3A_520, %dma_wait3A_521] : memref<200x4x32x8x128xf32, #tpu.memory_space<hbm>> -> memref<1x4x1x8x128xf32, #tpu.memory_space<hbm>>
        %dma_wait3A_523 = tpu.memref_squeeze %dma_wait3A_522 : memref<1x4x1x8x128xf32, #tpu.memory_space<hbm>> -> memref<4x8x128xf32, #tpu.memory_space<hbm>>
        %dma_wait3A_524 = arith.constant 0 : i32
        %dma_wait3A_525 = arith.constant 0 : i32
        %dma_wait3A_526 = arith.constant 0 : i32
        %dma_wait3A_527 = tpu.memref_slice %arg9[%dma_wait3A_524, %dma_wait3A_525, %dma_wait3A_526] : memref<4x8x129xf32, #tpu.memory_space<vmem>> -> memref<4x8x128xf32, #tpu.memory_space<vmem>>
        tpu.wait_dma2 semaphore(%arg13 : memref<!tpu.dma_semaphore, #tpu.memory_space<semaphore_mem>>) src(%dma_wait3A_527 : memref<4x8x128xf32, #tpu.memory_space<vmem>>) dst(%dma_wait3A_523 : memref<4x8x128xf32, #tpu.memory_space<hbm>>)
        %parallel_loop3A = arith.constant 0 : i32
        %parallel_loop3A_528 = arith.constant 128 : i32
        %parallel_loop3A_529 = arith.constant 1 : i32
        scf.for %parallel_loop3A_597 = %parallel_loop3A to %parallel_loop3A_528 step %parallel_loop3A_529  : i32 {
          %parallel_loop3A_598 = arith.constant 128 : i32
          %parallel_loop3A_599 = arith.muli %add3A_507, %parallel_loop3A_598 : i32
          %parallel_loop3A_600 = arith.addi %parallel_loop3A_599, %parallel_loop3A_597 : i32
          %parallel_loop3A_601 = arith.index_cast %parallel_loop3A_600 : i32 to index
          %parallel_loop3A_602 = arith.constant 0 : index
          %parallel_loop3A_603 = tpu.vector_load %arg7[%parallel_loop3A_601, %parallel_loop3A_602] {strides = array<i32>} : memref<1024x32xf32, #tpu.memory_space<vmem>>, vector<16xf32>,
          %parallel_loop3A_604 = arith.index_cast %parallel_loop3A_600 : i32 to index
          %parallel_loop3A_605 = arith.constant 16 : index
          %parallel_loop3A_606 = tpu.vector_load %arg7[%parallel_loop3A_604, %parallel_loop3A_605] {strides = array<i32>} : memref<1024x32xf32, #tpu.memory_space<vmem>>, vector<16xf32>,
          %parallel_loop3A_607 = vector.broadcast %parallel_loop3A_597 : i32 to vector<16xi32>
          tpu.vector_store_idx %arg9[%shift_right_arithmetic3A_489, %and3A_495, %parallel_loop3A_607], %parallel_loop3A_603 : memref<4x8x129xf32, #tpu.memory_space<vmem>>[vector<16xi32>, vector<16xi32>, vector<16xi32>], vector<16xf32>,
          tpu.vector_store_idx %arg9[%add3A_492, %and3A_495, %parallel_loop3A_607], %parallel_loop3A_606 : memref<4x8x129xf32, #tpu.memory_space<vmem>>[vector<16xi32>, vector<16xi32>, vector<16xi32>], vector<16xf32>,
        } {sc.loop_unroll_factor = 4 : i64, sc.parallel_access}
        %mul3A_530 = arith.constant 8 : i32
        %mul3A_531 = arith.muli %select_n3A_469, %mul3A_530 : i32
        %add3A_532 = arith.addi %mul3A_531, %add3A_507 : i32
        %dma_start3A_533 = arith.constant 0 : i32
        %dma_start3A_534 = arith.constant 0 : i32
        %dma_start3A_535 = arith.constant 0 : i32
        %dma_start3A_536 = tpu.memref_slice %arg9[%dma_start3A_533, %dma_start3A_534, %dma_start3A_535] : memref<4x8x129xf32, #tpu.memory_space<vmem>> -> memref<4x8x128xf32, #tpu.memory_space<vmem>>
        %dma_start3A_537 = arith.constant 0 : i32
        %dma_start3A_538 = arith.constant 0 : i32
        %dma_start3A_539 = arith.constant 0 : i32
        %dma_start3A_540 = tpu.memref_slice %arg4[%add3A_532, %dma_start3A_537, %select_n3A_486, %dma_start3A_538, %dma_start3A_539] : memref<200x4x32x8x128xf32, #tpu.memory_space<hbm>> -> memref<1x4x1x8x128xf32, #tpu.memory_space<hbm>>
        %dma_start3A_541 = tpu.memref_squeeze %dma_start3A_540 : memref<1x4x1x8x128xf32, #tpu.memory_space<hbm>> -> memref<4x8x128xf32, #tpu.memory_space<hbm>>
        %dma_start3A_542 = arith.constant 0 : i32
        %dma_start3A_543 = arith.constant 0 : i32
        %dma_start3A_544 = arith.constant 0 : i32
        %dma_start3A_545 = tpu.memref_slice %arg4[%add3A_532, %dma_start3A_542, %select_n3A_486, %dma_start3A_543, %dma_start3A_544] : memref<200x4x32x8x128xf32, #tpu.memory_space<hbm>> -> memref<1x4x1x8x128xf32, #tpu.memory_space<hbm>>
        %dma_start3A_546 = tpu.memref_squeeze %dma_start3A_545 : memref<1x4x1x8x128xf32, #tpu.memory_space<hbm>> -> memref<4x8x128xf32, #tpu.memory_space<hbm>>
        %dma_start3A_547 = arith.constant 0 : i32
        %dma_start3A_548 = arith.constant 0 : i32
        %dma_start3A_549 = arith.constant 0 : i32
        %dma_start3A_550 = tpu.memref_slice %arg9[%dma_start3A_547, %dma_start3A_548, %dma_start3A_549] : memref<4x8x129xf32, #tpu.memory_space<vmem>> -> memref<4x8x128xf32, #tpu.memory_space<vmem>>
        tpu.enqueue_dma source(%dma_start3A_550 : memref<4x8x128xf32, #tpu.memory_space<vmem>>) target(%dma_start3A_546 : memref<4x8x128xf32, #tpu.memory_space<hbm>>) target_semaphore(%arg13 : memref<!tpu.dma_semaphore, #tpu.memory_space<semaphore_mem>>)
        %add3A_551 = arith.constant 1 : i32
        %add3A_552 = arith.addi %add3A_505, %add3A_551 : i32
        %dma_wait3A_553 = arith.constant 0 : i32
        %dma_wait3A_554 = arith.constant 0 : i32
        %dma_wait3A_555 = arith.constant 0 : i32
        %dma_wait3A_556 = arith.constant 0 : i32
        %dma_wait3A_557 = arith.constant 0 : i32
        %dma_wait3A_558 = tpu.memref_slice %arg10[%dma_wait3A_555, %dma_wait3A_556, %dma_wait3A_557] : memref<4x8x129xf32, #tpu.memory_space<vmem>> -> memref<4x8x128xf32, #tpu.memory_space<vmem>>
        %dma_wait3A_559 = arith.constant 0 : i32
        %dma_wait3A_560 = arith.constant 0 : i32
        %dma_wait3A_561 = arith.constant 0 : i32
        %dma_wait3A_562 = tpu.memref_slice %arg4[%dma_wait3A_553, %dma_wait3A_559, %dma_wait3A_554, %dma_wait3A_560, %dma_wait3A_561] : memref<200x4x32x8x128xf32, #tpu.memory_space<hbm>> -> memref<1x4x1x8x128xf32, #tpu.memory_space<hbm>>
        %dma_wait3A_563 = tpu.memref_squeeze %dma_wait3A_562 : memref<1x4x1x8x128xf32, #tpu.memory_space<hbm>> -> memref<4x8x128xf32, #tpu.memory_space<hbm>>
        %dma_wait3A_564 = arith.constant 0 : i32
        %dma_wait3A_565 = arith.constant 0 : i32
        %dma_wait3A_566 = arith.constant 0 : i32
        %dma_wait3A_567 = tpu.memref_slice %arg4[%dma_wait3A_553, %dma_wait3A_564, %dma_wait3A_554, %dma_wait3A_565, %dma_wait3A_566] : memref<200x4x32x8x128xf32, #tpu.memory_space<hbm>> -> memref<1x4x1x8x128xf32, #tpu.memory_space<hbm>>
        %dma_wait3A_568 = tpu.memref_squeeze %dma_wait3A_567 : memref<1x4x1x8x128xf32, #tpu.memory_space<hbm>> -> memref<4x8x128xf32, #tpu.memory_space<hbm>>
        %dma_wait3A_569 = arith.constant 0 : i32
        %dma_wait3A_570 = arith.constant 0 : i32
        %dma_wait3A_571 = arith.constant 0 : i32
        %dma_wait3A_572 = tpu.memref_slice %arg10[%dma_wait3A_569, %dma_wait3A_570, %dma_wait3A_571] : memref<4x8x129xf32, #tpu.memory_space<vmem>> -> memref<4x8x128xf32, #tpu.memory_space<vmem>>
        tpu.wait_dma2 semaphore(%arg13 : memref<!tpu.dma_semaphore, #tpu.memory_space<semaphore_mem>>) src(%dma_wait3A_572 : memref<4x8x128xf32, #tpu.memory_space<vmem>>) dst(%dma_wait3A_568 : memref<4x8x128xf32, #tpu.memory_space<hbm>>)
        %parallel_loop3A_573 = arith.constant 0 : i32
        %parallel_loop3A_574 = arith.constant 128 : i32
        %parallel_loop3A_575 = arith.constant 1 : i32
        scf.for %parallel_loop3A_597 = %parallel_loop3A_573 to %parallel_loop3A_574 step %parallel_loop3A_575  : i32 {
          %parallel_loop3A_598 = arith.constant 128 : i32
          %parallel_loop3A_599 = arith.muli %add3A_552, %parallel_loop3A_598 : i32
          %parallel_loop3A_600 = arith.addi %parallel_loop3A_599, %parallel_loop3A_597 : i32
          %parallel_loop3A_601 = arith.index_cast %parallel_loop3A_600 : i32 to index
          %parallel_loop3A_602 = arith.constant 0 : index
          %parallel_loop3A_603 = tpu.vector_load %arg7[%parallel_loop3A_601, %parallel_loop3A_602] {strides = array<i32>} : memref<1024x32xf32, #tpu.memory_space<vmem>>, vector<16xf32>,
          %parallel_loop3A_604 = arith.index_cast %parallel_loop3A_600 : i32 to index
          %parallel_loop3A_605 = arith.constant 16 : index
          %parallel_loop3A_606 = tpu.vector_load %arg7[%parallel_loop3A_604, %parallel_loop3A_605] {strides = array<i32>} : memref<1024x32xf32, #tpu.memory_space<vmem>>, vector<16xf32>,
          %parallel_loop3A_607 = vector.broadcast %parallel_loop3A_597 : i32 to vector<16xi32>
          tpu.vector_store_idx %arg10[%shift_right_arithmetic3A_489, %and3A_495, %parallel_loop3A_607], %parallel_loop3A_603 : memref<4x8x129xf32, #tpu.memory_space<vmem>>[vector<16xi32>, vector<16xi32>, vector<16xi32>], vector<16xf32>,
          tpu.vector_store_idx %arg10[%add3A_492, %and3A_495, %parallel_loop3A_607], %parallel_loop3A_606 : memref<4x8x129xf32, #tpu.memory_space<vmem>>[vector<16xi32>, vector<16xi32>, vector<16xi32>], vector<16xf32>,
        } {sc.loop_unroll_factor = 4 : i64, sc.parallel_access}
        %mul3A_576 = arith.constant 8 : i32
        %mul3A_577 = arith.muli %select_n3A_469, %mul3A_576 : i32
        %add3A_578 = arith.addi %mul3A_577, %add3A_552 : i32
        %dma_start3A_579 = arith.constant 0 : i32
        %dma_start3A_580 = arith.constant 0 : i32
        %dma_start3A_581 = arith.constant 0 : i32
        %dma_start3A_582 = tpu.memref_slice %arg10[%dma_start3A_579, %dma_start3A_580, %dma_start3A_581] : memref<4x8x129xf32, #tpu.memory_space<vmem>> -> memref<4x8x128xf32, #tpu.memory_space<vmem>>
        %dma_start3A_583 = arith.constant 0 : i32
        %dma_start3A_584 = arith.constant 0 : i32
        %dma_start3A_585 = arith.constant 0 : i32
        %dma_start3A_586 = tpu.memref_slice %arg4[%add3A_578, %dma_start3A_583, %select_n3A_486, %dma_start3A_584, %dma_start3A_585] : memref<200x4x32x8x128xf32, #tpu.memory_space<hbm>> -> memref<1x4x1x8x128xf32, #tpu.memory_space<hbm>>
        %dma_start3A_587 = tpu.memref_squeeze %dma_start3A_586 : memref<1x4x1x8x128xf32, #tpu.memory_space<hbm>> -> memref<4x8x128xf32, #tpu.memory_space<hbm>>
        %dma_start3A_588 = arith.constant 0 : i32
        %dma_start3A_589 = arith.constant 0 : i32
        %dma_start3A_590 = arith.constant 0 : i32
        %dma_start3A_591 = tpu.memref_slice %arg4[%add3A_578, %dma_start3A_588, %select_n3A_486, %dma_start3A_589, %dma_start3A_590] : memref<200x4x32x8x128xf32, #tpu.memory_space<hbm>> -> memref<1x4x1x8x128xf32, #tpu.memory_space<hbm>>
        %dma_start3A_592 = tpu.memref_squeeze %dma_start3A_591 : memref<1x4x1x8x128xf32, #tpu.memory_space<hbm>> -> memref<4x8x128xf32, #tpu.memory_space<hbm>>
        %dma_start3A_593 = arith.constant 0 : i32
        %dma_start3A_594 = arith.constant 0 : i32
        %dma_start3A_595 = arith.constant 0 : i32
        %dma_start3A_596 = tpu.memref_slice %arg10[%dma_start3A_593, %dma_start3A_594, %dma_start3A_595] : memref<4x8x129xf32, #tpu.memory_space<vmem>> -> memref<4x8x128xf32, #tpu.memory_space<vmem>>
        tpu.enqueue_dma source(%dma_start3A_596 : memref<4x8x128xf32, #tpu.memory_space<vmem>>) target(%dma_start3A_592 : memref<4x8x128xf32, #tpu.memory_space<hbm>>) target_semaphore(%arg13 : memref<!tpu.dma_semaphore, #tpu.memory_space<semaphore_mem>>)
      }
      %scan3A_500 = arith.constant 4 : i32
    }
    %scan3A_68 = arith.constant 11 : i32
    %add3A_69 = arith.constant 24 : i32
    %add3A_70 = arith.addi %mul3A_2, %add3A_69 : i32
    %mul3A_71 = arith.constant 1024 : i32
    %mul3A_72 = arith.muli %add3A_70, %mul3A_71 : i32
    "tpu.region"() ({
      %run_scoped3A = tpu.sem_alloc : memref<!tpu.dma_semaphore, #tpu.memory_space<semaphore_mem>>
      %dma_start3A_358 = tpu.memref_slice %arg2[%mul3A_72] : memref<819200xi32, #tpu.memory_space<hbm>> -> memref<1024xi32, #tpu.memory_space<hbm>>
      %dma_start3A_359 = tpu.memref_slice %arg2[%mul3A_72] : memref<819200xi32, #tpu.memory_space<hbm>> -> memref<1024xi32, #tpu.memory_space<hbm>>
      tpu.enqueue_dma source(%dma_start3A_359 : memref<1024xi32, #tpu.memory_space<hbm>>) target(%arg5 : memref<1024xi32, #tpu.memory_space<vmem>>) target_semaphore(%run_scoped3A : memref<!tpu.dma_semaphore, #tpu.memory_space<semaphore_mem>>)
      %dma_wait3A_360 = tpu.memref_slice %arg2[%mul3A_72] : memref<819200xi32, #tpu.memory_space<hbm>> -> memref<1024xi32, #tpu.memory_space<hbm>>
      %dma_wait3A_361 = tpu.memref_slice %arg2[%mul3A_72] : memref<819200xi32, #tpu.memory_space<hbm>> -> memref<1024xi32, #tpu.memory_space<hbm>>
      tpu.wait_dma2 semaphore(%run_scoped3A : memref<!tpu.dma_semaphore, #tpu.memory_space<semaphore_mem>>) src(%dma_wait3A_361 : memref<1024xi32, #tpu.memory_space<hbm>>) dst(%arg5 : memref<1024xi32, #tpu.memory_space<vmem>>)
      tpu.yield
    }) : () -> ()
    %dma_start3A_73 = arith.constant 0 : i32
    %dma_start3A_74 = arith.constant 0 : i32
    %dma_start3A_75 = tpu.memref_slice %arg3[%dma_start3A_73, %dma_start3A_74] : memref<1000000x32xf32, #tpu.memory_space<hbm>> -> memref<1000000x32xf32, #tpu.memory_space<hbm>>
    tpu.enqueue_indirect_dma source(%dma_start3A_75 : memref<1000000x32xf32, #tpu.memory_space<hbm>>) target(%arg7 : memref<1024x32xf32, #tpu.memory_space<vmem>>) offsets(%arg5 : memref<1024xi32, #tpu.memory_space<vmem>>) semaphore(%arg11 : memref<!tpu.dma_semaphore, #tpu.memory_space<semaphore_mem>>)
    %dma_wait3A_76 = arith.constant 0 : i32
    %dma_wait3A_77 = arith.constant 0 : i32
    %dma_wait3A_78 = tpu.memref_slice %arg3[%dma_wait3A_76, %dma_wait3A_77] : memref<1000000x32xf32, #tpu.memory_space<hbm>> -> memref<1000000x32xf32, #tpu.memory_space<hbm>>
    tpu.wait_indirect_dma semaphore(%arg12 : memref<!tpu.dma_semaphore, #tpu.memory_space<semaphore_mem>>) src(%dma_wait3A_78 : memref<1000000x32xf32, #tpu.memory_space<hbm>>) dst(%arg8 : memref<1024x32xf32, #tpu.memory_space<vmem>>)
    %add3A_79 = arith.constant 23 : i32
    %add3A_80 = arith.addi %mul3A_2, %add3A_79 : i32
    %jit3A_81 = arith.constant 32 : i32
    %div3A_82 = arith.divsi %add3A_80, %jit3A_81 : i32
    %sign3A_83 = arith.constant 0 : i32
    %sign3A_84 = arith.cmpi sgt, %add3A_80, %sign3A_83 : i32
    %sign3A_85 = arith.extui %sign3A_84 : i1 to i32
    %sign3A_86 = arith.constant 0 : i32
    %sign3A_87 = arith.cmpi slt, %add3A_80, %sign3A_86 : i32
    %sign3A_88 = arith.extui %sign3A_87 : i1 to i32
    %sign3A_89 = arith.subi %sign3A_85, %sign3A_88 : i32
    %sign3A_90 = arith.constant 0 : i32
    %sign3A_91 = arith.cmpi sgt, %jit3A_81, %sign3A_90 : i32
    %sign3A_92 = arith.extui %sign3A_91 : i1 to i32
    %sign3A_93 = arith.constant 0 : i32
    %sign3A_94 = arith.cmpi slt, %jit3A_81, %sign3A_93 : i32
    %sign3A_95 = arith.extui %sign3A_94 : i1 to i32
    %sign3A_96 = arith.subi %sign3A_92, %sign3A_95 : i32
    %ne3A_97 = arith.cmpi ne, %sign3A_89, %sign3A_96 : i32
    %rem3A_98 = arith.remsi %add3A_80, %jit3A_81 : i32
    %ne3A_99 = arith.constant 0 : i32
    %ne3A_100 = arith.cmpi ne, %rem3A_98, %ne3A_99 : i32
    %and3A_101 = arith.andi %ne3A_97, %ne3A_100 : i1
    %sub3A_102 = arith.constant 1 : i32
    %sub3A_103 = arith.subi %div3A_82, %sub3A_102 : i32
    %select_n3A_104 = arith.select %and3A_101, %sub3A_103, %div3A_82 : i32
    %add3A_105 = arith.constant 23 : i32
    %add3A_106 = arith.addi %mul3A_2, %add3A_105 : i32
    %jit3A_107 = arith.constant 32 : i32
    %eq3A_108 = arith.constant 0 : i32
    %eq3A_109 = arith.cmpi eq, %jit3A_107, %eq3A_108 : i32
    %jit3A_110 = arith.constant 1 : i32
    %select_n3A_111 = arith.select %eq3A_109, %jit3A_110, %jit3A_107 : i32
    %rem3A_112 = arith.remsi %add3A_106, %select_n3A_111 : i32
    %ne3A_113 = arith.constant 0 : i32
    %ne3A_114 = arith.cmpi ne, %rem3A_112, %ne3A_113 : i32
    %lt3A_115 = arith.constant 0 : i32
    %lt3A_116 = arith.cmpi slt, %rem3A_112, %lt3A_115 : i32
    %lt3A_117 = arith.constant 0 : i32
    %lt3A_118 = arith.cmpi slt, %select_n3A_111, %lt3A_117 : i32
    %ne3A_119 = arith.xori %lt3A_116, %lt3A_118 : i1
    %and3A_120 = arith.andi %ne3A_119, %ne3A_114 : i1
    %add3A_121 = arith.addi %rem3A_112, %select_n3A_111 : i32
    %select_n3A_122 = arith.select %and3A_120, %add3A_121, %rem3A_112 : i32
    %shift_right_arithmetic3A_123 = arith.constant 3 : i32
    %shift_right_arithmetic3A_124 = vector.broadcast %shift_right_arithmetic3A_123 : i32 to vector<16xi32>
    %shift_right_arithmetic3A_125 = arith.shrsi %iota3A, %shift_right_arithmetic3A_124 : vector<16xi32>
    %add3A_126 = arith.constant 2 : i32
    %add3A_127 = vector.broadcast %add3A_126 : i32 to vector<16xi32>
    %add3A_128 = arith.addi %shift_right_arithmetic3A_125, %add3A_127 : vector<16xi32>
    %and3A_129 = arith.constant 7 : i32
    %and3A_130 = vector.broadcast %and3A_129 : i32 to vector<16xi32>
    %and3A_131 = arith.andi %iota3A, %and3A_130 : vector<16xi32>
    %scan3A_132 = arith.constant 0 : i32
    %scan3A_133 = arith.constant 4 : i32
    %scan3A_134 = arith.addi %scan3A_132, %scan3A_133 : i32
    %scan3A_135 = arith.constant 1 : i32
    scf.for %scan3A_358 = %scan3A_132 to %scan3A_134 step %scan3A_135  : i32 {
      %mul3A_359 = arith.constant 2 : i32
      %mul3A_360 = arith.muli %scan3A_358, %mul3A_359 : i32
      %add3A_361 = arith.constant 0 : i32
      %add3A_362 = arith.addi %add3A_361, %mul3A_360 : i32
      %add3A_363 = arith.constant 0 : i32
      %add3A_364 = arith.addi %add3A_362, %add3A_363 : i32
      %dma_wait3A_365 = arith.constant 0 : i32
      %dma_wait3A_366 = arith.constant 0 : i32
      %dma_wait3A_367 = arith.constant 0 : i32
      %dma_wait3A_368 = arith.constant 0 : i32
      %dma_wait3A_369 = arith.constant 0 : i32
      %dma_wait3A_370 = tpu.memref_slice %arg9[%dma_wait3A_367, %dma_wait3A_368, %dma_wait3A_369] : memref<4x8x129xf32, #tpu.memory_space<vmem>> -> memref<4x8x128xf32, #tpu.memory_space<vmem>>
      %dma_wait3A_371 = arith.constant 0 : i32
      %dma_wait3A_372 = arith.constant 0 : i32
      %dma_wait3A_373 = arith.constant 0 : i32
      %dma_wait3A_374 = tpu.memref_slice %arg4[%dma_wait3A_365, %dma_wait3A_371, %dma_wait3A_366, %dma_wait3A_372, %dma_wait3A_373] : memref<200x4x32x8x128xf32, #tpu.memory_space<hbm>> -> memref<1x4x1x8x128xf32, #tpu.memory_space<hbm>>
      %dma_wait3A_375 = tpu.memref_squeeze %dma_wait3A_374 : memref<1x4x1x8x128xf32, #tpu.memory_space<hbm>> -> memref<4x8x128xf32, #tpu.memory_space<hbm>>
      %dma_wait3A_376 = arith.constant 0 : i32
      %dma_wait3A_377 = arith.constant 0 : i32
      %dma_wait3A_378 = arith.constant 0 : i32
      %dma_wait3A_379 = tpu.memref_slice %arg4[%dma_wait3A_365, %dma_wait3A_376, %dma_wait3A_366, %dma_wait3A_377, %dma_wait3A_378] : memref<200x4x32x8x128xf32, #tpu.memory_space<hbm>> -> memref<1x4x1x8x128xf32, #tpu.memory_space<hbm>>
      %dma_wait3A_380 = tpu.memref_squeeze %dma_wait3A_379 : memref<1x4x1x8x128xf32, #tpu.memory_space<hbm>> -> memref<4x8x128xf32, #tpu.memory_space<hbm>>
      %dma_wait3A_381 = arith.constant 0 : i32
      %dma_wait3A_382 = arith.constant 0 : i32
      %dma_wait3A_383 = arith.constant 0 : i32
      %dma_wait3A_384 = tpu.memref_slice %arg9[%dma_wait3A_381, %dma_wait3A_382, %dma_wait3A_383] : memref<4x8x129xf32, #tpu.memory_space<vmem>> -> memref<4x8x128xf32, #tpu.memory_space<vmem>>
      tpu.wait_dma2 semaphore(%arg13 : memref<!tpu.dma_semaphore, #tpu.memory_space<semaphore_mem>>) src(%dma_wait3A_384 : memref<4x8x128xf32, #tpu.memory_space<vmem>>) dst(%dma_wait3A_380 : memref<4x8x128xf32, #tpu.memory_space<hbm>>)
      %parallel_loop3A = arith.constant 0 : i32
      %parallel_loop3A_385 = arith.constant 128 : i32
      %parallel_loop3A_386 = arith.constant 1 : i32
      scf.for %parallel_loop3A_454 = %parallel_loop3A to %parallel_loop3A_385 step %parallel_loop3A_386  : i32 {
        %parallel_loop3A_455 = arith.constant 128 : i32
        %parallel_loop3A_456 = arith.muli %add3A_364, %parallel_loop3A_455 : i32
        %parallel_loop3A_457 = arith.addi %parallel_loop3A_456, %parallel_loop3A_454 : i32
        %parallel_loop3A_458 = arith.index_cast %parallel_loop3A_457 : i32 to index
        %parallel_loop3A_459 = arith.constant 0 : index
        %parallel_loop3A_460 = tpu.vector_load %arg8[%parallel_loop3A_458, %parallel_loop3A_459] {strides = array<i32>} : memref<1024x32xf32, #tpu.memory_space<vmem>>, vector<16xf32>,
        %parallel_loop3A_461 = arith.index_cast %parallel_loop3A_457 : i32 to index
        %parallel_loop3A_462 = arith.constant 16 : index
        %parallel_loop3A_463 = tpu.vector_load %arg8[%parallel_loop3A_461, %parallel_loop3A_462] {strides = array<i32>} : memref<1024x32xf32, #tpu.memory_space<vmem>>, vector<16xf32>,
        %parallel_loop3A_464 = vector.broadcast %parallel_loop3A_454 : i32 to vector<16xi32>
        tpu.vector_store_idx %arg9[%shift_right_arithmetic3A_125, %and3A_131, %parallel_loop3A_464], %parallel_loop3A_460 : memref<4x8x129xf32, #tpu.memory_space<vmem>>[vector<16xi32>, vector<16xi32>, vector<16xi32>], vector<16xf32>,
        tpu.vector_store_idx %arg9[%add3A_128, %and3A_131, %parallel_loop3A_464], %parallel_loop3A_463 : memref<4x8x129xf32, #tpu.memory_space<vmem>>[vector<16xi32>, vector<16xi32>, vector<16xi32>], vector<16xf32>,
      } {sc.loop_unroll_factor = 4 : i64, sc.parallel_access}
      %mul3A_387 = arith.constant 8 : i32
      %mul3A_388 = arith.muli %select_n3A_104, %mul3A_387 : i32
      %add3A_389 = arith.addi %mul3A_388, %add3A_364 : i32
      %dma_start3A_390 = arith.constant 0 : i32
      %dma_start3A_391 = arith.constant 0 : i32
      %dma_start3A_392 = arith.constant 0 : i32
      %dma_start3A_393 = tpu.memref_slice %arg9[%dma_start3A_390, %dma_start3A_391, %dma_start3A_392] : memref<4x8x129xf32, #tpu.memory_space<vmem>> -> memref<4x8x128xf32, #tpu.memory_space<vmem>>
      %dma_start3A_394 = arith.constant 0 : i32
      %dma_start3A_395 = arith.constant 0 : i32
      %dma_start3A_396 = arith.constant 0 : i32
      %dma_start3A_397 = tpu.memref_slice %arg4[%add3A_389, %dma_start3A_394, %select_n3A_122, %dma_start3A_395, %dma_start3A_396] : memref<200x4x32x8x128xf32, #tpu.memory_space<hbm>> -> memref<1x4x1x8x128xf32, #tpu.memory_space<hbm>>
      %dma_start3A_398 = tpu.memref_squeeze %dma_start3A_397 : memref<1x4x1x8x128xf32, #tpu.memory_space<hbm>> -> memref<4x8x128xf32, #tpu.memory_space<hbm>>
      %dma_start3A_399 = arith.constant 0 : i32
      %dma_start3A_400 = arith.constant 0 : i32
      %dma_start3A_401 = arith.constant 0 : i32
      %dma_start3A_402 = tpu.memref_slice %arg4[%add3A_389, %dma_start3A_399, %select_n3A_122, %dma_start3A_400, %dma_start3A_401] : memref<200x4x32x8x128xf32, #tpu.memory_space<hbm>> -> memref<1x4x1x8x128xf32, #tpu.memory_space<hbm>>
      %dma_start3A_403 = tpu.memref_squeeze %dma_start3A_402 : memref<1x4x1x8x128xf32, #tpu.memory_space<hbm>> -> memref<4x8x128xf32, #tpu.memory_space<hbm>>
      %dma_start3A_404 = arith.constant 0 : i32
      %dma_start3A_405 = arith.constant 0 : i32
      %dma_start3A_406 = arith.constant 0 : i32
      %dma_start3A_407 = tpu.memref_slice %arg9[%dma_start3A_404, %dma_start3A_405, %dma_start3A_406] : memref<4x8x129xf32, #tpu.memory_space<vmem>> -> memref<4x8x128xf32, #tpu.memory_space<vmem>>
      tpu.enqueue_dma source(%dma_start3A_407 : memref<4x8x128xf32, #tpu.memory_space<vmem>>) target(%dma_start3A_403 : memref<4x8x128xf32, #tpu.memory_space<hbm>>) target_semaphore(%arg13 : memref<!tpu.dma_semaphore, #tpu.memory_space<semaphore_mem>>)
      %add3A_408 = arith.constant 1 : i32
      %add3A_409 = arith.addi %add3A_362, %add3A_408 : i32
      %dma_wait3A_410 = arith.constant 0 : i32
      %dma_wait3A_411 = arith.constant 0 : i32
      %dma_wait3A_412 = arith.constant 0 : i32
      %dma_wait3A_413 = arith.constant 0 : i32
      %dma_wait3A_414 = arith.constant 0 : i32
      %dma_wait3A_415 = tpu.memref_slice %arg10[%dma_wait3A_412, %dma_wait3A_413, %dma_wait3A_414] : memref<4x8x129xf32, #tpu.memory_space<vmem>> -> memref<4x8x128xf32, #tpu.memory_space<vmem>>
      %dma_wait3A_416 = arith.constant 0 : i32
      %dma_wait3A_417 = arith.constant 0 : i32
      %dma_wait3A_418 = arith.constant 0 : i32
      %dma_wait3A_419 = tpu.memref_slice %arg4[%dma_wait3A_410, %dma_wait3A_416, %dma_wait3A_411, %dma_wait3A_417, %dma_wait3A_418] : memref<200x4x32x8x128xf32, #tpu.memory_space<hbm>> -> memref<1x4x1x8x128xf32, #tpu.memory_space<hbm>>
      %dma_wait3A_420 = tpu.memref_squeeze %dma_wait3A_419 : memref<1x4x1x8x128xf32, #tpu.memory_space<hbm>> -> memref<4x8x128xf32, #tpu.memory_space<hbm>>
      %dma_wait3A_421 = arith.constant 0 : i32
      %dma_wait3A_422 = arith.constant 0 : i32
      %dma_wait3A_423 = arith.constant 0 : i32
      %dma_wait3A_424 = tpu.memref_slice %arg4[%dma_wait3A_410, %dma_wait3A_421, %dma_wait3A_411, %dma_wait3A_422, %dma_wait3A_423] : memref<200x4x32x8x128xf32, #tpu.memory_space<hbm>> -> memref<1x4x1x8x128xf32, #tpu.memory_space<hbm>>
      %dma_wait3A_425 = tpu.memref_squeeze %dma_wait3A_424 : memref<1x4x1x8x128xf32, #tpu.memory_space<hbm>> -> memref<4x8x128xf32, #tpu.memory_space<hbm>>
      %dma_wait3A_426 = arith.constant 0 : i32
      %dma_wait3A_427 = arith.constant 0 : i32
      %dma_wait3A_428 = arith.constant 0 : i32
      %dma_wait3A_429 = tpu.memref_slice %arg10[%dma_wait3A_426, %dma_wait3A_427, %dma_wait3A_428] : memref<4x8x129xf32, #tpu.memory_space<vmem>> -> memref<4x8x128xf32, #tpu.memory_space<vmem>>
      tpu.wait_dma2 semaphore(%arg13 : memref<!tpu.dma_semaphore, #tpu.memory_space<semaphore_mem>>) src(%dma_wait3A_429 : memref<4x8x128xf32, #tpu.memory_space<vmem>>) dst(%dma_wait3A_425 : memref<4x8x128xf32, #tpu.memory_space<hbm>>)
      %parallel_loop3A_430 = arith.constant 0 : i32
      %parallel_loop3A_431 = arith.constant 128 : i32
      %parallel_loop3A_432 = arith.constant 1 : i32
      scf.for %parallel_loop3A_454 = %parallel_loop3A_430 to %parallel_loop3A_431 step %parallel_loop3A_432  : i32 {
        %parallel_loop3A_455 = arith.constant 128 : i32
        %parallel_loop3A_456 = arith.muli %add3A_409, %parallel_loop3A_455 : i32
        %parallel_loop3A_457 = arith.addi %parallel_loop3A_456, %parallel_loop3A_454 : i32
        %parallel_loop3A_458 = arith.index_cast %parallel_loop3A_457 : i32 to index
        %parallel_loop3A_459 = arith.constant 0 : index
        %parallel_loop3A_460 = tpu.vector_load %arg8[%parallel_loop3A_458, %parallel_loop3A_459] {strides = array<i32>} : memref<1024x32xf32, #tpu.memory_space<vmem>>, vector<16xf32>,
        %parallel_loop3A_461 = arith.index_cast %parallel_loop3A_457 : i32 to index
        %parallel_loop3A_462 = arith.constant 16 : index
        %parallel_loop3A_463 = tpu.vector_load %arg8[%parallel_loop3A_461, %parallel_loop3A_462] {strides = array<i32>} : memref<1024x32xf32, #tpu.memory_space<vmem>>, vector<16xf32>,
        %parallel_loop3A_464 = vector.broadcast %parallel_loop3A_454 : i32 to vector<16xi32>
        tpu.vector_store_idx %arg10[%shift_right_arithmetic3A_125, %and3A_131, %parallel_loop3A_464], %parallel_loop3A_460 : memref<4x8x129xf32, #tpu.memory_space<vmem>>[vector<16xi32>, vector<16xi32>, vector<16xi32>], vector<16xf32>,
        tpu.vector_store_idx %arg10[%add3A_128, %and3A_131, %parallel_loop3A_464], %parallel_loop3A_463 : memref<4x8x129xf32, #tpu.memory_space<vmem>>[vector<16xi32>, vector<16xi32>, vector<16xi32>], vector<16xf32>,
      } {sc.loop_unroll_factor = 4 : i64, sc.parallel_access}
      %mul3A_433 = arith.constant 8 : i32
      %mul3A_434 = arith.muli %select_n3A_104, %mul3A_433 : i32
      %add3A_435 = arith.addi %mul3A_434, %add3A_409 : i32
      %dma_start3A_436 = arith.constant 0 : i32
      %dma_start3A_437 = arith.constant 0 : i32
      %dma_start3A_438 = arith.constant 0 : i32
      %dma_start3A_439 = tpu.memref_slice %arg10[%dma_start3A_436, %dma_start3A_437, %dma_start3A_438] : memref<4x8x129xf32, #tpu.memory_space<vmem>> -> memref<4x8x128xf32, #tpu.memory_space<vmem>>
      %dma_start3A_440 = arith.constant 0 : i32
      %dma_start3A_441 = arith.constant 0 : i32
      %dma_start3A_442 = arith.constant 0 : i32
      %dma_start3A_443 = tpu.memref_slice %arg4[%add3A_435, %dma_start3A_440, %select_n3A_122, %dma_start3A_441, %dma_start3A_442] : memref<200x4x32x8x128xf32, #tpu.memory_space<hbm>> -> memref<1x4x1x8x128xf32, #tpu.memory_space<hbm>>
      %dma_start3A_444 = tpu.memref_squeeze %dma_start3A_443 : memref<1x4x1x8x128xf32, #tpu.memory_space<hbm>> -> memref<4x8x128xf32, #tpu.memory_space<hbm>>
      %dma_start3A_445 = arith.constant 0 : i32
      %dma_start3A_446 = arith.constant 0 : i32
      %dma_start3A_447 = arith.constant 0 : i32
      %dma_start3A_448 = tpu.memref_slice %arg4[%add3A_435, %dma_start3A_445, %select_n3A_122, %dma_start3A_446, %dma_start3A_447] : memref<200x4x32x8x128xf32, #tpu.memory_space<hbm>> -> memref<1x4x1x8x128xf32, #tpu.memory_space<hbm>>
      %dma_start3A_449 = tpu.memref_squeeze %dma_start3A_448 : memref<1x4x1x8x128xf32, #tpu.memory_space<hbm>> -> memref<4x8x128xf32, #tpu.memory_space<hbm>>
      %dma_start3A_450 = arith.constant 0 : i32
      %dma_start3A_451 = arith.constant 0 : i32
      %dma_start3A_452 = arith.constant 0 : i32
      %dma_start3A_453 = tpu.memref_slice %arg10[%dma_start3A_450, %dma_start3A_451, %dma_start3A_452] : memref<4x8x129xf32, #tpu.memory_space<vmem>> -> memref<4x8x128xf32, #tpu.memory_space<vmem>>
      tpu.enqueue_dma source(%dma_start3A_453 : memref<4x8x128xf32, #tpu.memory_space<vmem>>) target(%dma_start3A_449 : memref<4x8x128xf32, #tpu.memory_space<hbm>>) target_semaphore(%arg13 : memref<!tpu.dma_semaphore, #tpu.memory_space<semaphore_mem>>)
    }
    %scan3A_136 = arith.constant 4 : i32
    %dma_wait3A_137 = arith.constant 0 : i32
    %dma_wait3A_138 = arith.constant 0 : i32
    %dma_wait3A_139 = tpu.memref_slice %arg3[%dma_wait3A_137, %dma_wait3A_138] : memref<1000000x32xf32, #tpu.memory_space<hbm>> -> memref<1000000x32xf32, #tpu.memory_space<hbm>>
    tpu.wait_indirect_dma semaphore(%arg11 : memref<!tpu.dma_semaphore, #tpu.memory_space<semaphore_mem>>) src(%dma_wait3A_139 : memref<1000000x32xf32, #tpu.memory_space<hbm>>) dst(%arg7 : memref<1024x32xf32, #tpu.memory_space<vmem>>)
    %add3A_140 = arith.constant 24 : i32
    %add3A_141 = arith.addi %mul3A_2, %add3A_140 : i32
    %jit3A_142 = arith.constant 32 : i32
    %div3A_143 = arith.divsi %add3A_141, %jit3A_142 : i32
    %sign3A_144 = arith.constant 0 : i32
    %sign3A_145 = arith.cmpi sgt, %add3A_141, %sign3A_144 : i32
    %sign3A_146 = arith.extui %sign3A_145 : i1 to i32
    %sign3A_147 = arith.constant 0 : i32
    %sign3A_148 = arith.cmpi slt, %add3A_141, %sign3A_147 : i32
    %sign3A_149 = arith.extui %sign3A_148 : i1 to i32
    %sign3A_150 = arith.subi %sign3A_146, %sign3A_149 : i32
    %sign3A_151 = arith.constant 0 : i32
    %sign3A_152 = arith.cmpi sgt, %jit3A_142, %sign3A_151 : i32
    %sign3A_153 = arith.extui %sign3A_152 : i1 to i32
    %sign3A_154 = arith.constant 0 : i32
    %sign3A_155 = arith.cmpi slt, %jit3A_142, %sign3A_154 : i32
    %sign3A_156 = arith.extui %sign3A_155 : i1 to i32
    %sign3A_157 = arith.subi %sign3A_153, %sign3A_156 : i32
    %ne3A_158 = arith.cmpi ne, %sign3A_150, %sign3A_157 : i32
    %rem3A_159 = arith.remsi %add3A_141, %jit3A_142 : i32
    %ne3A_160 = arith.constant 0 : i32
    %ne3A_161 = arith.cmpi ne, %rem3A_159, %ne3A_160 : i32
    %and3A_162 = arith.andi %ne3A_158, %ne3A_161 : i1
    %sub3A_163 = arith.constant 1 : i32
    %sub3A_164 = arith.subi %div3A_143, %sub3A_163 : i32
    %select_n3A_165 = arith.select %and3A_162, %sub3A_164, %div3A_143 : i32
    %add3A_166 = arith.constant 24 : i32
    %add3A_167 = arith.addi %mul3A_2, %add3A_166 : i32
    %jit3A_168 = arith.constant 32 : i32
    %eq3A_169 = arith.constant 0 : i32
    %eq3A_170 = arith.cmpi eq, %jit3A_168, %eq3A_169 : i32
    %jit3A_171 = arith.constant 1 : i32
    %select_n3A_172 = arith.select %eq3A_170, %jit3A_171, %jit3A_168 : i32
    %rem3A_173 = arith.remsi %add3A_167, %select_n3A_172 : i32
    %ne3A_174 = arith.constant 0 : i32
    %ne3A_175 = arith.cmpi ne, %rem3A_173, %ne3A_174 : i32
    %lt3A_176 = arith.constant 0 : i32
    %lt3A_177 = arith.cmpi slt, %rem3A_173, %lt3A_176 : i32
    %lt3A_178 = arith.constant 0 : i32
    %lt3A_179 = arith.cmpi slt, %select_n3A_172, %lt3A_178 : i32
    %ne3A_180 = arith.xori %lt3A_177, %lt3A_179 : i1
    %and3A_181 = arith.andi %ne3A_180, %ne3A_175 : i1
    %add3A_182 = arith.addi %rem3A_173, %select_n3A_172 : i32
    %select_n3A_183 = arith.select %and3A_181, %add3A_182, %rem3A_173 : i32
    %shift_right_arithmetic3A_184 = arith.constant 3 : i32
    %shift_right_arithmetic3A_185 = vector.broadcast %shift_right_arithmetic3A_184 : i32 to vector<16xi32>
    %shift_right_arithmetic3A_186 = arith.shrsi %iota3A, %shift_right_arithmetic3A_185 : vector<16xi32>
    %add3A_187 = arith.constant 2 : i32
    %add3A_188 = vector.broadcast %add3A_187 : i32 to vector<16xi32>
    %add3A_189 = arith.addi %shift_right_arithmetic3A_186, %add3A_188 : vector<16xi32>
    %and3A_190 = arith.constant 7 : i32
    %and3A_191 = vector.broadcast %and3A_190 : i32 to vector<16xi32>
    %and3A_192 = arith.andi %iota3A, %and3A_191 : vector<16xi32>
    %scan3A_193 = arith.constant 0 : i32
    %scan3A_194 = arith.constant 4 : i32
    %scan3A_195 = arith.addi %scan3A_193, %scan3A_194 : i32
    %scan3A_196 = arith.constant 1 : i32
    scf.for %scan3A_358 = %scan3A_193 to %scan3A_195 step %scan3A_196  : i32 {
      %mul3A_359 = arith.constant 2 : i32
      %mul3A_360 = arith.muli %scan3A_358, %mul3A_359 : i32
      %add3A_361 = arith.constant 0 : i32
      %add3A_362 = arith.addi %add3A_361, %mul3A_360 : i32
      %add3A_363 = arith.constant 0 : i32
      %add3A_364 = arith.addi %add3A_362, %add3A_363 : i32
      %dma_wait3A_365 = arith.constant 0 : i32
      %dma_wait3A_366 = arith.constant 0 : i32
      %dma_wait3A_367 = arith.constant 0 : i32
      %dma_wait3A_368 = arith.constant 0 : i32
      %dma_wait3A_369 = arith.constant 0 : i32
      %dma_wait3A_370 = tpu.memref_slice %arg9[%dma_wait3A_367, %dma_wait3A_368, %dma_wait3A_369] : memref<4x8x129xf32, #tpu.memory_space<vmem>> -> memref<4x8x128xf32, #tpu.memory_space<vmem>>
      %dma_wait3A_371 = arith.constant 0 : i32
      %dma_wait3A_372 = arith.constant 0 : i32
      %dma_wait3A_373 = arith.constant 0 : i32
      %dma_wait3A_374 = tpu.memref_slice %arg4[%dma_wait3A_365, %dma_wait3A_371, %dma_wait3A_366, %dma_wait3A_372, %dma_wait3A_373] : memref<200x4x32x8x128xf32, #tpu.memory_space<hbm>> -> memref<1x4x1x8x128xf32, #tpu.memory_space<hbm>>
      %dma_wait3A_375 = tpu.memref_squeeze %dma_wait3A_374 : memref<1x4x1x8x128xf32, #tpu.memory_space<hbm>> -> memref<4x8x128xf32, #tpu.memory_space<hbm>>
      %dma_wait3A_376 = arith.constant 0 : i32
      %dma_wait3A_377 = arith.constant 0 : i32
      %dma_wait3A_378 = arith.constant 0 : i32
      %dma_wait3A_379 = tpu.memref_slice %arg4[%dma_wait3A_365, %dma_wait3A_376, %dma_wait3A_366, %dma_wait3A_377, %dma_wait3A_378] : memref<200x4x32x8x128xf32, #tpu.memory_space<hbm>> -> memref<1x4x1x8x128xf32, #tpu.memory_space<hbm>>
      %dma_wait3A_380 = tpu.memref_squeeze %dma_wait3A_379 : memref<1x4x1x8x128xf32, #tpu.memory_space<hbm>> -> memref<4x8x128xf32, #tpu.memory_space<hbm>>
      %dma_wait3A_381 = arith.constant 0 : i32
      %dma_wait3A_382 = arith.constant 0 : i32
      %dma_wait3A_383 = arith.constant 0 : i32
      %dma_wait3A_384 = tpu.memref_slice %arg9[%dma_wait3A_381, %dma_wait3A_382, %dma_wait3A_383] : memref<4x8x129xf32, #tpu.memory_space<vmem>> -> memref<4x8x128xf32, #tpu.memory_space<vmem>>
      tpu.wait_dma2 semaphore(%arg13 : memref<!tpu.dma_semaphore, #tpu.memory_space<semaphore_mem>>) src(%dma_wait3A_384 : memref<4x8x128xf32, #tpu.memory_space<vmem>>) dst(%dma_wait3A_380 : memref<4x8x128xf32, #tpu.memory_space<hbm>>)
      %parallel_loop3A = arith.constant 0 : i32
      %parallel_loop3A_385 = arith.constant 128 : i32
      %parallel_loop3A_386 = arith.constant 1 : i32
      scf.for %parallel_loop3A_454 = %parallel_loop3A to %parallel_loop3A_385 step %parallel_loop3A_386  : i32 {
        %parallel_loop3A_455 = arith.constant 128 : i32
        %parallel_loop3A_456 = arith.muli %add3A_364, %parallel_loop3A_455 : i32
        %parallel_loop3A_457 = arith.addi %parallel_loop3A_456, %parallel_loop3A_454 : i32
        %parallel_loop3A_458 = arith.index_cast %parallel_loop3A_457 : i32 to index
        %parallel_loop3A_459 = arith.constant 0 : index
        %parallel_loop3A_460 = tpu.vector_load %arg7[%parallel_loop3A_458, %parallel_loop3A_459] {strides = array<i32>} : memref<1024x32xf32, #tpu.memory_space<vmem>>, vector<16xf32>,
        %parallel_loop3A_461 = arith.index_cast %parallel_loop3A_457 : i32 to index
        %parallel_loop3A_462 = arith.constant 16 : index
        %parallel_loop3A_463 = tpu.vector_load %arg7[%parallel_loop3A_461, %parallel_loop3A_462] {strides = array<i32>} : memref<1024x32xf32, #tpu.memory_space<vmem>>, vector<16xf32>,
        %parallel_loop3A_464 = vector.broadcast %parallel_loop3A_454 : i32 to vector<16xi32>
        tpu.vector_store_idx %arg9[%shift_right_arithmetic3A_186, %and3A_192, %parallel_loop3A_464], %parallel_loop3A_460 : memref<4x8x129xf32, #tpu.memory_space<vmem>>[vector<16xi32>, vector<16xi32>, vector<16xi32>], vector<16xf32>,
        tpu.vector_store_idx %arg9[%add3A_189, %and3A_192, %parallel_loop3A_464], %parallel_loop3A_463 : memref<4x8x129xf32, #tpu.memory_space<vmem>>[vector<16xi32>, vector<16xi32>, vector<16xi32>], vector<16xf32>,
      } {sc.loop_unroll_factor = 4 : i64, sc.parallel_access}
      %mul3A_387 = arith.constant 8 : i32
      %mul3A_388 = arith.muli %select_n3A_165, %mul3A_387 : i32
      %add3A_389 = arith.addi %mul3A_388, %add3A_364 : i32
      %dma_start3A_390 = arith.constant 0 : i32
      %dma_start3A_391 = arith.constant 0 : i32
      %dma_start3A_392 = arith.constant 0 : i32
      %dma_start3A_393 = tpu.memref_slice %arg9[%dma_start3A_390, %dma_start3A_391, %dma_start3A_392] : memref<4x8x129xf32, #tpu.memory_space<vmem>> -> memref<4x8x128xf32, #tpu.memory_space<vmem>>
      %dma_start3A_394 = arith.constant 0 : i32
      %dma_start3A_395 = arith.constant 0 : i32
      %dma_start3A_396 = arith.constant 0 : i32
      %dma_start3A_397 = tpu.memref_slice %arg4[%add3A_389, %dma_start3A_394, %select_n3A_183, %dma_start3A_395, %dma_start3A_396] : memref<200x4x32x8x128xf32, #tpu.memory_space<hbm>> -> memref<1x4x1x8x128xf32, #tpu.memory_space<hbm>>
      %dma_start3A_398 = tpu.memref_squeeze %dma_start3A_397 : memref<1x4x1x8x128xf32, #tpu.memory_space<hbm>> -> memref<4x8x128xf32, #tpu.memory_space<hbm>>
      %dma_start3A_399 = arith.constant 0 : i32
      %dma_start3A_400 = arith.constant 0 : i32
      %dma_start3A_401 = arith.constant 0 : i32
      %dma_start3A_402 = tpu.memref_slice %arg4[%add3A_389, %dma_start3A_399, %select_n3A_183, %dma_start3A_400, %dma_start3A_401] : memref<200x4x32x8x128xf32, #tpu.memory_space<hbm>> -> memref<1x4x1x8x128xf32, #tpu.memory_space<hbm>>
      %dma_start3A_403 = tpu.memref_squeeze %dma_start3A_402 : memref<1x4x1x8x128xf32, #tpu.memory_space<hbm>> -> memref<4x8x128xf32, #tpu.memory_space<hbm>>
      %dma_start3A_404 = arith.constant 0 : i32
      %dma_start3A_405 = arith.constant 0 : i32
      %dma_start3A_406 = arith.constant 0 : i32
      %dma_start3A_407 = tpu.memref_slice %arg9[%dma_start3A_404, %dma_start3A_405, %dma_start3A_406] : memref<4x8x129xf32, #tpu.memory_space<vmem>> -> memref<4x8x128xf32, #tpu.memory_space<vmem>>
      tpu.enqueue_dma source(%dma_start3A_407 : memref<4x8x128xf32, #tpu.memory_space<vmem>>) target(%dma_start3A_403 : memref<4x8x128xf32, #tpu.memory_space<hbm>>) target_semaphore(%arg13 : memref<!tpu.dma_semaphore, #tpu.memory_space<semaphore_mem>>)
      %add3A_408 = arith.constant 1 : i32
      %add3A_409 = arith.addi %add3A_362, %add3A_408 : i32
      %dma_wait3A_410 = arith.constant 0 : i32
      %dma_wait3A_411 = arith.constant 0 : i32
      %dma_wait3A_412 = arith.constant 0 : i32
      %dma_wait3A_413 = arith.constant 0 : i32
      %dma_wait3A_414 = arith.constant 0 : i32
      %dma_wait3A_415 = tpu.memref_slice %arg10[%dma_wait3A_412, %dma_wait3A_413, %dma_wait3A_414] : memref<4x8x129xf32, #tpu.memory_space<vmem>> -> memref<4x8x128xf32, #tpu.memory_space<vmem>>
      %dma_wait3A_416 = arith.constant 0 : i32
      %dma_wait3A_417 = arith.constant 0 : i32
      %dma_wait3A_418 = arith.constant 0 : i32
      %dma_wait3A_419 = tpu.memref_slice %arg4[%dma_wait3A_410, %dma_wait3A_416, %dma_wait3A_411, %dma_wait3A_417, %dma_wait3A_418] : memref<200x4x32x8x128xf32, #tpu.memory_space<hbm>> -> memref<1x4x1x8x128xf32, #tpu.memory_space<hbm>>
      %dma_wait3A_420 = tpu.memref_squeeze %dma_wait3A_419 : memref<1x4x1x8x128xf32, #tpu.memory_space<hbm>> -> memref<4x8x128xf32, #tpu.memory_space<hbm>>
      %dma_wait3A_421 = arith.constant 0 : i32
      %dma_wait3A_422 = arith.constant 0 : i32
      %dma_wait3A_423 = arith.constant 0 : i32
      %dma_wait3A_424 = tpu.memref_slice %arg4[%dma_wait3A_410, %dma_wait3A_421, %dma_wait3A_411, %dma_wait3A_422, %dma_wait3A_423] : memref<200x4x32x8x128xf32, #tpu.memory_space<hbm>> -> memref<1x4x1x8x128xf32, #tpu.memory_space<hbm>>
      %dma_wait3A_425 = tpu.memref_squeeze %dma_wait3A_424 : memref<1x4x1x8x128xf32, #tpu.memory_space<hbm>> -> memref<4x8x128xf32, #tpu.memory_space<hbm>>
      %dma_wait3A_426 = arith.constant 0 : i32
      %dma_wait3A_427 = arith.constant 0 : i32
      %dma_wait3A_428 = arith.constant 0 : i32
      %dma_wait3A_429 = tpu.memref_slice %arg10[%dma_wait3A_426, %dma_wait3A_427, %dma_wait3A_428] : memref<4x8x129xf32, #tpu.memory_space<vmem>> -> memref<4x8x128xf32, #tpu.memory_space<vmem>>
      tpu.wait_dma2 semaphore(%arg13 : memref<!tpu.dma_semaphore, #tpu.memory_space<semaphore_mem>>) src(%dma_wait3A_429 : memref<4x8x128xf32, #tpu.memory_space<vmem>>) dst(%dma_wait3A_425 : memref<4x8x128xf32, #tpu.memory_space<hbm>>)
      %parallel_loop3A_430 = arith.constant 0 : i32
      %parallel_loop3A_431 = arith.constant 128 : i32
      %parallel_loop3A_432 = arith.constant 1 : i32
      scf.for %parallel_loop3A_454 = %parallel_loop3A_430 to %parallel_loop3A_431 step %parallel_loop3A_432  : i32 {
        %parallel_loop3A_455 = arith.constant 128 : i32
        %parallel_loop3A_456 = arith.muli %add3A_409, %parallel_loop3A_455 : i32
        %parallel_loop3A_457 = arith.addi %parallel_loop3A_456, %parallel_loop3A_454 : i32
        %parallel_loop3A_458 = arith.index_cast %parallel_loop3A_457 : i32 to index
        %parallel_loop3A_459 = arith.constant 0 : index
        %parallel_loop3A_460 = tpu.vector_load %arg7[%parallel_loop3A_458, %parallel_loop3A_459] {strides = array<i32>} : memref<1024x32xf32, #tpu.memory_space<vmem>>, vector<16xf32>,
        %parallel_loop3A_461 = arith.index_cast %parallel_loop3A_457 : i32 to index
        %parallel_loop3A_462 = arith.constant 16 : index
        %parallel_loop3A_463 = tpu.vector_load %arg7[%parallel_loop3A_461, %parallel_loop3A_462] {strides = array<i32>} : memref<1024x32xf32, #tpu.memory_space<vmem>>, vector<16xf32>,
        %parallel_loop3A_464 = vector.broadcast %parallel_loop3A_454 : i32 to vector<16xi32>
        tpu.vector_store_idx %arg10[%shift_right_arithmetic3A_186, %and3A_192, %parallel_loop3A_464], %parallel_loop3A_460 : memref<4x8x129xf32, #tpu.memory_space<vmem>>[vector<16xi32>, vector<16xi32>, vector<16xi32>], vector<16xf32>,
        tpu.vector_store_idx %arg10[%add3A_189, %and3A_192, %parallel_loop3A_464], %parallel_loop3A_463 : memref<4x8x129xf32, #tpu.memory_space<vmem>>[vector<16xi32>, vector<16xi32>, vector<16xi32>], vector<16xf32>,
      } {sc.loop_unroll_factor = 4 : i64, sc.parallel_access}
      %mul3A_433 = arith.constant 8 : i32
      %mul3A_434 = arith.muli %select_n3A_165, %mul3A_433 : i32
      %add3A_435 = arith.addi %mul3A_434, %add3A_409 : i32
      %dma_start3A_436 = arith.constant 0 : i32
      %dma_start3A_437 = arith.constant 0 : i32
      %dma_start3A_438 = arith.constant 0 : i32
      %dma_start3A_439 = tpu.memref_slice %arg10[%dma_start3A_436, %dma_start3A_437, %dma_start3A_438] : memref<4x8x129xf32, #tpu.memory_space<vmem>> -> memref<4x8x128xf32, #tpu.memory_space<vmem>>
      %dma_start3A_440 = arith.constant 0 : i32
      %dma_start3A_441 = arith.constant 0 : i32
      %dma_start3A_442 = arith.constant 0 : i32
      %dma_start3A_443 = tpu.memref_slice %arg4[%add3A_435, %dma_start3A_440, %select_n3A_183, %dma_start3A_441, %dma_start3A_442] : memref<200x4x32x8x128xf32, #tpu.memory_space<hbm>> -> memref<1x4x1x8x128xf32, #tpu.memory_space<hbm>>
      %dma_start3A_444 = tpu.memref_squeeze %dma_start3A_443 : memref<1x4x1x8x128xf32, #tpu.memory_space<hbm>> -> memref<4x8x128xf32, #tpu.memory_space<hbm>>
      %dma_start3A_445 = arith.constant 0 : i32
      %dma_start3A_446 = arith.constant 0 : i32
      %dma_start3A_447 = arith.constant 0 : i32
      %dma_start3A_448 = tpu.memref_slice %arg4[%add3A_435, %dma_start3A_445, %select_n3A_183, %dma_start3A_446, %dma_start3A_447] : memref<200x4x32x8x128xf32, #tpu.memory_space<hbm>> -> memref<1x4x1x8x128xf32, #tpu.memory_space<hbm>>
      %dma_start3A_449 = tpu.memref_squeeze %dma_start3A_448 : memref<1x4x1x8x128xf32, #tpu.memory_space<hbm>> -> memref<4x8x128xf32, #tpu.memory_space<hbm>>
      %dma_start3A_450 = arith.constant 0 : i32
      %dma_start3A_451 = arith.constant 0 : i32
      %dma_start3A_452 = arith.constant 0 : i32
      %dma_start3A_453 = tpu.memref_slice %arg10[%dma_start3A_450, %dma_start3A_451, %dma_start3A_452] : memref<4x8x129xf32, #tpu.memory_space<vmem>> -> memref<4x8x128xf32, #tpu.memory_space<vmem>>
      tpu.enqueue_dma source(%dma_start3A_453 : memref<4x8x128xf32, #tpu.memory_space<vmem>>) target(%dma_start3A_449 : memref<4x8x128xf32, #tpu.memory_space<hbm>>) target_semaphore(%arg13 : memref<!tpu.dma_semaphore, #tpu.memory_space<semaphore_mem>>)
    }
    %scan3A_197 = arith.constant 4 : i32
    %dma_wait3A_198 = arith.constant 0 : i32
    %dma_wait3A_199 = arith.constant 0 : i32
    %dma_wait3A_200 = arith.constant 0 : i32
    %dma_wait3A_201 = arith.constant 0 : i32
    %dma_wait3A_202 = arith.constant 0 : i32
    %dma_wait3A_203 = tpu.memref_slice %arg9[%dma_wait3A_200, %dma_wait3A_201, %dma_wait3A_202] : memref<4x8x129xf32, #tpu.memory_space<vmem>> -> memref<4x8x128xf32, #tpu.memory_space<vmem>>
    %dma_wait3A_204 = arith.constant 0 : i32
    %dma_wait3A_205 = arith.constant 0 : i32
    %dma_wait3A_206 = arith.constant 0 : i32
    %dma_wait3A_207 = tpu.memref_slice %arg4[%dma_wait3A_198, %dma_wait3A_204, %dma_wait3A_199, %dma_wait3A_205, %dma_wait3A_206] : memref<200x4x32x8x128xf32, #tpu.memory_space<hbm>> -> memref<1x4x1x8x128xf32, #tpu.memory_space<hbm>>
    %dma_wait3A_208 = tpu.memref_squeeze %dma_wait3A_207 : memref<1x4x1x8x128xf32, #tpu.memory_space<hbm>> -> memref<4x8x128xf32, #tpu.memory_space<hbm>>
    %dma_wait3A_209 = arith.constant 0 : i32
    %dma_wait3A_210 = arith.constant 0 : i32
    %dma_wait3A_211 = arith.constant 0 : i32
    %dma_wait3A_212 = tpu.memref_slice %arg4[%dma_wait3A_198, %dma_wait3A_209, %dma_wait3A_199, %dma_wait3A_210, %dma_wait3A_211] : memref<200x4x32x8x128xf32, #tpu.memory_space<hbm>> -> memref<1x4x1x8x128xf32, #tpu.memory_space<hbm>>
    %dma_wait3A_213 = tpu.memref_squeeze %dma_wait3A_212 : memref<1x4x1x8x128xf32, #tpu.memory_space<hbm>> -> memref<4x8x128xf32, #tpu.memory_space<hbm>>
    %dma_wait3A_214 = arith.constant 0 : i32
    %dma_wait3A_215 = arith.constant 0 : i32
    %dma_wait3A_216 = arith.constant 0 : i32
    %dma_wait3A_217 = tpu.memref_slice %arg9[%dma_wait3A_214, %dma_wait3A_215, %dma_wait3A_216] : memref<4x8x129xf32, #tpu.memory_space<vmem>> -> memref<4x8x128xf32, #tpu.memory_space<vmem>>
    tpu.wait_dma2 semaphore(%arg13 : memref<!tpu.dma_semaphore, #tpu.memory_space<semaphore_mem>>) src(%dma_wait3A_217 : memref<4x8x128xf32, #tpu.memory_space<vmem>>) dst(%dma_wait3A_213 : memref<4x8x128xf32, #tpu.memory_space<hbm>>)
    %dma_wait3A_218 = arith.constant 0 : i32
    %dma_wait3A_219 = arith.constant 0 : i32
    %dma_wait3A_220 = arith.constant 0 : i32
    %dma_wait3A_221 = arith.constant 0 : i32
    %dma_wait3A_222 = arith.constant 0 : i32
    %dma_wait3A_223 = tpu.memref_slice %arg10[%dma_wait3A_220, %dma_wait3A_221, %dma_wait3A_222] : memref<4x8x129xf32, #tpu.memory_space<vmem>> -> memref<4x8x128xf32, #tpu.memory_space<vmem>>
    %dma_wait3A_224 = arith.constant 0 : i32
    %dma_wait3A_225 = arith.constant 0 : i32
    %dma_wait3A_226 = arith.constant 0 : i32
    %dma_wait3A_227 = tpu.memref_slice %arg4[%dma_wait3A_218, %dma_wait3A_224, %dma_wait3A_219, %dma_wait3A_225, %dma_wait3A_226] : memref<200x4x32x8x128xf32, #tpu.memory_space<hbm>> -> memref<1x4x1x8x128xf32, #tpu.memory_space<hbm>>
    %dma_wait3A_228 = tpu.memref_squeeze %dma_wait3A_227 : memref<1x4x1x8x128xf32, #tpu.memory_space<hbm>> -> memref<4x8x128xf32, #tpu.memory_space<hbm>>
    %dma_wait3A_229 = arith.constant 0 : i32
    %dma_wait3A_230 = arith.constant 0 : i32
    %dma_wait3A_231 = arith.constant 0 : i32
    %dma_wait3A_232 = tpu.memref_slice %arg4[%dma_wait3A_218, %dma_wait3A_229, %dma_wait3A_219, %dma_wait3A_230, %dma_wait3A_231] : memref<200x4x32x8x128xf32, #tpu.memory_space<hbm>> -> memref<1x4x1x8x128xf32, #tpu.memory_space<hbm>>
    %dma_wait3A_233 = tpu.memref_squeeze %dma_wait3A_232 : memref<1x4x1x8x128xf32, #tpu.memory_space<hbm>> -> memref<4x8x128xf32, #tpu.memory_space<hbm>>
    %dma_wait3A_234 = arith.constant 0 : i32
    %dma_wait3A_235 = arith.constant 0 : i32
    %dma_wait3A_236 = arith.constant 0 : i32
    %dma_wait3A_237 = tpu.memref_slice %arg10[%dma_wait3A_234, %dma_wait3A_235, %dma_wait3A_236] : memref<4x8x129xf32, #tpu.memory_space<vmem>> -> memref<4x8x128xf32, #tpu.memory_space<vmem>>
    tpu.wait_dma2 semaphore(%arg13 : memref<!tpu.dma_semaphore, #tpu.memory_space<semaphore_mem>>) src(%dma_wait3A_237 : memref<4x8x128xf32, #tpu.memory_space<vmem>>) dst(%dma_wait3A_233 : memref<4x8x128xf32, #tpu.memory_space<hbm>>)
    %dma_wait3A_238 = arith.constant 0 : i32
    %dma_wait3A_239 = arith.constant 0 : i32
    %dma_wait3A_240 = arith.constant 0 : i32
    %dma_wait3A_241 = arith.constant 0 : i32
    %dma_wait3A_242 = arith.constant 0 : i32
    %dma_wait3A_243 = tpu.memref_slice %arg9[%dma_wait3A_240, %dma_wait3A_241, %dma_wait3A_242] : memref<4x8x129xf32, #tpu.memory_space<vmem>> -> memref<4x8x128xf32, #tpu.memory_space<vmem>>
    %dma_wait3A_244 = arith.constant 0 : i32
    %dma_wait3A_245 = arith.constant 0 : i32
    %dma_wait3A_246 = arith.constant 0 : i32
    %dma_wait3A_247 = tpu.memref_slice %arg4[%dma_wait3A_238, %dma_wait3A_244, %dma_wait3A_239, %dma_wait3A_245, %dma_wait3A_246] : memref<200x4x32x8x128xf32, #tpu.memory_space<hbm>> -> memref<1x4x1x8x128xf32, #tpu.memory_space<hbm>>
    %dma_wait3A_248 = tpu.memref_squeeze %dma_wait3A_247 : memref<1x4x1x8x128xf32, #tpu.memory_space<hbm>> -> memref<4x8x128xf32, #tpu.memory_space<hbm>>
    %dma_wait3A_249 = arith.constant 0 : i32
    %dma_wait3A_250 = arith.constant 0 : i32
    %dma_wait3A_251 = arith.constant 0 : i32
    %dma_wait3A_252 = tpu.memref_slice %arg4[%dma_wait3A_238, %dma_wait3A_249, %dma_wait3A_239, %dma_wait3A_250, %dma_wait3A_251] : memref<200x4x32x8x128xf32, #tpu.memory_space<hbm>> -> memref<1x4x1x8x128xf32, #tpu.memory_space<hbm>>
    %dma_wait3A_253 = tpu.memref_squeeze %dma_wait3A_252 : memref<1x4x1x8x128xf32, #tpu.memory_space<hbm>> -> memref<4x8x128xf32, #tpu.memory_space<hbm>>
    %dma_wait3A_254 = arith.constant 0 : i32
    %dma_wait3A_255 = arith.constant 0 : i32
    %dma_wait3A_256 = arith.constant 0 : i32
    %dma_wait3A_257 = tpu.memref_slice %arg9[%dma_wait3A_254, %dma_wait3A_255, %dma_wait3A_256] : memref<4x8x129xf32, #tpu.memory_space<vmem>> -> memref<4x8x128xf32, #tpu.memory_space<vmem>>
    tpu.wait_dma2 semaphore(%arg13 : memref<!tpu.dma_semaphore, #tpu.memory_space<semaphore_mem>>) src(%dma_wait3A_257 : memref<4x8x128xf32, #tpu.memory_space<vmem>>) dst(%dma_wait3A_253 : memref<4x8x128xf32, #tpu.memory_space<hbm>>)
    %dma_wait3A_258 = arith.constant 0 : i32
    %dma_wait3A_259 = arith.constant 0 : i32
    %dma_wait3A_260 = arith.constant 0 : i32
    %dma_wait3A_261 = arith.constant 0 : i32
    %dma_wait3A_262 = arith.constant 0 : i32
    %dma_wait3A_263 = tpu.memref_slice %arg10[%dma_wait3A_260, %dma_wait3A_261, %dma_wait3A_262] : memref<4x8x129xf32, #tpu.memory_space<vmem>> -> memref<4x8x128xf32, #tpu.memory_space<vmem>>
    %dma_wait3A_264 = arith.constant 0 : i32
    %dma_wait3A_265 = arith.constant 0 : i32
    %dma_wait3A_266 = arith.constant 0 : i32
    %dma_wait3A_267 = tpu.memref_slice %arg4[%dma_wait3A_258, %dma_wait3A_264, %dma_wait3A_259, %dma_wait3A_265, %dma_wait3A_266] : memref<200x4x32x8x128xf32, #tpu.memory_space<hbm>> -> memref<1x4x1x8x128xf32, #tpu.memory_space<hbm>>
    %dma_wait3A_268 = tpu.memref_squeeze %dma_wait3A_267 : memref<1x4x1x8x128xf32, #tpu.memory_space<hbm>> -> memref<4x8x128xf32, #tpu.memory_space<hbm>>
    %dma_wait3A_269 = arith.constant 0 : i32
    %dma_wait3A_270 = arith.constant 0 : i32
    %dma_wait3A_271 = arith.constant 0 : i32
    %dma_wait3A_272 = tpu.memref_slice %arg4[%dma_wait3A_258, %dma_wait3A_269, %dma_wait3A_259, %dma_wait3A_270, %dma_wait3A_271] : memref<200x4x32x8x128xf32, #tpu.memory_space<hbm>> -> memref<1x4x1x8x128xf32, #tpu.memory_space<hbm>>
    %dma_wait3A_273 = tpu.memref_squeeze %dma_wait3A_272 : memref<1x4x1x8x128xf32, #tpu.memory_space<hbm>> -> memref<4x8x128xf32, #tpu.memory_space<hbm>>
    %dma_wait3A_274 = arith.constant 0 : i32
    %dma_wait3A_275 = arith.constant 0 : i32
    %dma_wait3A_276 = arith.constant 0 : i32
    %dma_wait3A_277 = tpu.memref_slice %arg10[%dma_wait3A_274, %dma_wait3A_275, %dma_wait3A_276] : memref<4x8x129xf32, #tpu.memory_space<vmem>> -> memref<4x8x128xf32, #tpu.memory_space<vmem>>
    tpu.wait_dma2 semaphore(%arg13 : memref<!tpu.dma_semaphore, #tpu.memory_space<semaphore_mem>>) src(%dma_wait3A_277 : memref<4x8x128xf32, #tpu.memory_space<vmem>>) dst(%dma_wait3A_273 : memref<4x8x128xf32, #tpu.memory_space<hbm>>)
    %dma_wait3A_278 = arith.constant 0 : i32
    %dma_wait3A_279 = arith.constant 0 : i32
    %dma_wait3A_280 = arith.constant 0 : i32
    %dma_wait3A_281 = arith.constant 0 : i32
    %dma_wait3A_282 = arith.constant 0 : i32
    %dma_wait3A_283 = tpu.memref_slice %arg9[%dma_wait3A_280, %dma_wait3A_281, %dma_wait3A_282] : memref<4x8x129xf32, #tpu.memory_space<vmem>> -> memref<4x8x128xf32, #tpu.memory_space<vmem>>
    %dma_wait3A_284 = arith.constant 0 : i32
    %dma_wait3A_285 = arith.constant 0 : i32
    %dma_wait3A_286 = arith.constant 0 : i32
    %dma_wait3A_287 = tpu.memref_slice %arg4[%dma_wait3A_278, %dma_wait3A_284, %dma_wait3A_279, %dma_wait3A_285, %dma_wait3A_286] : memref<200x4x32x8x128xf32, #tpu.memory_space<hbm>> -> memref<1x4x1x8x128xf32, #tpu.memory_space<hbm>>
    %dma_wait3A_288 = tpu.memref_squeeze %dma_wait3A_287 : memref<1x4x1x8x128xf32, #tpu.memory_space<hbm>> -> memref<4x8x128xf32, #tpu.memory_space<hbm>>
    %dma_wait3A_289 = arith.constant 0 : i32
    %dma_wait3A_290 = arith.constant 0 : i32
    %dma_wait3A_291 = arith.constant 0 : i32
    %dma_wait3A_292 = tpu.memref_slice %arg4[%dma_wait3A_278, %dma_wait3A_289, %dma_wait3A_279, %dma_wait3A_290, %dma_wait3A_291] : memref<200x4x32x8x128xf32, #tpu.memory_space<hbm>> -> memref<1x4x1x8x128xf32, #tpu.memory_space<hbm>>
    %dma_wait3A_293 = tpu.memref_squeeze %dma_wait3A_292 : memref<1x4x1x8x128xf32, #tpu.memory_space<hbm>> -> memref<4x8x128xf32, #tpu.memory_space<hbm>>
    %dma_wait3A_294 = arith.constant 0 : i32
    %dma_wait3A_295 = arith.constant 0 : i32
    %dma_wait3A_296 = arith.constant 0 : i32
    %dma_wait3A_297 = tpu.memref_slice %arg9[%dma_wait3A_294, %dma_wait3A_295, %dma_wait3A_296] : memref<4x8x129xf32, #tpu.memory_space<vmem>> -> memref<4x8x128xf32, #tpu.memory_space<vmem>>
    tpu.wait_dma2 semaphore(%arg13 : memref<!tpu.dma_semaphore, #tpu.memory_space<semaphore_mem>>) src(%dma_wait3A_297 : memref<4x8x128xf32, #tpu.memory_space<vmem>>) dst(%dma_wait3A_293 : memref<4x8x128xf32, #tpu.memory_space<hbm>>)
    %dma_wait3A_298 = arith.constant 0 : i32
    %dma_wait3A_299 = arith.constant 0 : i32
    %dma_wait3A_300 = arith.constant 0 : i32
    %dma_wait3A_301 = arith.constant 0 : i32
    %dma_wait3A_302 = arith.constant 0 : i32
    %dma_wait3A_303 = tpu.memref_slice %arg10[%dma_wait3A_300, %dma_wait3A_301, %dma_wait3A_302] : memref<4x8x129xf32, #tpu.memory_space<vmem>> -> memref<4x8x128xf32, #tpu.memory_space<vmem>>
    %dma_wait3A_304 = arith.constant 0 : i32
    %dma_wait3A_305 = arith.constant 0 : i32
    %dma_wait3A_306 = arith.constant 0 : i32
    %dma_wait3A_307 = tpu.memref_slice %arg4[%dma_wait3A_298, %dma_wait3A_304, %dma_wait3A_299, %dma_wait3A_305, %dma_wait3A_306] : memref<200x4x32x8x128xf32, #tpu.memory_space<hbm>> -> memref<1x4x1x8x128xf32, #tpu.memory_space<hbm>>
    %dma_wait3A_308 = tpu.memref_squeeze %dma_wait3A_307 : memref<1x4x1x8x128xf32, #tpu.memory_space<hbm>> -> memref<4x8x128xf32, #tpu.memory_space<hbm>>
    %dma_wait3A_309 = arith.constant 0 : i32
    %dma_wait3A_310 = arith.constant 0 : i32
    %dma_wait3A_311 = arith.constant 0 : i32
    %dma_wait3A_312 = tpu.memref_slice %arg4[%dma_wait3A_298, %dma_wait3A_309, %dma_wait3A_299, %dma_wait3A_310, %dma_wait3A_311] : memref<200x4x32x8x128xf32, #tpu.memory_space<hbm>> -> memref<1x4x1x8x128xf32, #tpu.memory_space<hbm>>
    %dma_wait3A_313 = tpu.memref_squeeze %dma_wait3A_312 : memref<1x4x1x8x128xf32, #tpu.memory_space<hbm>> -> memref<4x8x128xf32, #tpu.memory_space<hbm>>
    %dma_wait3A_314 = arith.constant 0 : i32
    %dma_wait3A_315 = arith.constant 0 : i32
    %dma_wait3A_316 = arith.constant 0 : i32
    %dma_wait3A_317 = tpu.memref_slice %arg10[%dma_wait3A_314, %dma_wait3A_315, %dma_wait3A_316] : memref<4x8x129xf32, #tpu.memory_space<vmem>> -> memref<4x8x128xf32, #tpu.memory_space<vmem>>
    tpu.wait_dma2 semaphore(%arg13 : memref<!tpu.dma_semaphore, #tpu.memory_space<semaphore_mem>>) src(%dma_wait3A_317 : memref<4x8x128xf32, #tpu.memory_space<vmem>>) dst(%dma_wait3A_313 : memref<4x8x128xf32, #tpu.memory_space<hbm>>)
    %dma_wait3A_318 = arith.constant 0 : i32
    %dma_wait3A_319 = arith.constant 0 : i32
    %dma_wait3A_320 = arith.constant 0 : i32
    %dma_wait3A_321 = arith.constant 0 : i32
    %dma_wait3A_322 = arith.constant 0 : i32
    %dma_wait3A_323 = tpu.memref_slice %arg9[%dma_wait3A_320, %dma_wait3A_321, %dma_wait3A_322] : memref<4x8x129xf32, #tpu.memory_space<vmem>> -> memref<4x8x128xf32, #tpu.memory_space<vmem>>
    %dma_wait3A_324 = arith.constant 0 : i32
    %dma_wait3A_325 = arith.constant 0 : i32
    %dma_wait3A_326 = arith.constant 0 : i32
    %dma_wait3A_327 = tpu.memref_slice %arg4[%dma_wait3A_318, %dma_wait3A_324, %dma_wait3A_319, %dma_wait3A_325, %dma_wait3A_326] : memref<200x4x32x8x128xf32, #tpu.memory_space<hbm>> -> memref<1x4x1x8x128xf32, #tpu.memory_space<hbm>>
    %dma_wait3A_328 = tpu.memref_squeeze %dma_wait3A_327 : memref<1x4x1x8x128xf32, #tpu.memory_space<hbm>> -> memref<4x8x128xf32, #tpu.memory_space<hbm>>
    %dma_wait3A_329 = arith.constant 0 : i32
    %dma_wait3A_330 = arith.constant 0 : i32
    %dma_wait3A_331 = arith.constant 0 : i32
    %dma_wait3A_332 = tpu.memref_slice %arg4[%dma_wait3A_318, %dma_wait3A_329, %dma_wait3A_319, %dma_wait3A_330, %dma_wait3A_331] : memref<200x4x32x8x128xf32, #tpu.memory_space<hbm>> -> memref<1x4x1x8x128xf32, #tpu.memory_space<hbm>>
    %dma_wait3A_333 = tpu.memref_squeeze %dma_wait3A_332 : memref<1x4x1x8x128xf32, #tpu.memory_space<hbm>> -> memref<4x8x128xf32, #tpu.memory_space<hbm>>
    %dma_wait3A_334 = arith.constant 0 : i32
    %dma_wait3A_335 = arith.constant 0 : i32
    %dma_wait3A_336 = arith.constant 0 : i32
    %dma_wait3A_337 = tpu.memref_slice %arg9[%dma_wait3A_334, %dma_wait3A_335, %dma_wait3A_336] : memref<4x8x129xf32, #tpu.memory_space<vmem>> -> memref<4x8x128xf32, #tpu.memory_space<vmem>>
    tpu.wait_dma2 semaphore(%arg13 : memref<!tpu.dma_semaphore, #tpu.memory_space<semaphore_mem>>) src(%dma_wait3A_337 : memref<4x8x128xf32, #tpu.memory_space<vmem>>) dst(%dma_wait3A_333 : memref<4x8x128xf32, #tpu.memory_space<hbm>>)
    %dma_wait3A_338 = arith.constant 0 : i32
    %dma_wait3A_339 = arith.constant 0 : i32
    %dma_wait3A_340 = arith.constant 0 : i32
    %dma_wait3A_341 = arith.constant 0 : i32
    %dma_wait3A_342 = arith.constant 0 : i32
    %dma_wait3A_343 = tpu.memref_slice %arg10[%dma_wait3A_340, %dma_wait3A_341, %dma_wait3A_342] : memref<4x8x129xf32, #tpu.memory_space<vmem>> -> memref<4x8x128xf32, #tpu.memory_space<vmem>>
    %dma_wait3A_344 = arith.constant 0 : i32
    %dma_wait3A_345 = arith.constant 0 : i32
    %dma_wait3A_346 = arith.constant 0 : i32
    %dma_wait3A_347 = tpu.memref_slice %arg4[%dma_wait3A_338, %dma_wait3A_344, %dma_wait3A_339, %dma_wait3A_345, %dma_wait3A_346] : memref<200x4x32x8x128xf32, #tpu.memory_space<hbm>> -> memref<1x4x1x8x128xf32, #tpu.memory_space<hbm>>
    %dma_wait3A_348 = tpu.memref_squeeze %dma_wait3A_347 : memref<1x4x1x8x128xf32, #tpu.memory_space<hbm>> -> memref<4x8x128xf32, #tpu.memory_space<hbm>>
    %dma_wait3A_349 = arith.constant 0 : i32
    %dma_wait3A_350 = arith.constant 0 : i32
    %dma_wait3A_351 = arith.constant 0 : i32
    %dma_wait3A_352 = tpu.memref_slice %arg4[%dma_wait3A_338, %dma_wait3A_349, %dma_wait3A_339, %dma_wait3A_350, %dma_wait3A_351] : memref<200x4x32x8x128xf32, #tpu.memory_space<hbm>> -> memref<1x4x1x8x128xf32, #tpu.memory_space<hbm>>
    %dma_wait3A_353 = tpu.memref_squeeze %dma_wait3A_352 : memref<1x4x1x8x128xf32, #tpu.memory_space<hbm>> -> memref<4x8x128xf32, #tpu.memory_space<hbm>>
    %dma_wait3A_354 = arith.constant 0 : i32
    %dma_wait3A_355 = arith.constant 0 : i32
    %dma_wait3A_356 = arith.constant 0 : i32
    %dma_wait3A_357 = tpu.memref_slice %arg10[%dma_wait3A_354, %dma_wait3A_355, %dma_wait3A_356] : memref<4x8x129xf32, #tpu.memory_space<vmem>> -> memref<4x8x128xf32, #tpu.memory_space<vmem>>
    tpu.wait_dma2 semaphore(%arg13 : memref<!tpu.dma_semaphore, #tpu.memory_space<semaphore_mem>>) src(%dma_wait3A_357 : memref<4x8x128xf32, #tpu.memory_space<vmem>>) dst(%dma_wait3A_353 : memref<4x8x128xf32, #tpu.memory_space<hbm>>)
    return
  }
}

</mosaic_0001>

<sc_bundles>
// kernel: kernel.3.cloned.1.call-start
scs
__scs_entry_jumppad:
0x0: {  	(pc) =	sbr.rel $0x88, $3  }
0x1: {  	(tag) =	ssettag $0x0;
	lr =	simm.s32 $0x1  }
0x2: {  	[smem:$0x3F9F] =	sst lr;
	_ =	strace $0xD0000000  }
0x3: {  	_ = 	snop  }
0x4: {  	_ = 	snop  }
0x5: {  	_ = 	snop  }
0x6: {  	_ = 	snop  }
0x7: {  	_ = 	snop  }
__scs_overlays_trampoline_lowered:
0x8: {  	[smem:$0x3FAE] =	sst s0  }
0x9: {  	[smem:$0x3FAF] =	sst s1  }
0xa: {  	[smem:$0x3FB0] =	sst s2  }
0xb: {  	[smem:$0x3FB1] =	sst s3  }
0xc: {  	[smem:$0x3FB2] =	sst s4  }
0xd: {  	[smem:$0x3FB3] =	sst s5  }
0xe: {  	[smem:$0x3FB4] =	sst s6  }
0xf: {  	[smem:$0x3FB5] =	sst s7  }
0x10: {  	[smem:$0x3FB6] =	sst s8  }
0x11: {  	[smem:$0x3FB7] =	sst s9;
	s0 =	simm.s32 @!p0 $0x0  }
0x12: {  	s1 =	sld [smem:$0x3F9D];
	s0 =	simm.s32 @p0 $0x1  }
0x13: {  	[smem:$0x3FB8] =	sst s0;
	s0 =	simm.s32 @!p1 $0x0  }
0x14: {  	s2 =	sld [smem:$0x3F9C];
	s0 =	simm.s32 @p1 $0x1  }
0x15: {  	[smem:$0x3FB9] =	sst s0;
	s0 =	simm.s32 @!p2 $0x0  }
0x16: {  	s3 =	sld [smem:$0x3FDB];
	s0 =	simm.s32 @p2 $0x1  }
0x17: {  	s4 =	simm.s32 $0x1BF5;
	[smem:$0x3FBB] =	sst s0  }
0x18: {  	s0 =	sld [smem:$0x3F9E];
	_ =	swait.ge [sflag:s4], $0x0  }
0x19: {  	s7 =	sld [smem:$0x3F9F]  }
0x1a: {  	s8 =	sadd.s32 $0xFFFFE003, lr  }
0x1b: {  	s9 =	sadd.s32 $0xFFFFFEF7, lr;
	s5 =	simm.s32 $0xFFFFFFFF;
	p2 =	slt.u32 s8, $0xFFFFF086  }
0x1c: {  	p1 =	slt.u32 s9, $0xF7A;
	s5 =	simm.s32 @!p2 $0x0  }
0x1d: {  	s5 =	simm.s32 @p1 $0x1;
	p0 =	seq.s32 s7, s2  }
0x1e: {  	s7 =	smul.u32 @!p0 $0xF7A, s2;
	p2 =	seq.s32 @!p0 s5, $0x0  }
0x1f: {  	s9 =	smul.u32 $0xF7A, s1;
	s8 =	simm.s32 @!p0 $0x1BF5;
	p2 =	por !p2, p0  }
0x20: {  	[sflag:s8] =	ssyncset.s32 @!p0 $0xFFFFF086;
	s6 =	sadd.s32 @!p0 s3, s7;
	s7 =	simm.s32 @!p0 $0x108  }
0x21: {  	s3 =	sadd.s32 s3, s9;
	s6 =	sadd.s32 @!p0 $0x88, s6;
	s7 =	simm.s32 @p2 $0x1082  }
0x22: {  	[simem:s7], [sflag:s8] =	dma.local @!p0 [hbm:s6], $0xF7A  }
0x23: {  	s9 =	sor.u32 $0xD0000000, s2;
	s6 =	simm.s32 $0x108;
	_ =	swait.ge @!p0 [sflag:s8], $0x0  }
0x24: {  	s3 =	sadd.s32 $0x88, s3;
	s6 =	simm.s32 @!p1 $0x1082;
	[sflag:s4] =	ssyncset.s32 $0xFFFFF086  }
0x25: {  	[simem:s6], [sflag:s4] =	dma.local [hbm:s3], $0xF7A  }
0x26: {  	[smem:$0x3F9F] =	sst s1;
	(tag) =	ssettag s2;
	_ =	strace s9  }
0x27: {  	s1 =	sld [smem:$0x3FAF]  }
0x28: {  	s2 =	sld [smem:$0x3FB0]  }
0x29: {  	s4 =	sld [smem:$0x3FB2]  }
0x2a: {  	p0 =	seq.s32 s5, $0x0;
	s5 =	sld [smem:$0x3FB3]  }
0x2b: {  	s6 =	sld [smem:$0x3FB4]  }
0x2c: {  	s7 =	sld [smem:$0x3FB5]  }
0x2d: {  	s3 =	simm.s32 $0x108;
	s8 =	sld [smem:$0x3FB6]  }
0x2e: {  	s3 =	simm.s32 @!p0 $0x1082;
	s9 =	sld [smem:$0x3FB7]  }
0x2f: {  	lr =	sadd.s32 s0, s3;
	s0 =	sld [smem:$0x3FAE]  }
0x30: {  	s3 =	sld [smem:$0x3FB1]  }
0x31: {  	[smem:$0x3FBA] =	sst s10  }
0x32: {  	s10 =	sld [smem:$0x3FB8];
	_ =	sdelay $0x3  }
0x33: {  	p0 =	seq.s32 s10, $0x1;
	s10 =	sld [smem:$0x3FBA];
	_ =	sdelay $0x3  }
0x34: {  	[smem:$0x3FBA] =	sst s10  }
0x35: {  	s10 =	sld [smem:$0x3FB9];
	_ =	sdelay $0x3  }
0x36: {  	p1 =	seq.s32 s10, $0x1;
	s10 =	sld [smem:$0x3FBA];
	_ =	sdelay $0x3  }
0x37: {  	[smem:$0x3FBA] =	sst s10  }
0x38: {  	s10 =	sld [smem:$0x3FBB]  }
0x39: {  	_ = 	snop;
	(pc) =	sbr.ind lr, $3  }
0x3a: {  	_ = 	snop  }
0x3b: {  	_ = 	snop  }
0x3c: {  	p2 =	seq.s32 s10, $0x1;
	s10 =	sld [smem:$0x3FBA]  }
0x3d: {  	_ =	shalt  }
0x3e: {  	_ =	shalt  }
0x3f: {  	_ =	shalt  }
0x40: {  	_ =	shalt  }
0x41: {  	_ =	shalt  }
0x42: {  	_ =	shalt  }
0x43: {  	_ =	shalt  }
0x44: {  	_ =	shalt  }
0x45: {  	_ =	shalt  }
0x46: {  	_ =	shalt  }
0x47: {  	_ =	shalt  }
0x48: {  	_ =	shalt  }
0x49: {  	_ =	shalt  }
0x4a: {  	_ =	shalt  }
0x4b: {  	_ =	shalt  }
0x4c: {  	_ =	shalt  }
0x4d: {  	_ =	shalt  }
0x4e: {  	_ =	shalt  }
0x4f: {  	_ =	shalt  }
0x50: {  	_ =	shalt  }
0x51: {  	_ =	shalt  }
0x52: {  	_ =	shalt  }
0x53: {  	_ =	shalt  }
0x54: {  	_ =	shalt  }
0x55: {  	_ =	shalt  }
0x56: {  	_ =	shalt  }
0x57: {  	_ =	shalt  }
0x58: {  	_ =	shalt  }
0x59: {  	_ =	shalt  }
0x5a: {  	_ =	shalt  }
0x5b: {  	_ =	shalt  }
0x5c: {  	_ =	shalt  }
0x5d: {  	_ =	shalt  }
0x5e: {  	_ =	shalt  }
0x5f: {  	_ =	shalt  }
0x60: {  	_ =	shalt  }
0x61: {  	_ =	shalt  }
0x62: {  	_ =	shalt  }
0x63: {  	_ =	shalt  }
0x64: {  	_ =	shalt  }
0x65: {  	_ =	shalt  }
0x66: {  	_ =	shalt  }
0x67: {  	_ =	shalt  }
0x68: {  	_ =	shalt  }
0x69: {  	_ =	shalt  }
0x6a: {  	_ =	shalt  }
0x6b: {  	_ =	shalt  }
0x6c: {  	_ =	shalt  }
0x6d: {  	_ =	shalt  }
0x6e: {  	_ =	shalt  }
0x6f: {  	_ =	shalt  }
0x70: {  	_ =	shalt  }
0x71: {  	_ =	shalt  }
0x72: {  	_ =	shalt  }
0x73: {  	_ =	shalt  }
0x74: {  	_ =	shalt  }
0x75: {  	_ =	shalt  }
0x76: {  	_ =	shalt  }
0x77: {  	_ =	shalt  }
0x78: {  	_ =	shalt  }
0x79: {  	_ =	shalt  }
0x7a: {  	_ =	shalt  }
0x7b: {  	_ =	shalt  }
0x7c: {  	_ =	shalt  }
0x7d: {  	_ =	shalt  }
0x7e: {  	_ =	shalt  }
0x7f: {  	_ =	shalt  }
0x80: {  	_ =	shalt  }
0x81: {  	_ =	shalt  }
0x82: {  	_ =	shalt  }
0x83: {  	_ =	shalt  }
0x84: {  	_ =	shalt  }
0x85: {  	_ =	shalt  }
0x86: {  	_ =	shalt  }
0x87: {  	_ =	shalt  }
.Lfunc_end0:
.L_simem_size_0:
called_computation_lowered:
.L_overlay_start_0:
0x88: {  	s2 =	sld [smem:$0x3FD9]  }
0x89: {  	s3 =	sld [smem:$0x3FFE];
	_ =	sdelay $0x1  }
0x8a: {  	s1 =	srdreg.scid  }
0x8b: {  	s0 =	sand.u32 $0x1, s1  }
0x8c: {  	s17 =	sshll.u32 s0, $0xA;
	s2 =	sadd.s32 s3, s2  }
0x8d: {  	s2 =	sadd.s32 s2, s17  }
0x8e: {  	[smem:$0x3FC6] =	sst s2  }
0x8f: {  	_ = 	snop  }
0x90: {  	s2 =	sld [smem:$0x3FC9]  }
0x91: {  	s18 =	sld [smem:$0x3FD0];
	(tm) =	ssettm $0x1  }
0x92: {  	s4 =	sld [smem:$0x3FFB];
	_ =	sdelay $0x3  }
0x93: {  	_ =	strace s4  }
0x94: {  	s4 =	sld [smem:$0x3FFC];
	_ =	sdelay $0x3  }
0x95: {  	_ =	strace s4  }
0x96: {  	s4 =	sld [smem:$0x3FFD];
	_ =	sdelay $0x3  }
0x97: {  	_ =	strace s4  }
0x98: {  	_ =	strace $0x8FFFFFFF  }
0x99: {  	s19 =	sld [smem:$0x3FDB];
	_ =	sdelay $0x1  }
0x9a: {  	s5 =	simm.s32 $_scs_section_size  }
0x9b: {  	s6 =	simm.s32 $_size__tile_overlayer_lowered;
	s7 =	simm.s32 $_tile_overlayer_lowered  }
0x9c: {  	s22 =	simm.s32 $0x1BFF;
	s21 =	sshll.u32 s7, $0x1;
	s4 =	sadd.s32 s5, s19  }
0x9d: {  	s8 =	simm.s32 $0x0;
	s20 =	sshll.u32 s6, $0x1;
	s6 =	sadd.s32 s21, s4  }
0x9e: {  	[timem:s8], [sflag:s22] =	dma.local [hbm:s6], s20  }
0x9f: {  	_ =	swait.ge [sflag:s22], s20  }
0xa0: {  	s5 =	ssub.s32 $0x0, s20;
	[sflag:s22] =	ssyncset.done $0x0  }
0xa1: {  	[sflag:s22] =	ssyncadd.s32 s5;
	_ =	sdelay $0x1  }
0xa2: {  	s23 =	simm.s32 $0x1B8B  }
0xa3: {  	_ =	swait.ge [sflag:s23], $0x1  }
0xa4: {  	[sflag:s23] =	ssyncset.done $0x0  }
0xa5: {  	s25 =	simm.s32 $0x1B8E;
	s24 =	sld [smem:$0x3FFE];
	[sflag:s23] =	ssyncadd.s32 $0xFFFFFFFF  }
0xa6: {  	s26 =	simm.s32 $execute0_lowered;
	[smem:$0x3FD2] =	sst s25  }
0xa7: {  	s6 =	sshll.u32 s26, $0x1;
	_ =	strace $0x80000046;
	[dreg:$0x1] =	wrdreg $0xFFFFFFFF  }
0xa8: {  	s28 =	simm.s32 $_size_execute0_lowered;
	s4 =	sadd.s32 s4, s6;
	[dreg:$0x0] =	wrdreg $0x0  }
0xa9: {  	s6 =	sshll.u32 s28, $0x1;
	[dreg:$0x2] =	wrdreg s4  }
0xaa: {  	[dreg:$0x3] =	wrdreg s6  }
0xab: {  	[dreg:$0x4] =	wrdreg $0xC0  }
0xac: {  	_ =	task [dreg:s8], $0x5FFFF  }
0xad: {  	[dreg:$0x1] =	wrdreg $0xFFFFFFFF  }
0xae: {  	[dreg:$0x0] =	wrdreg $0x60  }
0xaf: {  	[dreg:$0x2] =	wrdreg s2  }
0xb0: {  	[dreg:$0x3] =	wrdreg s24  }
0xb1: {  	[dreg:$0x4] =	wrdreg s18  }
0xb2: {  	[dreg:$0x5] =	wrdreg $0x9  }
0xb3: {  	_ =	task.clear_ibuf [dreg:s8], $0x6FFFF;
	_ =	strace $0x90000046  }
0xb4: {  	s29 =	simm.s32 $0x9;
	_ =	strace $0x80000048  }
0xb5: {  	_ =	swait.ge [sflag:s29], $0x1  }
0xb6: {  	[sflag:s29] =	ssyncadd.s32 $0xFFFFFFFF  }
0xb7: {  	_ =	strace $0x90000048  }
0xb8: {  	_ =	sfence  }
0xb9: {  	s30 =	sld [smem:$0x0];
	_ =	sdelay $0x2  }
0xba: {  	s31 =	sshll.u32 s1, $0xD;
	s1 =	sshrl.u32 s1, $0x2  }
0xbb: {  	s3 =	sand.u32 $0x4000, s31;
	s1 =	sadd.s32 s1, s30  }
0xbc: {  	s0 =	sor.u32 s3, s0;
	s1 =	sshll.u32 s1, $0x11  }
0xbd: {  	s0 =	sor.u32 s1, s0  }
0xbe: {  	s0 =	sadd.s32 $0x8F2B, s0  }
0xbf: {  	[sflag:s0] =	ssyncadd.remote.s32 $0x1  }
0xc0: {  	_ =	sfence.sel $0xFFFF  }
0xc1: {  	[dreg:$0x0] =	wrdreg $0xFFFFFFFF;
	(pc) =	sbr.abs _section_cstart, $3  }
0xc2: {  	[dreg:$0x1] =	wrdreg $0xFFFFFFFF  }
0xc3: {  	_ =	task.clear_ibuf [dreg:s8], $0x2FFFF;
	_ =	strace $0x9FFFFFFF  }
0xc4: {  	(tm) =	ssettm $0x7FFFFFFF  }
0xc5: {  	_ =	shalt  }
tec
execute0_lowered:
.L_overlay_start_1:
0x0: {  	(tag) =	ssettag $0x1  }
0x1: {  	s7 =	rddreg [dreg:$0x0]  }
0x2: {  	s0 =	srdreg.scid;
	s1 =	rddreg [dreg:$0x1]  }
0x3: {  	s2 =	stileid.u32;
	s3 =	rddreg [dreg:$0x2];
	s4 =	simm.s32 $0x0  }
0x4: {  	s29 =	simm.s32 $0x11900;
	s10 =	simm.s32 $0x12290;
	s14 =	simm.s32 $0x12318  }
0x5: {  	s15 =	simm.s32 $0x123A0;
	s0 =	sand.u32 $0x1, s0;
	s2 =	sshll.u32 s2, $0x1  }
0x6: {  	s28 =	simm.s32 $0x12758;
	s30 =	simm.s32 $0x127E0;
	s2 =	sor.u32 s0, s2  }
0x7: {  	s31 =	simm.s32 $0x12868;
	[smem:$0x7FF] =	sst s4;
	s8 =	smul.u32 $0x19, s2  }
0x8: {  	s1 =	sadd.s32 $0xF42800, s1;
	s0 =	ssub.s32 $0x2, s0;
	s5 =	smul.u32 $0x6400, s2  }
0x9: {  	_ =	strace $0x80000047;
	s6 =	sshrl.u32 s0, $0x1;
	s2 =	smul.u32 $0xC80, s2  }
0xa: {  	[dreg:$0x5] =	wrdreg s1;
	s0 =	ssub.s32 s0, s6;
	s6 =	simm.s32 $0x12538  }
0xb: {  	s16 =	sshrl.u32 s5, $0x3;
	s2 =	sadd.s32 s7, s2;
	s17 =	sshrl.u32 s8, $0x2  }
0xc: {  	s22 =	sand.u32 $0x7C00, s5;
	s18 =	sadd.s32 $0x2, s8;
	[dreg:$0x4] =	wrdreg s8  }
0xd: {  	s19 =	sadd.s32 $0x18, s8;
	s20 =	sadd.s32 $0x17, s8;
	[dreg:$0x6] =	wrdreg s2  }
0xe: {  	s23 =	sadd.s32 $0x3, s8;
	s0 =	smax.u32 s0, $0x1;
	[dreg:$0xa] =	wrdreg s18  }
0xf: {  	s1 =	sadd.s32 s7, s16;
	s21 =	sand.u32 $0xF8, s17;
	[dreg:$0xb] =	wrdreg s23  }
0x10: {  	s24 =	sshll.u32 s19, $0x7;
	s25 =	sshrl.u32 s20, $0x2;
	s2 =	sshll.u32 s20, $0xA  }
0x11: {  	s26 =	sshrl.u32 s19, $0x2;
	[dreg:$0x11] =	wrdreg s0;
	s16 =	simm.s32 $0x12428  }
0x12: {  	s17 =	simm.s32 $0x124B0;
	s0 =	simm.s32 $0x12978;
	[dreg:$0x9] =	wrdreg s22  }
0x13: {  	s1 =	sadd.s32 $0x80, s1;
	s5 =	sadd.s32 s7, s24;
	[dreg:$0x8] =	wrdreg s21  }
0x14: {  	s23 =	sand.u32 $0x1F8, s25;
	s2 =	sand.u32 $0x7C00, s2;
	[dreg:$0x7] =	wrdreg s1  }
0x15: {  	s24 =	simm.s32 $0x10800;
	s25 =	simm.s32 $0x12648;
	[dreg:$0xc] =	wrdreg s5  }
0x16: {  	v0 =	vlaneseq.u32;
	s7 =	simm.s32 $0x3;
	[dreg:$0xe] =	wrdreg s2;
	s1 =	sshll.u32 s19, $0xA  }
0x17: {  	v0 =	vmul.u32 $0x88, v0;
	s2 =	sand.u32 $0x1F8, s26;
	s19 =	simm.s32 $0x125C0;
	[dreg:$0xd] =	wrdreg s23  }
0x18: {  	s26 =	simm.s32 $0x126D0;
	[dreg:$0xf] =	wrdreg s2;
	s1 =	sand.u32 $0x7C00, s1  }
0x19: {  	v1 =	vadd.s32 $0x880, v0;
	s5 =	simm.s32 $0x0;
	s2 =	simm.s32 $0x128F0;
	[dreg:$0x10] =	wrdreg s1  }
.LBB2_1:
0x1a: {  	[dreg:$0x12] =	wrdreg s5  }
0x1b: {  	s1 =	rddreg [dreg:$0x6];
	s8 =	simm.s32 $0x4  }
0x1c: {  	[tilespmem:s4], [sflag:$0x4] =	stream.linear.gather [hbm4b:s1+s4], $0x400, $0x38;
	[tilespmem:$0x12A00] =	vst v63  }
0x1d: {  	_ =	swait.ge [sflag:s8], $0x400  }
0x1e: {  	s9 =	simm.s32 $0x400;
	[sflag:s8] =	ssyncset.done $0x0  }
0x1f: {  	s13 =	simm.s32 $0x800;
	s12 =	rddreg [dreg:$0x5];
	[sflag:s8] =	ssyncadd.s32 $0xFFFFFC00  }
0x20: {  	[tilespmem:s13], [sflag:$0x1] =	stream.indirect.gather [hbm4b:s12+s9], $0x20, s4, s9, $0xb8;
	[tilespmem:$0x12A00] =	vst v63  }
0x21: {  	s18 =	rddreg [dreg:$0x7]  }
0x22: {  	[tilespmem:s9], [sflag:$0x4] =	stream.linear.gather [hbm4b:s18+s4], $0x400, $0x38;
	[tilespmem:$0x12A00] =	vst v63  }
0x23: {  	_ =	swait.ge [sflag:s8], $0x400  }
0x24: {  	[sflag:s8] =	ssyncset.done $0x0  }
0x25: {  	s20 =	simm.s32 $0x8800;
	s23 =	simm.s32 $0x1;
	[sflag:s8] =	ssyncadd.s32 $0xFFFFFC00  }
0x26: {  	[tilespmem:s20], [sflag:$0x2] =	stream.indirect.gather [hbm4b:s12+s9], $0x20, s9, s9, $0xb8;
	[tilespmem:$0x12A00] =	vst v63  }
0x27: {  	_ =	swait.ge [sflag:s23], $0x8000  }
0x28: {  	s5 =	simm.s32 $0x1870;
	[sflag:s23] =	ssyncset.done $0x0  }
0x29: {  	s1 =	simm.s32 $0x840;
	s13 =	simm.s32 $0x0;
	[sflag:s23] =	ssyncadd.s32 $0xFFFF8000  }
.LBB2_2:
0x2a: {  	s8 =	simm.s32 $0x3  }
0x2b: {  	v2 =	vmov s8  }
0x2c: {  	s9 =	simm.s32 $0x1;
	v3 =	vld [tilespmem:s1+$0x20];
	v2 =	vand.u32 $0x7F, v2  }
0x2d: {  	v6 =	vld [tilespmem:s1+$0x30];
	s11 =	simm.s32 $0x2;
	v5 =	vmov s9;
	v4 =	vadd.s32 v0, v2  }
0x2e: {  	v8 =	vld [tilespmem:s1+$0xFFFFFFE0];
	v10 =	vmov s11;
	v5 =	vand.u32 $0x7D, v5;
	v7 =	vadd.s32 v1, v2  }
0x2f: {  	v11 =	vld [tilespmem:s1+$0xFFFFFFF0];
	v10 =	vand.u32 $0x7E, v10;
	v9 =	vadd.s32 v0, v5  }
0x30: {  	s12 =	simm.s32 $0x0;
	v13 =	vld [tilespmem:s1+$0x0];
	v14 =	vadd.s32 v0, v10  }
0x31: {  	v15 =	vld [tilespmem:s1+$0x10];
	s11 =	simm.s32 $0x7;
	v12 =	vmov s12;
	s8 =	sadd.s32 $0x80, s1;
	v10 =	vadd.s32 v1, v10  }
0x32: {  	v12 =	vand.u32 $0x7C, v12;
	v17 =	vld [tilespmem:s8+$0x20];
	v5 =	vadd.s32 v1, v5;
	[tilespmem:v4+s24+$0x0] =	vst.idx.msk $0xffff, v3;
	v3 =	vmov s11  }
0x33: {  	v16 =	vadd.s32 v0, v12;
	[tilespmem:v7+s24+$0x0] =	vst.idx.msk $0xffff, v6;
	v3 =	vand.u32 $0x7F, v3;
	v6 =	vld [tilespmem:s1+$0xFFFFFFC0]  }
0x34: {  	s18 =	simm.s32 $0x5;
	v19 =	vld [tilespmem:s8+$0x30];
	[tilespmem:v9+s24+$0x0] =	vst.idx.msk $0xffff, v8;
	v18 =	vadd.s32 v0, v3  }
0x35: {  	v2 =	vld [tilespmem:s1+$0xFFFFFFD0];
	v4 =	vmov s18;
	[tilespmem:v14+s24+$0x0] =	vst.idx.msk $0xffff, v13;
	v20 =	vadd.s32 v1, v3  }
0x36: {  	s20 =	simm.s32 $0x6;
	v8 =	vand.u32 $0x7D, v4;
	[tilespmem:v10+s24+$0x0] =	vst.idx.msk $0xffff, v15;
	v10 =	vadd.s32 v1, v12;
	v3 =	vld [tilespmem:s8+$0xFFFFFFD0]  }
0x37: {  	v9 =	vmov s20;
	[tilespmem:v5+s24+$0x0] =	vst.idx.msk $0xffff, v11;
	v4 =	vld [tilespmem:s8+$0xFFFFFFE0];
	v7 =	vadd.s32 v0, v8  }
0x38: {  	s23 =	simm.s32 $0x4;
	v5 =	vld [tilespmem:s8+$0xFFFFFFF0];
	v12 =	vand.u32 $0x7E, v9;
	v8 =	vadd.s32 v1, v8;
	[tilespmem:v16+s24+$0x0] =	vst.idx.msk $0xffff, v6  }
0x39: {  	s12 =	simm.s32 $0xB;
	v11 =	vmov s23;
	v9 =	vadd.s32 v0, v12;
	v6 =	vld [tilespmem:s8+$0x0];
	[tilespmem:v18+s24+$0x0] =	vst.idx.msk $0xffff, v17  }
0x3a: {  	s11 =	simm.s32 $0x8;
	v14 =	vmov s12;
	s12 =	simm.s32 $0xC;
	v13 =	vand.u32 $0x7C, v11;
	v11 =	vld [tilespmem:s8+$0x10];
	v12 =	vadd.s32 v1, v12;
	[tilespmem:v20+s24+$0x0] =	vst.idx.msk $0xffff, v19  }
.LBB2_3:
0x3b: {  	p0 =	slt.u32 s12, $0x7C;
	v14 =	vand.u32 $0x7F, v14;
	v15 =	vld [tilespmem:s8+$0xFFFFFFC0];
	v16 =	vadd.s32 v0, v13;
	s8 =	sadd.s32 $0x80, s8;
	[tilespmem:v10+s24+$0x0] =	vst.idx.msk $0xffff, v2;
	v2 =	vmov v3  }
0x3c: {  	s18 =	sadd.s32 $0x1, s11;
	v17 =	vld [tilespmem:s8+$0x20];
	v18 =	vadd.s32 v0, v14;
	[tilespmem:v7+s24+$0x0] =	vst.idx.msk $0xffff, v4  }
0x3d: {  	v4 =	vmov s18;
	v20 =	vadd.s32 v1, v14;
	v19 =	vld [tilespmem:s8+$0x30];
	[tilespmem:v8+s24+$0x0] =	vst.idx.msk $0xffff, v5  }
.Ltmp0:
0x3e: {  	v10 =	vadd.s32 v1, v13;
	s18 =	sadd.s32 $0x2, s11;
	v8 =	vand.u32 $0x7D, v4;
	v3 =	vld [tilespmem:s8+$0xFFFFFFD0];
	[tilespmem:v9+s24+$0x0] =	vst.idx.msk $0xffff, v6;
	(pc) =	sbr.rel @p0 .LBB2_3-.Ltmp0, $4  }
0x3f: {  	v7 =	vadd.s32 v0, v8;
	v6 =	vmov s18;
	v4 =	vld [tilespmem:s8+$0xFFFFFFE0];
	[tilespmem:v12+s24+$0x0] =	vst.idx.msk $0xffff, v11  }
0x40: {  	v8 =	vadd.s32 v1, v8;
	v12 =	vand.u32 $0x7E, v6;
	v5 =	vld [tilespmem:s8+$0xFFFFFFF0];
	[tilespmem:v16+s24+$0x0] =	vst.idx.msk $0xffff, v15  }
0x41: {  	s18 =	sadd.s32 $0x3, s12;
	v11 =	vmov s11;
	s11 =	smov.u32 s12;
	v9 =	vadd.s32 v0, v12;
	v6 =	vld [tilespmem:s8+$0x0];
	[tilespmem:v18+s24+$0x0] =	vst.idx.msk $0xffff, v17  }
0x42: {  	v14 =	vmov s18;
	s12 =	sadd.s32 $0x4, s12;
	v13 =	vand.u32 $0x7C, v11;
	v12 =	vadd.s32 v1, v12;
	v11 =	vld [tilespmem:s8+$0x10];
	[tilespmem:v20+s24+$0x0] =	vst.idx.msk $0xffff, v19  }
0x43: {  	_ =	sdelay $0x3  }
0x44: {  	v14 =	vand.u32 $0x7F, v14;
	v15 =	vld [tilespmem:s8+$0xFFFFFFC0];
	v16 =	vadd.s32 v0, v13;
	s23 =	sadd.s32 $0x80, s8;
	[tilespmem:v10+s24+$0x0] =	vst.idx.msk $0xffff, v2  }
0x45: {  	s12 =	sadd.s32 $0x1, s11;
	v2 =	vld [tilespmem:s23+$0x20];
	v10 =	vadd.s32 v0, v14;
	[tilespmem:v7+s24+$0x0] =	vst.idx.msk $0xffff, v4  }
0x46: {  	v4 =	vmov s12;
	v7 =	vld [tilespmem:s23+$0x30];
	v14 =	vadd.s32 v1, v14;
	[tilespmem:v8+s24+$0x0] =	vst.idx.msk $0xffff, v5  }
0x47: {  	s9 =	sadd.s32 $0x2, s11;
	v4 =	vand.u32 $0x7D, v4;
	v5 =	vadd.s32 v1, v13;
	[tilespmem:v9+s24+$0x0] =	vst.idx.msk $0xffff, v6  }
0x48: {  	v6 =	vld [tilespmem:s23+$0xFFFFFFE0];
	v8 =	vadd.s32 v0, v4;
	v9 =	vmov s9;
	[tilespmem:v12+s24+$0x0] =	vst.idx.msk $0xffff, v11  }
0x49: {  	v4 =	vadd.s32 v1, v4;
	v11 =	vld [tilespmem:s23+$0xFFFFFFF0];
	v9 =	vand.u32 $0x7E, v9;
	[tilespmem:v16+s24+$0x0] =	vst.idx.msk $0xffff, v15  }
0x4a: {  	v13 =	vld [tilespmem:s23+$0x0];
	v12 =	vmov s11;
	v15 =	vadd.s32 v0, v9;
	[tilespmem:v10+s24+$0x0] =	vst.idx.msk $0xffff, v2  }
0x4b: {  	v9 =	vadd.s32 v1, v9;
	v2 =	vand.u32 $0x7C, v12;
	v10 =	vld [tilespmem:s23+$0x10];
	[tilespmem:v14+s24+$0x0] =	vst.idx.msk $0xffff, v7  }
0x4c: {  	v7 =	vld [tilespmem:s23+$0xFFFFFFC0];
	v12 =	vadd.s32 v0, v2;
	[tilespmem:v5+s24+$0x0] =	vst.idx.msk $0xffff, v3  }
0x4d: {  	s12 =	sshll.u32 s13, $0x1;
	v3 =	vld [tilespmem:s23+$0xFFFFFFD0];
	v2 =	vadd.s32 v1, v2;
	[tilespmem:v8+s24+$0x0] =	vst.idx.msk $0xffff, v6  }
0x4e: {  	s8 =	sadd.s32 s21, s12;
	[tilespmem:v4+s24+$0x0] =	vst.idx.msk $0xffff, v11  }
0x4f: {  	s8 =	sshll.u32 s8, $0x11;
	[tilespmem:v15+s24+$0x0] =	vst.idx.msk $0xffff, v13  }
0x50: {  	s8 =	sor.u32 s22, s8;
	[tilespmem:v9+s24+$0x0] =	vst.idx.msk $0xffff, v10  }
0x51: {  	s8 =	sshrl.u32 s8, $0x3;
	[tilespmem:v12+s24+$0x0] =	vst.idx.msk $0xffff, v7  }
0x52: {  	s11 =	sadd.s32 s3, s8;
	s8 =	simm.s32 $0x0;
	[tilespmem:v2+s24+$0x0] =	vst.idx.msk $0xffff, v3  }
0x53: {  	[hbm4b:s11+s8] =	stream.linear.scatter [tilespmem:s24], [sflag:$0x3], $0x80, $0x38;
	[tilespmem:$0x12A00] =	vst v63  }
0x54: {  	s9 =	simm.s32 $0x10888;
	s18 =	sadd.s32 $0x10, s11  }
0x55: {  	[hbm4b:s18+s8] =	stream.linear.scatter [tilespmem:s9], [sflag:$0x3], $0x80, $0x38;
	[tilespmem:$0x12A00] =	vst v63  }
0x56: {  	s20 =	sadd.s32 $0x20, s11;
	s23 =	simm.s32 $0x10910  }
0x57: {  	[hbm4b:s20+s8] =	stream.linear.scatter [tilespmem:s23], [sflag:$0x3], $0x80, $0x38;
	[tilespmem:$0x12A00] =	vst v63  }
0x58: {  	s9 =	sadd.s32 $0x30, s11;
	s18 =	simm.s32 $0x10998  }
0x59: {  	[hbm4b:s9+s8] =	stream.linear.scatter [tilespmem:s18], [sflag:$0x3], $0x80, $0x38;
	[tilespmem:$0x12A00] =	vst v63  }
0x5a: {  	s20 =	sadd.s32 $0x40, s11;
	s23 =	simm.s32 $0x10A20  }
0x5b: {  	[hbm4b:s20+s8] =	stream.linear.scatter [tilespmem:s23], [sflag:$0x3], $0x80, $0x38;
	[tilespmem:$0x12A00] =	vst v63  }
0x5c: {  	s9 =	sadd.s32 $0x50, s11;
	s18 =	simm.s32 $0x10AA8  }
0x5d: {  	[hbm4b:s9+s8] =	stream.linear.scatter [tilespmem:s18], [sflag:$0x3], $0x80, $0x38;
	[tilespmem:$0x12A00] =	vst v63  }
0x5e: {  	s20 =	sadd.s32 $0x60, s11;
	s23 =	simm.s32 $0x10B30  }
0x5f: {  	[hbm4b:s20+s8] =	stream.linear.scatter [tilespmem:s23], [sflag:$0x3], $0x80, $0x38;
	[tilespmem:$0x12A00] =	vst v63  }
0x60: {  	s9 =	sadd.s32 $0x70, s11;
	s18 =	simm.s32 $0x10BB8  }
0x61: {  	[hbm4b:s9+s8] =	stream.linear.scatter [tilespmem:s18], [sflag:$0x3], $0x80, $0x38;
	[tilespmem:$0x12A00] =	vst v63  }
0x62: {  	s20 =	sadd.s32 $0x1000, s11;
	s23 =	simm.s32 $0x10C40  }
0x63: {  	[hbm4b:s20+s8] =	stream.linear.scatter [tilespmem:s23], [sflag:$0x3], $0x80, $0x38;
	[tilespmem:$0x12A00] =	vst v63  }
0x64: {  	s9 =	sadd.s32 $0x1010, s11;
	s18 =	simm.s32 $0x10CC8  }
0x65: {  	[hbm4b:s9+s8] =	stream.linear.scatter [tilespmem:s18], [sflag:$0x3], $0x80, $0x38;
	[tilespmem:$0x12A00] =	vst v63  }
0x66: {  	s20 =	sadd.s32 $0x1020, s11;
	s23 =	simm.s32 $0x10D50  }
0x67: {  	[hbm4b:s20+s8] =	stream.linear.scatter [tilespmem:s23], [sflag:$0x3], $0x80, $0x38;
	[tilespmem:$0x12A00] =	vst v63  }
0x68: {  	s9 =	sadd.s32 $0x1030, s11;
	s18 =	simm.s32 $0x10DD8  }
0x69: {  	[hbm4b:s9+s8] =	stream.linear.scatter [tilespmem:s18], [sflag:$0x3], $0x80, $0x38;
	[tilespmem:$0x12A00] =	vst v63  }
0x6a: {  	s20 =	sadd.s32 $0x1040, s11;
	s23 =	simm.s32 $0x10E60  }
0x6b: {  	[hbm4b:s20+s8] =	stream.linear.scatter [tilespmem:s23], [sflag:$0x3], $0x80, $0x38;
	[tilespmem:$0x12A00] =	vst v63  }
0x6c: {  	s9 =	sadd.s32 $0x1050, s11;
	s18 =	simm.s32 $0x10EE8  }
0x6d: {  	[hbm4b:s9+s8] =	stream.linear.scatter [tilespmem:s18], [sflag:$0x3], $0x80, $0x38;
	[tilespmem:$0x12A00] =	vst v63  }
0x6e: {  	s20 =	sadd.s32 $0x1060, s11;
	s23 =	simm.s32 $0x10F70  }
0x6f: {  	[hbm4b:s20+s8] =	stream.linear.scatter [tilespmem:s23], [sflag:$0x3], $0x80, $0x38;
	[tilespmem:$0x12A00] =	vst v63  }
0x70: {  	s9 =	sadd.s32 $0x1070, s11;
	s18 =	simm.s32 $0x10FF8  }
0x71: {  	[hbm4b:s9+s8] =	stream.linear.scatter [tilespmem:s18], [sflag:$0x3], $0x80, $0x38;
	[tilespmem:$0x12A00] =	vst v63  }
0x72: {  	s20 =	sadd.s32 $0x2000, s11;
	s23 =	simm.s32 $0x11080  }
0x73: {  	[hbm4b:s20+s8] =	stream.linear.scatter [tilespmem:s23], [sflag:$0x3], $0x80, $0x38;
	[tilespmem:$0x12A00] =	vst v63  }
0x74: {  	s9 =	sadd.s32 $0x2010, s11;
	s18 =	simm.s32 $0x11108  }
0x75: {  	[hbm4b:s9+s8] =	stream.linear.scatter [tilespmem:s18], [sflag:$0x3], $0x80, $0x38;
	[tilespmem:$0x12A00] =	vst v63  }
0x76: {  	s20 =	sadd.s32 $0x2020, s11;
	s23 =	simm.s32 $0x11190  }
0x77: {  	[hbm4b:s20+s8] =	stream.linear.scatter [tilespmem:s23], [sflag:$0x3], $0x80, $0x38;
	[tilespmem:$0x12A00] =	vst v63  }
0x78: {  	s9 =	sadd.s32 $0x2030, s11;
	s18 =	simm.s32 $0x11218  }
0x79: {  	[hbm4b:s9+s8] =	stream.linear.scatter [tilespmem:s18], [sflag:$0x3], $0x80, $0x38;
	[tilespmem:$0x12A00] =	vst v63  }
0x7a: {  	s20 =	sadd.s32 $0x2040, s11;
	s23 =	simm.s32 $0x112A0  }
0x7b: {  	[hbm4b:s20+s8] =	stream.linear.scatter [tilespmem:s23], [sflag:$0x3], $0x80, $0x38;
	[tilespmem:$0x12A00] =	vst v63  }
0x7c: {  	s9 =	sadd.s32 $0x2050, s11;
	s18 =	simm.s32 $0x11328  }
0x7d: {  	[hbm4b:s9+s8] =	stream.linear.scatter [tilespmem:s18], [sflag:$0x3], $0x80, $0x38;
	[tilespmem:$0x12A00] =	vst v63  }
0x7e: {  	s20 =	sadd.s32 $0x2060, s11;
	s23 =	simm.s32 $0x113B0  }
0x7f: {  	[hbm4b:s20+s8] =	stream.linear.scatter [tilespmem:s23], [sflag:$0x3], $0x80, $0x38;
	[tilespmem:$0x12A00] =	vst v63  }
0x80: {  	s9 =	sadd.s32 $0x2070, s11;
	s18 =	simm.s32 $0x11438  }
0x81: {  	[hbm4b:s9+s8] =	stream.linear.scatter [tilespmem:s18], [sflag:$0x3], $0x80, $0x38;
	[tilespmem:$0x12A00] =	vst v63  }
0x82: {  	s20 =	sadd.s32 $0x3000, s11;
	s23 =	simm.s32 $0x114C0  }
0x83: {  	[hbm4b:s20+s8] =	stream.linear.scatter [tilespmem:s23], [sflag:$0x3], $0x80, $0x38;
	[tilespmem:$0x12A00] =	vst v63  }
0x84: {  	s9 =	sadd.s32 $0x3010, s11;
	s18 =	simm.s32 $0x11548  }
0x85: {  	[hbm4b:s9+s8] =	stream.linear.scatter [tilespmem:s18], [sflag:$0x3], $0x80, $0x38;
	[tilespmem:$0x12A00] =	vst v63  }
0x86: {  	s20 =	sadd.s32 $0x3020, s11;
	s23 =	simm.s32 $0x115D0  }
0x87: {  	[hbm4b:s20+s8] =	stream.linear.scatter [tilespmem:s23], [sflag:$0x3], $0x80, $0x38;
	[tilespmem:$0x12A00] =	vst v63  }
0x88: {  	s9 =	sadd.s32 $0x3030, s11;
	s18 =	simm.s32 $0x11658  }
0x89: {  	[hbm4b:s9+s8] =	stream.linear.scatter [tilespmem:s18], [sflag:$0x3], $0x80, $0x38;
	[tilespmem:$0x12A00] =	vst v63  }
0x8a: {  	s20 =	sadd.s32 $0x3040, s11;
	s23 =	simm.s32 $0x116E0  }
0x8b: {  	[hbm4b:s20+s8] =	stream.linear.scatter [tilespmem:s23], [sflag:$0x3], $0x80, $0x38;
	[tilespmem:$0x12A00] =	vst v63  }
0x8c: {  	s9 =	sadd.s32 $0x3050, s11;
	s18 =	simm.s32 $0x11768  }
0x8d: {  	[hbm4b:s9+s8] =	stream.linear.scatter [tilespmem:s18], [sflag:$0x3], $0x80, $0x38;
	[tilespmem:$0x12A00] =	vst v63  }
0x8e: {  	s20 =	sadd.s32 $0x3060, s11;
	s23 =	simm.s32 $0x117F0  }
0x8f: {  	[hbm4b:s20+s8] =	stream.linear.scatter [tilespmem:s23], [sflag:$0x3], $0x80, $0x38;
	[tilespmem:$0x12A00] =	vst v63  }
0x90: {  	s11 =	sadd.s32 $0x3070, s11;
	s18 =	simm.s32 $0x3;
	s20 =	simm.s32 $0x11878  }
0x91: {  	v2 =	vmov s18;
	[hbm4b:s11+s8] =	stream.linear.scatter [tilespmem:s20], [sflag:$0x3], $0x80, $0x38;
	[tilespmem:$0x12A00] =	vst v63  }
0x92: {  	v2 =	vand.u32 $0x7F, v2;
	s23 =	simm.s32 $0x1;
	v3 =	vld [tilespmem:s5+$0xFFFFFFF0]  }
0x93: {  	s9 =	simm.s32 $0x2;
	v4 =	vadd.s32 v0, v2;
	v5 =	vmov s23;
	v6 =	vld [tilespmem:s5+$0x0]  }
0x94: {  	v10 =	vmov s9;
	v7 =	vadd.s32 v1, v2;
	v5 =	vand.u32 $0x7D, v5;
	v2 =	vld [tilespmem:s5+$0xFFFFFFA0]  }
0x95: {  	v10 =	vand.u32 $0x7E, v10;
	v8 =	vld [tilespmem:s5+$0xFFFFFFB0];
	v9 =	vadd.s32 v0, v5  }
0x96: {  	v14 =	vadd.s32 v0, v10;
	v13 =	vld [tilespmem:s5+$0xFFFFFFD0]  }
0x97: {  	s12 =	simm.s32 $0x7;
	v12 =	vmov s8;
	v10 =	vadd.s32 v1, v10;
	v15 =	vld [tilespmem:s5+$0xFFFFFFE0]  }
0x98: {  	v12 =	vand.u32 $0x7C, v12;
	v11 =	vld [tilespmem:s5+$0xFFFFFFC0];
	v5 =	vadd.s32 v1, v5;
	[tilespmem:v4+s29+$0x0] =	vst.idx.msk $0xffff, v3;
	v3 =	vmov s12  }
0x99: {  	v63 =	vadd.s32 v0, v12;
	s11 =	sadd.s32 $0x80, s5;
	[tilespmem:v7+s29+$0x0] =	vst.idx.msk $0xffff, v6;
	v3 =	vand.u32 $0x7F, v3;
	v6 =	vld [tilespmem:s5+$0xFFFFFF90]  }
0x9a: {  	s18 =	simm.s32 $0x5;
	v17 =	vld [tilespmem:s11+$0xFFFFFFF0];
	[tilespmem:v9+s29+$0x0] =	vst.idx.msk $0xffff, v8;
	v18 =	vadd.s32 v0, v3  }
0x9b: {  	v19 =	vld [tilespmem:s11+$0x0];
	v4 =	vmov s18;
	[tilespmem:v14+s29+$0x0] =	vst.idx.msk $0xffff, v13;
	v20 =	vadd.s32 v1, v3  }
0x9c: {  	s20 =	simm.s32 $0x6;
	v8 =	vand.u32 $0x7D, v4;
	[tilespmem:v10+s29+$0x0] =	vst.idx.msk $0xffff, v15;
	v10 =	vadd.s32 v1, v12;
	v3 =	vld [tilespmem:s11+$0xFFFFFFA0]  }
0x9d: {  	v9 =	vmov s20;
	[tilespmem:v5+s29+$0x0] =	vst.idx.msk $0xffff, v11;
	v4 =	vld [tilespmem:s11+$0xFFFFFFB0];
	v7 =	vadd.s32 v0, v8  }
0x9e: {  	s23 =	simm.s32 $0x4;
	v5 =	vld [tilespmem:s11+$0xFFFFFFC0];
	v12 =	vand.u32 $0x7E, v9;
	v8 =	vadd.s32 v1, v8;
	[tilespmem:v63+s29+$0x0] =	vst.idx.msk $0xffff, v6  }
0x9f: {  	s18 =	simm.s32 $0xB;
	v11 =	vmov s23;
	v9 =	vadd.s32 v0, v12;
	v6 =	vld [tilespmem:s11+$0xFFFFFFD0];
	[tilespmem:v18+s29+$0x0] =	vst.idx.msk $0xffff, v17  }
0xa0: {  	s8 =	sshllo.u32 s13, $0x1;
	s12 =	simm.s32 $0x8;
	v14 =	vmov s18;
	s18 =	simm.s32 $0xC;
	v13 =	vand.u32 $0x7C, v11;
	v11 =	vld [tilespmem:s11+$0xFFFFFFE0];
	v12 =	vadd.s32 v1, v12;
	[tilespmem:v20+s29+$0x0] =	vst.idx.msk $0xffff, v19  }
.LBB2_5:
0xa1: {  	p0 =	slt.u32 s18, $0x7C;
	v14 =	vand.u32 $0x7F, v14;
	v15 =	vld [tilespmem:s11+$0xFFFFFF90];
	v16 =	vadd.s32 v0, v13;
	s11 =	sadd.s32 $0x80, s11;
	[tilespmem:v10+s29+$0x0] =	vst.idx.msk $0xffff, v2;
	v2 =	vmov v3  }
0xa2: {  	s20 =	sadd.s32 $0x1, s12;
	v17 =	vld [tilespmem:s11+$0xFFFFFFF0];
	v18 =	vadd.s32 v0, v14;
	[tilespmem:v7+s29+$0x0] =	vst.idx.msk $0xffff, v4  }
0xa3: {  	v4 =	vmov s20;
	v20 =	vadd.s32 v1, v14;
	v19 =	vld [tilespmem:s11+$0x0];
	[tilespmem:v8+s29+$0x0] =	vst.idx.msk $0xffff, v5  }
.Ltmp1:
0xa4: {  	v10 =	vadd.s32 v1, v13;
	s20 =	sadd.s32 $0x2, s12;
	v8 =	vand.u32 $0x7D, v4;
	v3 =	vld [tilespmem:s11+$0xFFFFFFA0];
	[tilespmem:v9+s29+$0x0] =	vst.idx.msk $0xffff, v6;
	(pc) =	sbr.rel @p0 .LBB2_5-.Ltmp1, $4  }
0xa5: {  	v7 =	vadd.s32 v0, v8;
	v6 =	vmov s20;
	v4 =	vld [tilespmem:s11+$0xFFFFFFB0];
	[tilespmem:v12+s29+$0x0] =	vst.idx.msk $0xffff, v11  }
0xa6: {  	v8 =	vadd.s32 v1, v8;
	v12 =	vand.u32 $0x7E, v6;
	v5 =	vld [tilespmem:s11+$0xFFFFFFC0];
	[tilespmem:v16+s29+$0x0] =	vst.idx.msk $0xffff, v15  }
0xa7: {  	s20 =	sadd.s32 $0x3, s18;
	v11 =	vmov s12;
	s12 =	smov.u32 s18;
	v9 =	vadd.s32 v0, v12;
	v6 =	vld [tilespmem:s11+$0xFFFFFFD0];
	[tilespmem:v18+s29+$0x0] =	vst.idx.msk $0xffff, v17  }
0xa8: {  	v14 =	vmov s20;
	s18 =	sadd.s32 $0x4, s18;
	v13 =	vand.u32 $0x7C, v11;
	v12 =	vadd.s32 v1, v12;
	v11 =	vld [tilespmem:s11+$0xFFFFFFE0];
	[tilespmem:v20+s29+$0x0] =	vst.idx.msk $0xffff, v19  }
0xa9: {  	_ =	sdelay $0x3  }
0xaa: {  	v14 =	vand.u32 $0x7F, v14;
	v15 =	vld [tilespmem:s11+$0xFFFFFF90];
	v16 =	vadd.s32 v0, v13;
	s23 =	sadd.s32 $0x80, s11;
	[tilespmem:v10+s29+$0x0] =	vst.idx.msk $0xffff, v2  }
0xab: {  	s18 =	sadd.s32 $0x1, s12;
	v2 =	vld [tilespmem:s23+$0xFFFFFFF0];
	v51 =	vadd.s32 v0, v14;
	[tilespmem:v7+s29+$0x0] =	vst.idx.msk $0xffff, v4  }
0xac: {  	v54 =	vadd.s32 v1, v13;
	v52 =	vmov s18;
	[tilespmem:v8+s29+$0x0] =	vst.idx.msk $0xffff, v5  }
0xad: {  	s9 =	sadd.s32 $0x2, s12;
	v53 =	vld [tilespmem:s23+$0x0];
	v14 =	vadd.s32 v1, v14;
	v4 =	vand.u32 $0x7D, v52;
	[tilespmem:v9+s29+$0x0] =	vst.idx.msk $0xffff, v6  }
0xae: {  	v55 =	vmov s9;
	v56 =	vld [tilespmem:s23+$0xFFFFFFB0];
	v57 =	vadd.s32 v0, v4;
	[tilespmem:v12+s29+$0x0] =	vst.idx.msk $0xffff, v11  }
0xaf: {  	v58 =	vld [tilespmem:s23+$0xFFFFFFC0];
	v4 =	vadd.s32 v1, v4;
	v6 =	vand.u32 $0x7E, v55;
	[tilespmem:v16+s29+$0x0] =	vst.idx.msk $0xffff, v15  }
0xb0: {  	v59 =	vmov s12;
	v60 =	vld [tilespmem:s23+$0xFFFFFFD0];
	v61 =	vadd.s32 v0, v6;
	[tilespmem:v51+s29+$0x0] =	vst.idx.msk $0xffff, v2  }
0xb1: {  	v62 =	vld [tilespmem:s23+$0xFFFFFFE0];
	v6 =	vadd.s32 v1, v6;
	v2 =	vand.u32 $0x7C, v59;
	[tilespmem:v54+s29+$0x0] =	vst.idx.msk $0xffff, v3  }
0xb2: {  	v63 =	vld [tilespmem:s23+$0xFFFFFF90];
	[tilespmem:v14+s29+$0x0] =	vst.idx.msk $0xffff, v53;
	v12 =	vadd.s32 v0, v2  }
0xb3: {  	v3 =	vld [tilespmem:s23+$0xFFFFFFA0];
	v2 =	vadd.s32 v1, v2;
	[tilespmem:v57+s29+$0x0] =	vst.idx.msk $0xffff, v56  }
0xb4: {  	s8 =	sadd.s32 s21, s8;
	[tilespmem:v4+s29+$0x0] =	vst.idx.msk $0xffff, v58  }
0xb5: {  	s8 =	sshll.u32 s8, $0x11;
	[tilespmem:v61+s29+$0x0] =	vst.idx.msk $0xffff, v60  }
0xb6: {  	s8 =	sor.u32 s22, s8;
	[tilespmem:v6+s29+$0x0] =	vst.idx.msk $0xffff, v62  }
0xb7: {  	s8 =	sshrl.u32 s8, $0x3;
	[tilespmem:v12+s29+$0x0] =	vst.idx.msk $0xffff, v63  }
0xb8: {  	s11 =	sadd.s32 s3, s8;
	s8 =	simm.s32 $0x0;
	[tilespmem:v2+s29+$0x0] =	vst.idx.msk $0xffff, v3  }
0xb9: {  	[hbm4b:s11+s8] =	stream.linear.scatter [tilespmem:s29], [sflag:$0x3], $0x80, $0x38;
	[tilespmem:$0x12A00] =	vst v63  }
0xba: {  	s9 =	simm.s32 $0x11988;
	s18 =	sadd.s32 $0x10, s11  }
0xbb: {  	[hbm4b:s18+s8] =	stream.linear.scatter [tilespmem:s9], [sflag:$0x3], $0x80, $0x38;
	[tilespmem:$0x12A00] =	vst v63  }
0xbc: {  	s20 =	sadd.s32 $0x20, s11;
	s23 =	simm.s32 $0x11A10  }
0xbd: {  	[hbm4b:s20+s8] =	stream.linear.scatter [tilespmem:s23], [sflag:$0x3], $0x80, $0x38;
	[tilespmem:$0x12A00] =	vst v63  }
0xbe: {  	s9 =	sadd.s32 $0x30, s11;
	s18 =	simm.s32 $0x11A98  }
0xbf: {  	[hbm4b:s9+s8] =	stream.linear.scatter [tilespmem:s18], [sflag:$0x3], $0x80, $0x38;
	[tilespmem:$0x12A00] =	vst v63  }
0xc0: {  	s20 =	sadd.s32 $0x40, s11;
	s23 =	simm.s32 $0x11B20  }
0xc1: {  	[hbm4b:s20+s8] =	stream.linear.scatter [tilespmem:s23], [sflag:$0x3], $0x80, $0x38;
	[tilespmem:$0x12A00] =	vst v63  }
0xc2: {  	s9 =	sadd.s32 $0x50, s11;
	s18 =	simm.s32 $0x11BA8  }
0xc3: {  	[hbm4b:s9+s8] =	stream.linear.scatter [tilespmem:s18], [sflag:$0x3], $0x80, $0x38;
	[tilespmem:$0x12A00] =	vst v63  }
0xc4: {  	s20 =	sadd.s32 $0x60, s11;
	s23 =	simm.s32 $0x11C30  }
0xc5: {  	[hbm4b:s20+s8] =	stream.linear.scatter [tilespmem:s23], [sflag:$0x3], $0x80, $0x38;
	[tilespmem:$0x12A00] =	vst v63  }
0xc6: {  	s9 =	sadd.s32 $0x70, s11;
	s18 =	simm.s32 $0x11CB8  }
0xc7: {  	[hbm4b:s9+s8] =	stream.linear.scatter [tilespmem:s18], [sflag:$0x3], $0x80, $0x38;
	[tilespmem:$0x12A00] =	vst v63  }
0xc8: {  	s20 =	sadd.s32 $0x1000, s11;
	s23 =	simm.s32 $0x11D40  }
0xc9: {  	[hbm4b:s20+s8] =	stream.linear.scatter [tilespmem:s23], [sflag:$0x3], $0x80, $0x38;
	[tilespmem:$0x12A00] =	vst v63  }
0xca: {  	s9 =	sadd.s32 $0x1010, s11;
	s18 =	simm.s32 $0x11DC8  }
0xcb: {  	[hbm4b:s9+s8] =	stream.linear.scatter [tilespmem:s18], [sflag:$0x3], $0x80, $0x38;
	[tilespmem:$0x12A00] =	vst v63  }
0xcc: {  	s20 =	sadd.s32 $0x1020, s11;
	s23 =	simm.s32 $0x11E50  }
0xcd: {  	[hbm4b:s20+s8] =	stream.linear.scatter [tilespmem:s23], [sflag:$0x3], $0x80, $0x38;
	[tilespmem:$0x12A00] =	vst v63  }
0xce: {  	s9 =	sadd.s32 $0x1030, s11;
	s18 =	simm.s32 $0x11ED8  }
0xcf: {  	[hbm4b:s9+s8] =	stream.linear.scatter [tilespmem:s18], [sflag:$0x3], $0x80, $0x38;
	[tilespmem:$0x12A00] =	vst v63  }
0xd0: {  	s20 =	sadd.s32 $0x1040, s11;
	s23 =	simm.s32 $0x11F60  }
0xd1: {  	[hbm4b:s20+s8] =	stream.linear.scatter [tilespmem:s23], [sflag:$0x3], $0x80, $0x38;
	[tilespmem:$0x12A00] =	vst v63  }
0xd2: {  	s9 =	sadd.s32 $0x1050, s11;
	s18 =	simm.s32 $0x11FE8  }
0xd3: {  	[hbm4b:s9+s8] =	stream.linear.scatter [tilespmem:s18], [sflag:$0x3], $0x80, $0x38;
	[tilespmem:$0x12A00] =	vst v63  }
0xd4: {  	s20 =	sadd.s32 $0x1060, s11;
	s23 =	simm.s32 $0x12070  }
0xd5: {  	[hbm4b:s20+s8] =	stream.linear.scatter [tilespmem:s23], [sflag:$0x3], $0x80, $0x38;
	[tilespmem:$0x12A00] =	vst v63  }
0xd6: {  	s9 =	sadd.s32 $0x1070, s11;
	s18 =	simm.s32 $0x120F8  }
0xd7: {  	[hbm4b:s9+s8] =	stream.linear.scatter [tilespmem:s18], [sflag:$0x3], $0x80, $0x38;
	[tilespmem:$0x12A00] =	vst v63  }
0xd8: {  	s20 =	sadd.s32 $0x2000, s11;
	s23 =	simm.s32 $0x12180  }
0xd9: {  	[hbm4b:s20+s8] =	stream.linear.scatter [tilespmem:s23], [sflag:$0x3], $0x80, $0x38;
	[tilespmem:$0x12A00] =	vst v63  }
0xda: {  	s18 =	sadd.s32 $0x2010, s11;
	s20 =	simm.s32 $0x12208  }
0xdb: {  	[hbm4b:s18+s8] =	stream.linear.scatter [tilespmem:s20], [sflag:$0x3], $0x80, $0x38;
	[tilespmem:$0x12A00] =	vst v63  }
0xdc: {  	s23 =	sadd.s32 $0x2020, s11  }
0xdd: {  	[hbm4b:s23+s8] =	stream.linear.scatter [tilespmem:s10], [sflag:$0x3], $0x80, $0x38;
	[tilespmem:$0x12A00] =	vst v63  }
0xde: {  	s9 =	sadd.s32 $0x2030, s11  }
0xdf: {  	[hbm4b:s9+s8] =	stream.linear.scatter [tilespmem:s14], [sflag:$0x3], $0x80, $0x38;
	[tilespmem:$0x12A00] =	vst v63  }
0xe0: {  	s18 =	sadd.s32 $0x2040, s11  }
0xe1: {  	[hbm4b:s18+s8] =	stream.linear.scatter [tilespmem:s15], [sflag:$0x3], $0x80, $0x38;
	[tilespmem:$0x12A00] =	vst v63  }
0xe2: {  	s20 =	sadd.s32 $0x2050, s11  }
0xe3: {  	[hbm4b:s20+s8] =	stream.linear.scatter [tilespmem:s16], [sflag:$0x3], $0x80, $0x38;
	[tilespmem:$0x12A00] =	vst v63  }
0xe4: {  	s23 =	sadd.s32 $0x2060, s11  }
0xe5: {  	[hbm4b:s23+s8] =	stream.linear.scatter [tilespmem:s17], [sflag:$0x3], $0x80, $0x38;
	[tilespmem:$0x12A00] =	vst v63  }
0xe6: {  	s9 =	sadd.s32 $0x2070, s11  }
0xe7: {  	[hbm4b:s9+s8] =	stream.linear.scatter [tilespmem:s6], [sflag:$0x3], $0x80, $0x38;
	[tilespmem:$0x12A00] =	vst v63  }
0xe8: {  	s18 =	sadd.s32 $0x3000, s11  }
0xe9: {  	[hbm4b:s18+s8] =	stream.linear.scatter [tilespmem:s19], [sflag:$0x3], $0x80, $0x38;
	[tilespmem:$0x12A00] =	vst v63  }
0xea: {  	s20 =	sadd.s32 $0x3010, s11  }
0xeb: {  	[hbm4b:s20+s8] =	stream.linear.scatter [tilespmem:s25], [sflag:$0x3], $0x80, $0x38;
	[tilespmem:$0x12A00] =	vst v63  }
0xec: {  	s23 =	sadd.s32 $0x3020, s11  }
0xed: {  	[hbm4b:s23+s8] =	stream.linear.scatter [tilespmem:s26], [sflag:$0x3], $0x80, $0x38;
	[tilespmem:$0x12A00] =	vst v63  }
0xee: {  	s9 =	sadd.s32 $0x3030, s11  }
0xef: {  	[hbm4b:s9+s8] =	stream.linear.scatter [tilespmem:s28], [sflag:$0x3], $0x80, $0x38;
	[tilespmem:$0x12A00] =	vst v63  }
0xf0: {  	s13 =	sadd.s32 $0x1, s13;
	s18 =	sadd.s32 $0x3040, s11  }
0xf1: {  	[hbm4b:s18+s8] =	stream.linear.scatter [tilespmem:s30], [sflag:$0x3], $0x80, $0x38;
	[tilespmem:$0x12A00] =	vst v63  }
0xf2: {  	p0 =	sne.s32 s13, $0x4;
	s20 =	sadd.s32 $0x3050, s11  }
0xf3: {  	[hbm4b:s20+s8] =	stream.linear.scatter [tilespmem:s31], [sflag:$0x3], $0x80, $0x38;
	[tilespmem:$0x12A00] =	vst v63  }
.Ltmp2:
0xf4: {  	_ = 	snop;
	(pc) =	sbr.rel @p0 .LBB2_2-.Ltmp2, $4  }
0xf5: {  	s23 =	sadd.s32 $0x3060, s11  }
0xf6: {  	[hbm4b:s23+s8] =	stream.linear.scatter [tilespmem:s2], [sflag:$0x3], $0x80, $0x38;
	[tilespmem:$0x12A00] =	vst v63  }
0xf7: {  	s1 =	sadd.s32 $0x2000, s1;
	s5 =	sadd.s32 $0x2000, s5;
	s11 =	sadd.s32 $0x3070, s11  }
0xf8: {  	[hbm4b:s11+s8] =	stream.linear.scatter [tilespmem:s0], [sflag:$0x3], $0x80, $0x38;
	[tilespmem:$0x12A00] =	vst v63  }
0xf9: {  	s1 =	simm.s32 $0x0  }
.LBB2_8:
0xfa: {  	s11 =	sshll.u32 s1, $0x1;
	s12 =	rddreg [dreg:$0xa]  }
0xfb: {  	[dreg:$0x13] =	wrdreg s1;
	s1 =	sadd.s32 s11, s12  }
0xfc: {  	[dreg:$0x14] =	wrdreg s1;
	s1 =	sshll.u32 s1, $0x7  }
0xfd: {  	s5 =	rddreg [dreg:$0x0];
	s1 =	sand.u32 $0x1FFFFF80, s1  }
0xfe: {  	s13 =	simm.s32 $0x4;
	s1 =	sadd.s32 s5, s1  }
0xff: {  	[tilespmem:s8], [sflag:$0x4] =	stream.linear.gather [hbm4b:s1+s8], $0x400, $0x38;
	[tilespmem:$0x12A00] =	vst v63  }
0x100: {  	s20 =	simm.s32 $0x400;
	s9 =	simm.s32 $0x800;
	_ =	swait.ge [sflag:s13], $0x400  }
0x101: {  	s22 =	simm.s32 $0x2;
	[sflag:s13] =	ssyncset.done $0x0;
	s21 =	rddreg [dreg:$0x4]  }
0x102: {  	s18 =	rddreg [dreg:$0x5];
	[sflag:s13] =	ssyncadd.s32 $0xFFFFFC00;
	s1 =	sadd.s32 s11, s21  }
0x103: {  	[tilespmem:s9], [sflag:$0x1] =	stream.indirect.gather [hbm4b:s18+s20], $0x20, s8, s20, $0xb8;
	[tilespmem:$0x12A00] =	vst v63  }
0x104: {  	[dreg:$0x15] =	wrdreg s11;
	s21 =	simm.s32 $0x9870;
	s1 =	sadd.s32 $0x1, s1  }
0x105: {  	_ =	swait.ge [sflag:s22], $0x8000;
	s23 =	sshrl.u32 s1, $0x2;
	s1 =	sshll.u32 s1, $0xA  }
0x106: {  	[sflag:s22] =	ssyncset.done $0x0;
	s13 =	sand.u32 $0x1FFFFFF8, s23;
	s18 =	sand.u32 $0x7C00, s1  }
0x107: {  	s1 =	simm.s32 $0x0;
	[sflag:s22] =	ssyncadd.s32 $0xFFFF8000;
	s22 =	simm.s32 $0x8840  }
.LBB2_9:
0x108: {  	_ =	swait.ge [sflag:s7], $0x1000  }
0x109: {  	s5 =	simm.s32 $0x3;
	[sflag:s7] =	ssyncset.done $0x0  }
0x10a: {  	v2 =	vmov s5;
	[sflag:s7] =	ssyncadd.s32 $0xFFFFF000  }
0x10b: {  	s20 =	simm.s32 $0x1;
	v2 =	vand.u32 $0x7F, v2;
	v3 =	vld [tilespmem:s22+$0x20]  }
0x10c: {  	s23 =	simm.s32 $0x2;
	v5 =	vmov s20;
	v4 =	vadd.s32 v0, v2;
	v6 =	vld [tilespmem:s22+$0x30]  }
0x10d: {  	v10 =	vmov s23;
	v5 =	vand.u32 $0x7D, v5;
	v7 =	vadd.s32 v1, v2;
	v2 =	vld [tilespmem:s22+$0xFFFFFFD0]  }
0x10e: {  	v10 =	vand.u32 $0x7E, v10;
	v8 =	vld [tilespmem:s22+$0xFFFFFFE0];
	v9 =	vadd.s32 v0, v5  }
0x10f: {  	s9 =	simm.s32 $0x0;
	v13 =	vld [tilespmem:s22+$0x0];
	v14 =	vadd.s32 v0, v10  }
0x110: {  	s11 =	simm.s32 $0x7;
	v12 =	vmov s9;
	v15 =	vld [tilespmem:s22+$0x10];
	v10 =	vadd.s32 v1, v10  }
0x111: {  	v12 =	vand.u32 $0x7C, v12;
	v11 =	vld [tilespmem:s22+$0xFFFFFFF0];
	v5 =	vadd.s32 v1, v5;
	[tilespmem:v4+s24+$0x0] =	vst.idx.msk $0xffff, v3;
	v3 =	vmov s11  }
0x112: {  	s5 =	sadd.s32 $0x80, s22;
	v16 =	vadd.s32 v0, v12;
	[tilespmem:v7+s24+$0x0] =	vst.idx.msk $0xffff, v6;
	v3 =	vand.u32 $0x7F, v3;
	v6 =	vld [tilespmem:s22+$0xFFFFFFC0]  }
0x113: {  	s12 =	simm.s32 $0x5;
	v17 =	vld [tilespmem:s5+$0x20];
	[tilespmem:v9+s24+$0x0] =	vst.idx.msk $0xffff, v8;
	v18 =	vadd.s32 v0, v3  }
0x114: {  	v19 =	vld [tilespmem:s5+$0x30];
	v4 =	vmov s12;
	[tilespmem:v14+s24+$0x0] =	vst.idx.msk $0xffff, v13;
	v20 =	vadd.s32 v1, v3  }
0x115: {  	s20 =	simm.s32 $0x6;
	v8 =	vand.u32 $0x7D, v4;
	[tilespmem:v10+s24+$0x0] =	vst.idx.msk $0xffff, v15;
	v10 =	vadd.s32 v1, v12;
	v3 =	vld [tilespmem:s5+$0xFFFFFFD0]  }
0x116: {  	v9 =	vmov s20;
	[tilespmem:v5+s24+$0x0] =	vst.idx.msk $0xffff, v11;
	v4 =	vld [tilespmem:s5+$0xFFFFFFE0];
	v7 =	vadd.s32 v0, v8  }
0x117: {  	s23 =	simm.s32 $0x4;
	v5 =	vld [tilespmem:s5+$0xFFFFFFF0];
	v12 =	vand.u32 $0x7E, v9;
	v8 =	vadd.s32 v1, v8;
	[tilespmem:v16+s24+$0x0] =	vst.idx.msk $0xffff, v6  }
0x118: {  	s12 =	simm.s32 $0xB;
	v11 =	vmov s23;
	v9 =	vadd.s32 v0, v12;
	v6 =	vld [tilespmem:s5+$0x0];
	[tilespmem:v18+s24+$0x0] =	vst.idx.msk $0xffff, v17  }
0x119: {  	s11 =	simm.s32 $0x8;
	v14 =	vmov s12;
	s12 =	simm.s32 $0xC;
	v13 =	vand.u32 $0x7C, v11;
	v11 =	vld [tilespmem:s5+$0x10];
	v12 =	vadd.s32 v1, v12;
	[tilespmem:v20+s24+$0x0] =	vst.idx.msk $0xffff, v19  }
.LBB2_10:
0x11a: {  	p0 =	slt.u32 s12, $0x7C;
	v14 =	vand.u32 $0x7F, v14;
	v15 =	vld [tilespmem:s5+$0xFFFFFFC0];
	v16 =	vadd.s32 v0, v13;
	s5 =	sadd.s32 $0x80, s5;
	[tilespmem:v10+s24+$0x0] =	vst.idx.msk $0xffff, v2;
	v2 =	vmov v3  }
0x11b: {  	s20 =	sadd.s32 $0x1, s11;
	v17 =	vld [tilespmem:s5+$0x20];
	v18 =	vadd.s32 v0, v14;
	[tilespmem:v7+s24+$0x0] =	vst.idx.msk $0xffff, v4  }
0x11c: {  	v4 =	vmov s20;
	v20 =	vadd.s32 v1, v14;
	v19 =	vld [tilespmem:s5+$0x30];
	[tilespmem:v8+s24+$0x0] =	vst.idx.msk $0xffff, v5  }
.Ltmp3:
0x11d: {  	v10 =	vadd.s32 v1, v13;
	s20 =	sadd.s32 $0x2, s11;
	v8 =	vand.u32 $0x7D, v4;
	v3 =	vld [tilespmem:s5+$0xFFFFFFD0];
	[tilespmem:v9+s24+$0x0] =	vst.idx.msk $0xffff, v6;
	(pc) =	sbr.rel @p0 .LBB2_10-.Ltmp3, $4  }
0x11e: {  	v7 =	vadd.s32 v0, v8;
	v6 =	vmov s20;
	v4 =	vld [tilespmem:s5+$0xFFFFFFE0];
	[tilespmem:v12+s24+$0x0] =	vst.idx.msk $0xffff, v11  }
0x11f: {  	v8 =	vadd.s32 v1, v8;
	v12 =	vand.u32 $0x7E, v6;
	v5 =	vld [tilespmem:s5+$0xFFFFFFF0];
	[tilespmem:v16+s24+$0x0] =	vst.idx.msk $0xffff, v15  }
0x120: {  	s20 =	sadd.s32 $0x3, s12;
	v11 =	vmov s11;
	s11 =	smov.u32 s12;
	v9 =	vadd.s32 v0, v12;
	v6 =	vld [tilespmem:s5+$0x0];
	[tilespmem:v18+s24+$0x0] =	vst.idx.msk $0xffff, v17  }
0x121: {  	v14 =	vmov s20;
	s12 =	sadd.s32 $0x4, s12;
	v13 =	vand.u32 $0x7C, v11;
	v12 =	vadd.s32 v1, v12;
	v11 =	vld [tilespmem:s5+$0x10];
	[tilespmem:v20+s24+$0x0] =	vst.idx.msk $0xffff, v19  }
0x122: {  	_ =	sdelay $0x3  }
0x123: {  	v14 =	vand.u32 $0x7F, v14;
	v15 =	vld [tilespmem:s5+$0xFFFFFFC0];
	v16 =	vadd.s32 v0, v13;
	s23 =	sadd.s32 $0x80, s5;
	[tilespmem:v10+s24+$0x0] =	vst.idx.msk $0xffff, v2  }
0x124: {  	s12 =	sadd.s32 $0x1, s11;
	v2 =	vld [tilespmem:s23+$0x20];
	v10 =	vadd.s32 v0, v14;
	[tilespmem:v7+s24+$0x0] =	vst.idx.msk $0xffff, v4  }
0x125: {  	v4 =	vmov s12;
	v7 =	vld [tilespmem:s23+$0x30];
	v14 =	vadd.s32 v1, v14;
	[tilespmem:v8+s24+$0x0] =	vst.idx.msk $0xffff, v5  }
0x126: {  	s9 =	sadd.s32 $0x2, s11;
	v4 =	vand.u32 $0x7D, v4;
	v5 =	vadd.s32 v1, v13;
	[tilespmem:v9+s24+$0x0] =	vst.idx.msk $0xffff, v6  }
0x127: {  	v6 =	vld [tilespmem:s23+$0xFFFFFFE0];
	v8 =	vadd.s32 v0, v4;
	v9 =	vmov s9;
	[tilespmem:v12+s24+$0x0] =	vst.idx.msk $0xffff, v11  }
0x128: {  	v4 =	vadd.s32 v1, v4;
	v11 =	vld [tilespmem:s23+$0xFFFFFFF0];
	v9 =	vand.u32 $0x7E, v9;
	[tilespmem:v16+s24+$0x0] =	vst.idx.msk $0xffff, v15  }
0x129: {  	v13 =	vld [tilespmem:s23+$0x0];
	v12 =	vmov s11;
	v15 =	vadd.s32 v0, v9;
	[tilespmem:v10+s24+$0x0] =	vst.idx.msk $0xffff, v2  }
0x12a: {  	v9 =	vadd.s32 v1, v9;
	v2 =	vand.u32 $0x7C, v12;
	v10 =	vld [tilespmem:s23+$0x10];
	[tilespmem:v14+s24+$0x0] =	vst.idx.msk $0xffff, v7  }
0x12b: {  	v7 =	vld [tilespmem:s23+$0xFFFFFFC0];
	v12 =	vadd.s32 v0, v2;
	[tilespmem:v5+s24+$0x0] =	vst.idx.msk $0xffff, v3  }
0x12c: {  	s20 =	sshll.u32 s1, $0x1;
	v3 =	vld [tilespmem:s23+$0xFFFFFFD0];
	v2 =	vadd.s32 v1, v2;
	[tilespmem:v8+s24+$0x0] =	vst.idx.msk $0xffff, v6  }
0x12d: {  	s5 =	sadd.s32 s13, s20;
	[tilespmem:v4+s24+$0x0] =	vst.idx.msk $0xffff, v11  }
0x12e: {  	s5 =	sshll.u32 s5, $0x11;
	[tilespmem:v15+s24+$0x0] =	vst.idx.msk $0xffff, v13  }
0x12f: {  	s5 =	sor.u32 s18, s5;
	[tilespmem:v9+s24+$0x0] =	vst.idx.msk $0xffff, v10  }
0x130: {  	s5 =	sshrl.u32 s5, $0x3;
	[tilespmem:v12+s24+$0x0] =	vst.idx.msk $0xffff, v7  }
0x131: {  	s11 =	sadd.s32 s3, s5;
	s5 =	simm.s32 $0x0;
	[tilespmem:v2+s24+$0x0] =	vst.idx.msk $0xffff, v3  }
0x132: {  	[hbm4b:s11+s5] =	stream.linear.scatter [tilespmem:s24], [sflag:$0x3], $0x80, $0x38;
	[tilespmem:$0x12A00] =	vst v63  }
0x133: {  	s9 =	simm.s32 $0x10888;
	s23 =	sadd.s32 $0x10, s11  }
0x134: {  	[hbm4b:s23+s5] =	stream.linear.scatter [tilespmem:s9], [sflag:$0x3], $0x80, $0x38;
	[tilespmem:$0x12A00] =	vst v63  }
0x135: {  	s20 =	sadd.s32 $0x20, s11;
	s23 =	simm.s32 $0x10910  }
0x136: {  	[hbm4b:s20+s5] =	stream.linear.scatter [tilespmem:s23], [sflag:$0x3], $0x80, $0x38;
	[tilespmem:$0x12A00] =	vst v63  }
0x137: {  	s20 =	sadd.s32 $0x30, s11;
	s23 =	simm.s32 $0x10998  }
0x138: {  	[hbm4b:s20+s5] =	stream.linear.scatter [tilespmem:s23], [sflag:$0x3], $0x80, $0x38;
	[tilespmem:$0x12A00] =	vst v63  }
0x139: {  	s20 =	sadd.s32 $0x40, s11;
	s23 =	simm.s32 $0x10A20  }
0x13a: {  	[hbm4b:s20+s5] =	stream.linear.scatter [tilespmem:s23], [sflag:$0x3], $0x80, $0x38;
	[tilespmem:$0x12A00] =	vst v63  }
0x13b: {  	s20 =	sadd.s32 $0x50, s11;
	s23 =	simm.s32 $0x10AA8  }
0x13c: {  	[hbm4b:s20+s5] =	stream.linear.scatter [tilespmem:s23], [sflag:$0x3], $0x80, $0x38;
	[tilespmem:$0x12A00] =	vst v63  }
0x13d: {  	s20 =	sadd.s32 $0x60, s11;
	s23 =	simm.s32 $0x10B30  }
0x13e: {  	[hbm4b:s20+s5] =	stream.linear.scatter [tilespmem:s23], [sflag:$0x3], $0x80, $0x38;
	[tilespmem:$0x12A00] =	vst v63  }
0x13f: {  	s20 =	sadd.s32 $0x70, s11;
	s23 =	simm.s32 $0x10BB8  }
0x140: {  	[hbm4b:s20+s5] =	stream.linear.scatter [tilespmem:s23], [sflag:$0x3], $0x80, $0x38;
	[tilespmem:$0x12A00] =	vst v63  }
0x141: {  	s20 =	sadd.s32 $0x1000, s11;
	s23 =	simm.s32 $0x10C40  }
0x142: {  	[hbm4b:s20+s5] =	stream.linear.scatter [tilespmem:s23], [sflag:$0x3], $0x80, $0x38;
	[tilespmem:$0x12A00] =	vst v63  }
0x143: {  	s20 =	sadd.s32 $0x1010, s11;
	s23 =	simm.s32 $0x10CC8  }
0x144: {  	[hbm4b:s20+s5] =	stream.linear.scatter [tilespmem:s23], [sflag:$0x3], $0x80, $0x38;
	[tilespmem:$0x12A00] =	vst v63  }
0x145: {  	s20 =	sadd.s32 $0x1020, s11;
	s23 =	simm.s32 $0x10D50  }
0x146: {  	[hbm4b:s20+s5] =	stream.linear.scatter [tilespmem:s23], [sflag:$0x3], $0x80, $0x38;
	[tilespmem:$0x12A00] =	vst v63  }
0x147: {  	s20 =	sadd.s32 $0x1030, s11;
	s23 =	simm.s32 $0x10DD8  }
0x148: {  	[hbm4b:s20+s5] =	stream.linear.scatter [tilespmem:s23], [sflag:$0x3], $0x80, $0x38;
	[tilespmem:$0x12A00] =	vst v63  }
0x149: {  	s20 =	sadd.s32 $0x1040, s11;
	s23 =	simm.s32 $0x10E60  }
0x14a: {  	[hbm4b:s20+s5] =	stream.linear.scatter [tilespmem:s23], [sflag:$0x3], $0x80, $0x38;
	[tilespmem:$0x12A00] =	vst v63  }
0x14b: {  	s20 =	sadd.s32 $0x1050, s11;
	s23 =	simm.s32 $0x10EE8  }
0x14c: {  	[hbm4b:s20+s5] =	stream.linear.scatter [tilespmem:s23], [sflag:$0x3], $0x80, $0x38;
	[tilespmem:$0x12A00] =	vst v63  }
0x14d: {  	s20 =	sadd.s32 $0x1060, s11;
	s23 =	simm.s32 $0x10F70  }
0x14e: {  	[hbm4b:s20+s5] =	stream.linear.scatter [tilespmem:s23], [sflag:$0x3], $0x80, $0x38;
	[tilespmem:$0x12A00] =	vst v63  }
0x14f: {  	s20 =	sadd.s32 $0x1070, s11;
	s23 =	simm.s32 $0x10FF8  }
0x150: {  	[hbm4b:s20+s5] =	stream.linear.scatter [tilespmem:s23], [sflag:$0x3], $0x80, $0x38;
	[tilespmem:$0x12A00] =	vst v63  }
0x151: {  	s20 =	sadd.s32 $0x2000, s11;
	s23 =	simm.s32 $0x11080  }
0x152: {  	[hbm4b:s20+s5] =	stream.linear.scatter [tilespmem:s23], [sflag:$0x3], $0x80, $0x38;
	[tilespmem:$0x12A00] =	vst v63  }
0x153: {  	s20 =	sadd.s32 $0x2010, s11;
	s23 =	simm.s32 $0x11108  }
0x154: {  	[hbm4b:s20+s5] =	stream.linear.scatter [tilespmem:s23], [sflag:$0x3], $0x80, $0x38;
	[tilespmem:$0x12A00] =	vst v63  }
0x155: {  	s20 =	sadd.s32 $0x2020, s11;
	s23 =	simm.s32 $0x11190  }
0x156: {  	[hbm4b:s20+s5] =	stream.linear.scatter [tilespmem:s23], [sflag:$0x3], $0x80, $0x38;
	[tilespmem:$0x12A00] =	vst v63  }
0x157: {  	s20 =	sadd.s32 $0x2030, s11;
	s23 =	simm.s32 $0x11218  }
0x158: {  	[hbm4b:s20+s5] =	stream.linear.scatter [tilespmem:s23], [sflag:$0x3], $0x80, $0x38;
	[tilespmem:$0x12A00] =	vst v63  }
0x159: {  	s20 =	sadd.s32 $0x2040, s11;
	s23 =	simm.s32 $0x112A0  }
0x15a: {  	[hbm4b:s20+s5] =	stream.linear.scatter [tilespmem:s23], [sflag:$0x3], $0x80, $0x38;
	[tilespmem:$0x12A00] =	vst v63  }
0x15b: {  	s20 =	sadd.s32 $0x2050, s11;
	s23 =	simm.s32 $0x11328  }
0x15c: {  	[hbm4b:s20+s5] =	stream.linear.scatter [tilespmem:s23], [sflag:$0x3], $0x80, $0x38;
	[tilespmem:$0x12A00] =	vst v63  }
0x15d: {  	s20 =	sadd.s32 $0x2060, s11;
	s23 =	simm.s32 $0x113B0  }
0x15e: {  	[hbm4b:s20+s5] =	stream.linear.scatter [tilespmem:s23], [sflag:$0x3], $0x80, $0x38;
	[tilespmem:$0x12A00] =	vst v63  }
0x15f: {  	s20 =	sadd.s32 $0x2070, s11;
	s23 =	simm.s32 $0x11438  }
0x160: {  	[hbm4b:s20+s5] =	stream.linear.scatter [tilespmem:s23], [sflag:$0x3], $0x80, $0x38;
	[tilespmem:$0x12A00] =	vst v63  }
0x161: {  	s20 =	sadd.s32 $0x3000, s11;
	s23 =	simm.s32 $0x114C0  }
0x162: {  	[hbm4b:s20+s5] =	stream.linear.scatter [tilespmem:s23], [sflag:$0x3], $0x80, $0x38;
	[tilespmem:$0x12A00] =	vst v63  }
0x163: {  	s20 =	sadd.s32 $0x3010, s11;
	s23 =	simm.s32 $0x11548  }
0x164: {  	[hbm4b:s20+s5] =	stream.linear.scatter [tilespmem:s23], [sflag:$0x3], $0x80, $0x38;
	[tilespmem:$0x12A00] =	vst v63  }
0x165: {  	s20 =	sadd.s32 $0x3020, s11;
	s23 =	simm.s32 $0x115D0  }
0x166: {  	[hbm4b:s20+s5] =	stream.linear.scatter [tilespmem:s23], [sflag:$0x3], $0x80, $0x38;
	[tilespmem:$0x12A00] =	vst v63  }
0x167: {  	s20 =	sadd.s32 $0x3030, s11;
	s23 =	simm.s32 $0x11658  }
0x168: {  	[hbm4b:s20+s5] =	stream.linear.scatter [tilespmem:s23], [sflag:$0x3], $0x80, $0x38;
	[tilespmem:$0x12A00] =	vst v63  }
0x169: {  	s20 =	sadd.s32 $0x3040, s11;
	s23 =	simm.s32 $0x116E0  }
0x16a: {  	[hbm4b:s20+s5] =	stream.linear.scatter [tilespmem:s23], [sflag:$0x3], $0x80, $0x38;
	[tilespmem:$0x12A00] =	vst v63  }
0x16b: {  	s20 =	sadd.s32 $0x3050, s11;
	s23 =	simm.s32 $0x11768  }
0x16c: {  	[hbm4b:s20+s5] =	stream.linear.scatter [tilespmem:s23], [sflag:$0x3], $0x80, $0x38;
	[tilespmem:$0x12A00] =	vst v63  }
0x16d: {  	s9 =	sadd.s32 $0x3060, s11;
	s20 =	simm.s32 $0x117F0  }
0x16e: {  	[hbm4b:s9+s5] =	stream.linear.scatter [tilespmem:s20], [sflag:$0x3], $0x80, $0x38;
	[tilespmem:$0x12A00] =	vst v63  }
0x16f: {  	s11 =	sadd.s32 $0x3070, s11;
	s23 =	simm.s32 $0x11878  }
0x170: {  	[hbm4b:s11+s5] =	stream.linear.scatter [tilespmem:s23], [sflag:$0x3], $0x80, $0x38;
	[tilespmem:$0x12A00] =	vst v63  }
0x171: {  	_ =	swait.ge [sflag:s7], $0x1000  }
0x172: {  	s12 =	simm.s32 $0x3;
	[sflag:s7] =	ssyncset.done $0x0  }
0x173: {  	v2 =	vmov s12;
	[sflag:s7] =	ssyncadd.s32 $0xFFFFF000  }
0x174: {  	v2 =	vand.u32 $0x7F, v2;
	s20 =	simm.s32 $0x1;
	v3 =	vld [tilespmem:s21+$0xFFFFFFF0]  }
0x175: {  	v4 =	vadd.s32 v0, v2;
	v5 =	vmov s20;
	s23 =	simm.s32 $0x2;
	v6 =	vld [tilespmem:s21+$0x0]  }
0x176: {  	v7 =	vadd.s32 v1, v2;
	v5 =	vand.u32 $0x7D, v5;
	v10 =	vmov s23;
	v2 =	vld [tilespmem:s21+$0xFFFFFFA0]  }
0x177: {  	v9 =	vadd.s32 v0, v5;
	v10 =	vand.u32 $0x7E, v10;
	v8 =	vld [tilespmem:s21+$0xFFFFFFB0]  }
0x178: {  	v14 =	vadd.s32 v0, v10;
	v13 =	vld [tilespmem:s21+$0xFFFFFFD0]  }
0x179: {  	v12 =	vmov s5;
	s9 =	simm.s32 $0x7;
	v10 =	vadd.s32 v1, v10;
	v15 =	vld [tilespmem:s21+$0xFFFFFFE0]  }
0x17a: {  	v12 =	vand.u32 $0x7C, v12;
	v5 =	vadd.s32 v1, v5;
	v11 =	vld [tilespmem:s21+$0xFFFFFFC0];
	[tilespmem:v4+s29+$0x0] =	vst.idx.msk $0xffff, v3;
	v3 =	vmov s9  }
0x17b: {  	v63 =	vadd.s32 v0, v12;
	s11 =	sadd.s32 $0x80, s21;
	[tilespmem:v7+s29+$0x0] =	vst.idx.msk $0xffff, v6;
	v3 =	vand.u32 $0x7F, v3;
	v6 =	vld [tilespmem:s21+$0xFFFFFF90]  }
0x17c: {  	s12 =	simm.s32 $0x5;
	v17 =	vld [tilespmem:s11+$0xFFFFFFF0];
	[tilespmem:v9+s29+$0x0] =	vst.idx.msk $0xffff, v8;
	v18 =	vadd.s32 v0, v3  }
0x17d: {  	v19 =	vld [tilespmem:s11+$0x0];
	v4 =	vmov s12;
	[tilespmem:v14+s29+$0x0] =	vst.idx.msk $0xffff, v13;
	v20 =	vadd.s32 v1, v3  }
0x17e: {  	s20 =	simm.s32 $0x6;
	v8 =	vand.u32 $0x7D, v4;
	[tilespmem:v10+s29+$0x0] =	vst.idx.msk $0xffff, v15;
	v10 =	vadd.s32 v1, v12;
	v3 =	vld [tilespmem:s11+$0xFFFFFFA0]  }
0x17f: {  	v9 =	vmov s20;
	[tilespmem:v5+s29+$0x0] =	vst.idx.msk $0xffff, v11;
	v4 =	vld [tilespmem:s11+$0xFFFFFFB0];
	v7 =	vadd.s32 v0, v8  }
0x180: {  	s23 =	simm.s32 $0x4;
	v5 =	vld [tilespmem:s11+$0xFFFFFFC0];
	v12 =	vand.u32 $0x7E, v9;
	v8 =	vadd.s32 v1, v8;
	[tilespmem:v63+s29+$0x0] =	vst.idx.msk $0xffff, v6  }
0x181: {  	s20 =	simm.s32 $0xB;
	v11 =	vmov s23;
	v9 =	vadd.s32 v0, v12;
	v6 =	vld [tilespmem:s11+$0xFFFFFFD0];
	[tilespmem:v18+s29+$0x0] =	vst.idx.msk $0xffff, v17  }
0x182: {  	s5 =	sshllo.u32 s1, $0x1;
	s12 =	simm.s32 $0x8;
	v14 =	vmov s20;
	s20 =	simm.s32 $0xC;
	v13 =	vand.u32 $0x7C, v11;
	v11 =	vld [tilespmem:s11+$0xFFFFFFE0];
	v12 =	vadd.s32 v1, v12;
	[tilespmem:v20+s29+$0x0] =	vst.idx.msk $0xffff, v19  }
.LBB2_12:
0x183: {  	p0 =	slt.u32 s20, $0x7C;
	v14 =	vand.u32 $0x7F, v14;
	v15 =	vld [tilespmem:s11+$0xFFFFFF90];
	v16 =	vadd.s32 v0, v13;
	s11 =	sadd.s32 $0x80, s11;
	[tilespmem:v10+s29+$0x0] =	vst.idx.msk $0xffff, v2;
	v2 =	vmov v3  }
0x184: {  	s23 =	sadd.s32 $0x1, s12;
	v17 =	vld [tilespmem:s11+$0xFFFFFFF0];
	v18 =	vadd.s32 v0, v14;
	[tilespmem:v7+s29+$0x0] =	vst.idx.msk $0xffff, v4  }
0x185: {  	v4 =	vmov s23;
	v20 =	vadd.s32 v1, v14;
	v19 =	vld [tilespmem:s11+$0x0];
	[tilespmem:v8+s29+$0x0] =	vst.idx.msk $0xffff, v5  }
.Ltmp4:
0x186: {  	v10 =	vadd.s32 v1, v13;
	s23 =	sadd.s32 $0x2, s12;
	v8 =	vand.u32 $0x7D, v4;
	v3 =	vld [tilespmem:s11+$0xFFFFFFA0];
	[tilespmem:v9+s29+$0x0] =	vst.idx.msk $0xffff, v6;
	(pc) =	sbr.rel @p0 .LBB2_12-.Ltmp4, $4  }
0x187: {  	v7 =	vadd.s32 v0, v8;
	v6 =	vmov s23;
	v4 =	vld [tilespmem:s11+$0xFFFFFFB0];
	[tilespmem:v12+s29+$0x0] =	vst.idx.msk $0xffff, v11  }
0x188: {  	v8 =	vadd.s32 v1, v8;
	v12 =	vand.u32 $0x7E, v6;
	v5 =	vld [tilespmem:s11+$0xFFFFFFC0];
	[tilespmem:v16+s29+$0x0] =	vst.idx.msk $0xffff, v15  }
0x189: {  	s23 =	sadd.s32 $0x3, s20;
	v11 =	vmov s12;
	s12 =	smov.u32 s20;
	v9 =	vadd.s32 v0, v12;
	v6 =	vld [tilespmem:s11+$0xFFFFFFD0];
	[tilespmem:v18+s29+$0x0] =	vst.idx.msk $0xffff, v17  }
0x18a: {  	v14 =	vmov s23;
	s20 =	sadd.s32 $0x4, s20;
	v13 =	vand.u32 $0x7C, v11;
	v12 =	vadd.s32 v1, v12;
	v11 =	vld [tilespmem:s11+$0xFFFFFFE0];
	[tilespmem:v20+s29+$0x0] =	vst.idx.msk $0xffff, v19  }
0x18b: {  	_ =	sdelay $0x3  }
0x18c: {  	v14 =	vand.u32 $0x7F, v14;
	v15 =	vld [tilespmem:s11+$0xFFFFFF90];
	v16 =	vadd.s32 v0, v13;
	s23 =	sadd.s32 $0x80, s11;
	[tilespmem:v10+s29+$0x0] =	vst.idx.msk $0xffff, v2  }
0x18d: {  	s20 =	sadd.s32 $0x1, s12;
	v2 =	vld [tilespmem:s23+$0xFFFFFFF0];
	v51 =	vadd.s32 v0, v14;
	[tilespmem:v7+s29+$0x0] =	vst.idx.msk $0xffff, v4  }
0x18e: {  	v54 =	vadd.s32 v1, v13;
	v52 =	vmov s20;
	[tilespmem:v8+s29+$0x0] =	vst.idx.msk $0xffff, v5  }
0x18f: {  	s9 =	sadd.s32 $0x2, s12;
	v53 =	vld [tilespmem:s23+$0x0];
	v14 =	vadd.s32 v1, v14;
	v4 =	vand.u32 $0x7D, v52;
	[tilespmem:v9+s29+$0x0] =	vst.idx.msk $0xffff, v6  }
0x190: {  	v55 =	vmov s9;
	v56 =	vld [tilespmem:s23+$0xFFFFFFB0];
	v57 =	vadd.s32 v0, v4;
	[tilespmem:v12+s29+$0x0] =	vst.idx.msk $0xffff, v11  }
0x191: {  	v58 =	vld [tilespmem:s23+$0xFFFFFFC0];
	v4 =	vadd.s32 v1, v4;
	v6 =	vand.u32 $0x7E, v55;
	[tilespmem:v16+s29+$0x0] =	vst.idx.msk $0xffff, v15  }
0x192: {  	v59 =	vmov s12;
	v60 =	vld [tilespmem:s23+$0xFFFFFFD0];
	v61 =	vadd.s32 v0, v6;
	[tilespmem:v51+s29+$0x0] =	vst.idx.msk $0xffff, v2  }
0x193: {  	v62 =	vld [tilespmem:s23+$0xFFFFFFE0];
	v6 =	vadd.s32 v1, v6;
	v2 =	vand.u32 $0x7C, v59;
	[tilespmem:v54+s29+$0x0] =	vst.idx.msk $0xffff, v3  }
0x194: {  	v63 =	vld [tilespmem:s23+$0xFFFFFF90];
	[tilespmem:v14+s29+$0x0] =	vst.idx.msk $0xffff, v53;
	v12 =	vadd.s32 v0, v2  }
0x195: {  	v3 =	vld [tilespmem:s23+$0xFFFFFFA0];
	v2 =	vadd.s32 v1, v2;
	[tilespmem:v57+s29+$0x0] =	vst.idx.msk $0xffff, v56  }
0x196: {  	s5 =	sadd.s32 s13, s5;
	[tilespmem:v4+s29+$0x0] =	vst.idx.msk $0xffff, v58  }
0x197: {  	s5 =	sshll.u32 s5, $0x11;
	[tilespmem:v61+s29+$0x0] =	vst.idx.msk $0xffff, v60  }
0x198: {  	s5 =	sor.u32 s18, s5;
	[tilespmem:v6+s29+$0x0] =	vst.idx.msk $0xffff, v62  }
0x199: {  	s5 =	sshrl.u32 s5, $0x3;
	[tilespmem:v12+s29+$0x0] =	vst.idx.msk $0xffff, v63  }
0x19a: {  	s5 =	sadd.s32 s3, s5;
	[tilespmem:v2+s29+$0x0] =	vst.idx.msk $0xffff, v3  }
0x19b: {  	[hbm4b:s5+s4] =	stream.linear.scatter [tilespmem:s29], [sflag:$0x3], $0x80, $0x38;
	[tilespmem:$0x12A00] =	vst v63  }
0x19c: {  	s9 =	simm.s32 $0x11988;
	s12 =	sadd.s32 $0x10, s5  }
0x19d: {  	[hbm4b:s12+s4] =	stream.linear.scatter [tilespmem:s9], [sflag:$0x3], $0x80, $0x38;
	[tilespmem:$0x12A00] =	vst v63  }
0x19e: {  	s20 =	sadd.s32 $0x20, s5;
	s23 =	simm.s32 $0x11A10  }
0x19f: {  	[hbm4b:s20+s4] =	stream.linear.scatter [tilespmem:s23], [sflag:$0x3], $0x80, $0x38;
	[tilespmem:$0x12A00] =	vst v63  }
0x1a0: {  	s9 =	sadd.s32 $0x30, s5;
	s12 =	simm.s32 $0x11A98  }
0x1a1: {  	[hbm4b:s9+s4] =	stream.linear.scatter [tilespmem:s12], [sflag:$0x3], $0x80, $0x38;
	[tilespmem:$0x12A00] =	vst v63  }
0x1a2: {  	s20 =	sadd.s32 $0x40, s5;
	s23 =	simm.s32 $0x11B20  }
0x1a3: {  	[hbm4b:s20+s4] =	stream.linear.scatter [tilespmem:s23], [sflag:$0x3], $0x80, $0x38;
	[tilespmem:$0x12A00] =	vst v63  }
0x1a4: {  	s9 =	sadd.s32 $0x50, s5;
	s12 =	simm.s32 $0x11BA8  }
0x1a5: {  	[hbm4b:s9+s4] =	stream.linear.scatter [tilespmem:s12], [sflag:$0x3], $0x80, $0x38;
	[tilespmem:$0x12A00] =	vst v63  }
0x1a6: {  	s20 =	sadd.s32 $0x60, s5;
	s23 =	simm.s32 $0x11C30  }
0x1a7: {  	[hbm4b:s20+s4] =	stream.linear.scatter [tilespmem:s23], [sflag:$0x3], $0x80, $0x38;
	[tilespmem:$0x12A00] =	vst v63  }
0x1a8: {  	s9 =	sadd.s32 $0x70, s5;
	s12 =	simm.s32 $0x11CB8  }
0x1a9: {  	[hbm4b:s9+s4] =	stream.linear.scatter [tilespmem:s12], [sflag:$0x3], $0x80, $0x38;
	[tilespmem:$0x12A00] =	vst v63  }
0x1aa: {  	s20 =	sadd.s32 $0x1000, s5;
	s23 =	simm.s32 $0x11D40  }
0x1ab: {  	[hbm4b:s20+s4] =	stream.linear.scatter [tilespmem:s23], [sflag:$0x3], $0x80, $0x38;
	[tilespmem:$0x12A00] =	vst v63  }
0x1ac: {  	s9 =	sadd.s32 $0x1010, s5;
	s12 =	simm.s32 $0x11DC8  }
0x1ad: {  	[hbm4b:s9+s4] =	stream.linear.scatter [tilespmem:s12], [sflag:$0x3], $0x80, $0x38;
	[tilespmem:$0x12A00] =	vst v63  }
0x1ae: {  	s20 =	sadd.s32 $0x1020, s5;
	s23 =	simm.s32 $0x11E50  }
0x1af: {  	[hbm4b:s20+s4] =	stream.linear.scatter [tilespmem:s23], [sflag:$0x3], $0x80, $0x38;
	[tilespmem:$0x12A00] =	vst v63  }
0x1b0: {  	s9 =	sadd.s32 $0x1030, s5;
	s12 =	simm.s32 $0x11ED8  }
0x1b1: {  	[hbm4b:s9+s4] =	stream.linear.scatter [tilespmem:s12], [sflag:$0x3], $0x80, $0x38;
	[tilespmem:$0x12A00] =	vst v63  }
0x1b2: {  	s20 =	sadd.s32 $0x1040, s5;
	s23 =	simm.s32 $0x11F60  }
0x1b3: {  	[hbm4b:s20+s4] =	stream.linear.scatter [tilespmem:s23], [sflag:$0x3], $0x80, $0x38;
	[tilespmem:$0x12A00] =	vst v63  }
0x1b4: {  	s9 =	sadd.s32 $0x1050, s5;
	s12 =	simm.s32 $0x11FE8  }
0x1b5: {  	[hbm4b:s9+s4] =	stream.linear.scatter [tilespmem:s12], [sflag:$0x3], $0x80, $0x38;
	[tilespmem:$0x12A00] =	vst v63  }
0x1b6: {  	s20 =	sadd.s32 $0x1060, s5;
	s23 =	simm.s32 $0x12070  }
0x1b7: {  	[hbm4b:s20+s4] =	stream.linear.scatter [tilespmem:s23], [sflag:$0x3], $0x80, $0x38;
	[tilespmem:$0x12A00] =	vst v63  }
0x1b8: {  	s9 =	sadd.s32 $0x1070, s5;
	s12 =	simm.s32 $0x120F8  }
0x1b9: {  	[hbm4b:s9+s4] =	stream.linear.scatter [tilespmem:s12], [sflag:$0x3], $0x80, $0x38;
	[tilespmem:$0x12A00] =	vst v63  }
0x1ba: {  	s20 =	sadd.s32 $0x2000, s5;
	s23 =	simm.s32 $0x12180  }
0x1bb: {  	[hbm4b:s20+s4] =	stream.linear.scatter [tilespmem:s23], [sflag:$0x3], $0x80, $0x38;
	[tilespmem:$0x12A00] =	vst v63  }
0x1bc: {  	s12 =	sadd.s32 $0x2010, s5;
	s20 =	simm.s32 $0x12208  }
0x1bd: {  	[hbm4b:s12+s4] =	stream.linear.scatter [tilespmem:s20], [sflag:$0x3], $0x80, $0x38;
	[tilespmem:$0x12A00] =	vst v63  }
0x1be: {  	s23 =	sadd.s32 $0x2020, s5  }
0x1bf: {  	[hbm4b:s23+s4] =	stream.linear.scatter [tilespmem:s10], [sflag:$0x3], $0x80, $0x38;
	[tilespmem:$0x12A00] =	vst v63  }
0x1c0: {  	s9 =	sadd.s32 $0x2030, s5  }
0x1c1: {  	[hbm4b:s9+s4] =	stream.linear.scatter [tilespmem:s14], [sflag:$0x3], $0x80, $0x38;
	[tilespmem:$0x12A00] =	vst v63  }
0x1c2: {  	s12 =	sadd.s32 $0x2040, s5  }
0x1c3: {  	[hbm4b:s12+s4] =	stream.linear.scatter [tilespmem:s15], [sflag:$0x3], $0x80, $0x38;
	[tilespmem:$0x12A00] =	vst v63  }
0x1c4: {  	s20 =	sadd.s32 $0x2050, s5  }
0x1c5: {  	[hbm4b:s20+s4] =	stream.linear.scatter [tilespmem:s16], [sflag:$0x3], $0x80, $0x38;
	[tilespmem:$0x12A00] =	vst v63  }
0x1c6: {  	s23 =	sadd.s32 $0x2060, s5  }
0x1c7: {  	[hbm4b:s23+s4] =	stream.linear.scatter [tilespmem:s17], [sflag:$0x3], $0x80, $0x38;
	[tilespmem:$0x12A00] =	vst v63  }
0x1c8: {  	s9 =	sadd.s32 $0x2070, s5  }
0x1c9: {  	[hbm4b:s9+s4] =	stream.linear.scatter [tilespmem:s6], [sflag:$0x3], $0x80, $0x38;
	[tilespmem:$0x12A00] =	vst v63  }
0x1ca: {  	s12 =	sadd.s32 $0x3000, s5  }
0x1cb: {  	[hbm4b:s12+s4] =	stream.linear.scatter [tilespmem:s19], [sflag:$0x3], $0x80, $0x38;
	[tilespmem:$0x12A00] =	vst v63  }
0x1cc: {  	s20 =	sadd.s32 $0x3010, s5  }
0x1cd: {  	[hbm4b:s20+s4] =	stream.linear.scatter [tilespmem:s25], [sflag:$0x3], $0x80, $0x38;
	[tilespmem:$0x12A00] =	vst v63  }
0x1ce: {  	s23 =	sadd.s32 $0x3020, s5  }
0x1cf: {  	[hbm4b:s23+s4] =	stream.linear.scatter [tilespmem:s26], [sflag:$0x3], $0x80, $0x38;
	[tilespmem:$0x12A00] =	vst v63  }
0x1d0: {  	s9 =	sadd.s32 $0x3030, s5  }
0x1d1: {  	[hbm4b:s9+s4] =	stream.linear.scatter [tilespmem:s28], [sflag:$0x3], $0x80, $0x38;
	[tilespmem:$0x12A00] =	vst v63  }
0x1d2: {  	s1 =	sadd.s32 $0x1, s1;
	s12 =	sadd.s32 $0x3040, s5  }
0x1d3: {  	[hbm4b:s12+s4] =	stream.linear.scatter [tilespmem:s30], [sflag:$0x3], $0x80, $0x38;
	[tilespmem:$0x12A00] =	vst v63  }
0x1d4: {  	p0 =	sne.s32 s1, $0x4;
	s20 =	sadd.s32 $0x3050, s5  }
0x1d5: {  	[hbm4b:s20+s4] =	stream.linear.scatter [tilespmem:s31], [sflag:$0x3], $0x80, $0x38;
	[tilespmem:$0x12A00] =	vst v63  }
.Ltmp5:
0x1d6: {  	_ = 	snop;
	(pc) =	sbr.rel @p0 .LBB2_9-.Ltmp5, $4  }
0x1d7: {  	s23 =	sadd.s32 $0x3060, s5  }
0x1d8: {  	[hbm4b:s23+s4] =	stream.linear.scatter [tilespmem:s2], [sflag:$0x3], $0x80, $0x38;
	[tilespmem:$0x12A00] =	vst v63  }
0x1d9: {  	s22 =	sadd.s32 $0x2000, s22;
	s21 =	sadd.s32 $0x2000, s21;
	s5 =	sadd.s32 $0x3070, s5  }
0x1da: {  	[hbm4b:s5+s4] =	stream.linear.scatter [tilespmem:s0], [sflag:$0x3], $0x80, $0x38;
	[tilespmem:$0x12A00] =	vst v63  }
0x1db: {  	s1 =	rddreg [dreg:$0xb]  }
0x1dc: {  	s5 =	rddreg [dreg:$0x15]  }
0x1dd: {  	s1 =	sadd.s32 s5, s1  }
0x1de: {  	s1 =	sshll.u32 s1, $0x7  }
0x1df: {  	s11 =	rddreg [dreg:$0x0];
	s13 =	simm.s32 $0x0;
	s1 =	sand.u32 $0x1FFFFF80, s1  }
0x1e0: {  	s12 =	simm.s32 $0x400;
	s18 =	simm.s32 $0x4;
	s1 =	sadd.s32 s11, s1  }
0x1e1: {  	[tilespmem:s12], [sflag:$0x4] =	stream.linear.gather [hbm4b:s1+s13], $0x400, $0x38;
	[tilespmem:$0x12A00] =	vst v63  }
0x1e2: {  	_ =	swait.ge [sflag:s18], $0x400  }
0x1e3: {  	s9 =	simm.s32 $0x8800;
	[sflag:s18] =	ssyncset.done $0x0  }
0x1e4: {  	s21 =	simm.s32 $0x1;
	s20 =	rddreg [dreg:$0x5];
	[sflag:s18] =	ssyncadd.s32 $0xFFFFFC00  }
0x1e5: {  	[tilespmem:s9], [sflag:$0x2] =	stream.indirect.gather [hbm4b:s20+s12], $0x20, s12, s12, $0xb8;
	[tilespmem:$0x12A00] =	vst v63  }
0x1e6: {  	_ =	swait.ge [sflag:s21], $0x8000  }
0x1e7: {  	s22 =	rddreg [dreg:$0x14]  }
0x1e8: {  	s1 =	simm.s32 $0x1870;
	[sflag:s21] =	ssyncset.done $0x0;
	s23 =	sshrl.u32 s22, $0x2  }
0x1e9: {  	s5 =	sshll.u32 s22, $0xA;
	[sflag:s21] =	ssyncadd.s32 $0xFFFF8000;
	s21 =	simm.s32 $0x840  }
0x1ea: {  	s18 =	sand.u32 $0x1FFFFFF8, s23;
	s22 =	sand.u32 $0x7C00, s5;
	s5 =	simm.s32 $0x0  }
.LBB2_15:
0x1eb: {  	_ =	swait.ge [sflag:s7], $0x1000  }
0x1ec: {  	s11 =	simm.s32 $0x3;
	[sflag:s7] =	ssyncset.done $0x0  }
0x1ed: {  	v2 =	vmov s11;
	[sflag:s7] =	ssyncadd.s32 $0xFFFFF000  }
0x1ee: {  	s23 =	simm.s32 $0x1;
	v2 =	vand.u32 $0x7F, v2;
	v3 =	vld [tilespmem:s21+$0x20]  }
0x1ef: {  	s9 =	simm.s32 $0x2;
	v5 =	vmov s23;
	v4 =	vadd.s32 v0, v2;
	v6 =	vld [tilespmem:s21+$0x30]  }
0x1f0: {  	v10 =	vmov s9;
	v5 =	vand.u32 $0x7D, v5;
	v7 =	vadd.s32 v1, v2;
	v2 =	vld [tilespmem:s21+$0xFFFFFFD0]  }
0x1f1: {  	v10 =	vand.u32 $0x7E, v10;
	v8 =	vld [tilespmem:s21+$0xFFFFFFE0];
	v9 =	vadd.s32 v0, v5  }
0x1f2: {  	v13 =	vld [tilespmem:s21+$0x0];
	v14 =	vadd.s32 v0, v10  }
0x1f3: {  	s12 =	simm.s32 $0x7;
	v12 =	vmov s13;
	v15 =	vld [tilespmem:s21+$0x10];
	v10 =	vadd.s32 v1, v10  }
0x1f4: {  	v12 =	vand.u32 $0x7C, v12;
	v11 =	vld [tilespmem:s21+$0xFFFFFFF0];
	v5 =	vadd.s32 v1, v5;
	[tilespmem:v4+s24+$0x0] =	vst.idx.msk $0xffff, v3;
	v3 =	vmov s12  }
0x1f5: {  	s11 =	sadd.s32 $0x80, s21;
	v16 =	vadd.s32 v0, v12;
	[tilespmem:v7+s24+$0x0] =	vst.idx.msk $0xffff, v6;
	v3 =	vand.u32 $0x7F, v3;
	v6 =	vld [tilespmem:s21+$0xFFFFFFC0]  }
0x1f6: {  	v17 =	vld [tilespmem:s11+$0x20];
	[tilespmem:v9+s24+$0x0] =	vst.idx.msk $0xffff, v8;
	s12 =	simm.s32 $0x5;
	v18 =	vadd.s32 v0, v3  }
0x1f7: {  	v19 =	vld [tilespmem:s11+$0x30];
	[tilespmem:v14+s24+$0x0] =	vst.idx.msk $0xffff, v13;
	v4 =	vmov s12;
	v20 =	vadd.s32 v1, v3  }
0x1f8: {  	s20 =	simm.s32 $0x6;
	[tilespmem:v10+s24+$0x0] =	vst.idx.msk $0xffff, v15;
	v10 =	vadd.s32 v1, v12;
	v3 =	vld [tilespmem:s11+$0xFFFFFFD0];
	v8 =	vand.u32 $0x7D, v4  }
0x1f9: {  	v9 =	vmov s20;
	[tilespmem:v5+s24+$0x0] =	vst.idx.msk $0xffff, v11;
	v4 =	vld [tilespmem:s11+$0xFFFFFFE0];
	v7 =	vadd.s32 v0, v8  }
0x1fa: {  	s23 =	simm.s32 $0x4;
	v5 =	vld [tilespmem:s11+$0xFFFFFFF0];
	v12 =	vand.u32 $0x7E, v9;
	v8 =	vadd.s32 v1, v8;
	[tilespmem:v16+s24+$0x0] =	vst.idx.msk $0xffff, v6  }
0x1fb: {  	s20 =	simm.s32 $0xB;
	v11 =	vmov s23;
	v9 =	vadd.s32 v0, v12;
	v6 =	vld [tilespmem:s11+$0x0];
	[tilespmem:v18+s24+$0x0] =	vst.idx.msk $0xffff, v17  }
0x1fc: {  	s12 =	simm.s32 $0x8;
	v14 =	vmov s20;
	s20 =	simm.s32 $0xC;
	v13 =	vand.u32 $0x7C, v11;
	v11 =	vld [tilespmem:s11+$0x10];
	v12 =	vadd.s32 v1, v12;
	[tilespmem:v20+s24+$0x0] =	vst.idx.msk $0xffff, v19  }
.LBB2_16:
0x1fd: {  	p0 =	slt.u32 s20, $0x7C;
	v14 =	vand.u32 $0x7F, v14;
	v15 =	vld [tilespmem:s11+$0xFFFFFFC0];
	v16 =	vadd.s32 v0, v13;
	s11 =	sadd.s32 $0x80, s11;
	[tilespmem:v10+s24+$0x0] =	vst.idx.msk $0xffff, v2;
	v2 =	vmov v3  }
0x1fe: {  	s23 =	sadd.s32 $0x1, s12;
	v17 =	vld [tilespmem:s11+$0x20];
	v18 =	vadd.s32 v0, v14;
	[tilespmem:v7+s24+$0x0] =	vst.idx.msk $0xffff, v4  }
0x1ff: {  	v4 =	vmov s23;
	v20 =	vadd.s32 v1, v14;
	v19 =	vld [tilespmem:s11+$0x30];
	[tilespmem:v8+s24+$0x0] =	vst.idx.msk $0xffff, v5  }
.Ltmp6:
0x200: {  	v10 =	vadd.s32 v1, v13;
	s23 =	sadd.s32 $0x2, s12;
	v8 =	vand.u32 $0x7D, v4;
	v3 =	vld [tilespmem:s11+$0xFFFFFFD0];
	[tilespmem:v9+s24+$0x0] =	vst.idx.msk $0xffff, v6;
	(pc) =	sbr.rel @p0 .LBB2_16-.Ltmp6, $4  }
0x201: {  	v7 =	vadd.s32 v0, v8;
	v6 =	vmov s23;
	v4 =	vld [tilespmem:s11+$0xFFFFFFE0];
	[tilespmem:v12+s24+$0x0] =	vst.idx.msk $0xffff, v11  }
0x202: {  	v8 =	vadd.s32 v1, v8;
	v12 =	vand.u32 $0x7E, v6;
	v5 =	vld [tilespmem:s11+$0xFFFFFFF0];
	[tilespmem:v16+s24+$0x0] =	vst.idx.msk $0xffff, v15  }
0x203: {  	s23 =	sadd.s32 $0x3, s20;
	v11 =	vmov s12;
	s12 =	smov.u32 s20;
	v9 =	vadd.s32 v0, v12;
	v6 =	vld [tilespmem:s11+$0x0];
	[tilespmem:v18+s24+$0x0] =	vst.idx.msk $0xffff, v17  }
0x204: {  	v14 =	vmov s23;
	s20 =	sadd.s32 $0x4, s20;
	v13 =	vand.u32 $0x7C, v11;
	v12 =	vadd.s32 v1, v12;
	v11 =	vld [tilespmem:s11+$0x10];
	[tilespmem:v20+s24+$0x0] =	vst.idx.msk $0xffff, v19  }
0x205: {  	_ =	sdelay $0x3  }
0x206: {  	v14 =	vand.u32 $0x7F, v14;
	v15 =	vld [tilespmem:s11+$0xFFFFFFC0];
	v16 =	vadd.s32 v0, v13;
	s23 =	sadd.s32 $0x80, s11;
	[tilespmem:v10+s24+$0x0] =	vst.idx.msk $0xffff, v2  }
0x207: {  	s20 =	sadd.s32 $0x1, s12;
	v2 =	vld [tilespmem:s23+$0x20];
	v10 =	vadd.s32 v0, v14;
	[tilespmem:v7+s24+$0x0] =	vst.idx.msk $0xffff, v4  }
0x208: {  	v4 =	vmov s20;
	v7 =	vld [tilespmem:s23+$0x30];
	v14 =	vadd.s32 v1, v14;
	[tilespmem:v8+s24+$0x0] =	vst.idx.msk $0xffff, v5  }
0x209: {  	s9 =	sadd.s32 $0x2, s12;
	v4 =	vand.u32 $0x7D, v4;
	v5 =	vadd.s32 v1, v13;
	[tilespmem:v9+s24+$0x0] =	vst.idx.msk $0xffff, v6  }
0x20a: {  	v6 =	vld [tilespmem:s23+$0xFFFFFFE0];
	v8 =	vadd.s32 v0, v4;
	v9 =	vmov s9;
	[tilespmem:v12+s24+$0x0] =	vst.idx.msk $0xffff, v11  }
0x20b: {  	v4 =	vadd.s32 v1, v4;
	v11 =	vld [tilespmem:s23+$0xFFFFFFF0];
	v9 =	vand.u32 $0x7E, v9;
	[tilespmem:v16+s24+$0x0] =	vst.idx.msk $0xffff, v15  }
0x20c: {  	v13 =	vld [tilespmem:s23+$0x0];
	v12 =	vmov s12;
	v15 =	vadd.s32 v0, v9;
	[tilespmem:v10+s24+$0x0] =	vst.idx.msk $0xffff, v2  }
0x20d: {  	v9 =	vadd.s32 v1, v9;
	v2 =	vand.u32 $0x7C, v12;
	v10 =	vld [tilespmem:s23+$0x10];
	[tilespmem:v14+s24+$0x0] =	vst.idx.msk $0xffff, v7  }
0x20e: {  	v7 =	vld [tilespmem:s23+$0xFFFFFFC0];
	v12 =	vadd.s32 v0, v2;
	[tilespmem:v5+s24+$0x0] =	vst.idx.msk $0xffff, v3  }
0x20f: {  	s20 =	sshll.u32 s5, $0x1;
	v3 =	vld [tilespmem:s23+$0xFFFFFFD0];
	v2 =	vadd.s32 v1, v2;
	[tilespmem:v8+s24+$0x0] =	vst.idx.msk $0xffff, v6  }
0x210: {  	s11 =	sadd.s32 s18, s20;
	[tilespmem:v4+s24+$0x0] =	vst.idx.msk $0xffff, v11  }
0x211: {  	s11 =	sshll.u32 s11, $0x11;
	[tilespmem:v15+s24+$0x0] =	vst.idx.msk $0xffff, v13  }
0x212: {  	s11 =	sor.u32 s22, s11;
	[tilespmem:v9+s24+$0x0] =	vst.idx.msk $0xffff, v10  }
0x213: {  	s11 =	sshrl.u32 s11, $0x3;
	[tilespmem:v12+s24+$0x0] =	vst.idx.msk $0xffff, v7  }
0x214: {  	s12 =	sadd.s32 s3, s11;
	s11 =	simm.s32 $0x0;
	[tilespmem:v2+s24+$0x0] =	vst.idx.msk $0xffff, v3  }
0x215: {  	[hbm4b:s12+s11] =	stream.linear.scatter [tilespmem:s24], [sflag:$0x3], $0x80, $0x38;
	[tilespmem:$0x12A00] =	vst v63  }
0x216: {  	s9 =	simm.s32 $0x10888;
	s23 =	sadd.s32 $0x10, s12  }
0x217: {  	[hbm4b:s23+s11] =	stream.linear.scatter [tilespmem:s9], [sflag:$0x3], $0x80, $0x38;
	[tilespmem:$0x12A00] =	vst v63  }
0x218: {  	s9 =	sadd.s32 $0x20, s12;
	s23 =	simm.s32 $0x10910  }
0x219: {  	[hbm4b:s9+s11] =	stream.linear.scatter [tilespmem:s23], [sflag:$0x3], $0x80, $0x38;
	[tilespmem:$0x12A00] =	vst v63  }
0x21a: {  	s9 =	sadd.s32 $0x30, s12;
	s23 =	simm.s32 $0x10998  }
0x21b: {  	[hbm4b:s9+s11] =	stream.linear.scatter [tilespmem:s23], [sflag:$0x3], $0x80, $0x38;
	[tilespmem:$0x12A00] =	vst v63  }
0x21c: {  	s9 =	sadd.s32 $0x40, s12;
	s23 =	simm.s32 $0x10A20  }
0x21d: {  	[hbm4b:s9+s11] =	stream.linear.scatter [tilespmem:s23], [sflag:$0x3], $0x80, $0x38;
	[tilespmem:$0x12A00] =	vst v63  }
0x21e: {  	s9 =	sadd.s32 $0x50, s12;
	s23 =	simm.s32 $0x10AA8  }
0x21f: {  	[hbm4b:s9+s11] =	stream.linear.scatter [tilespmem:s23], [sflag:$0x3], $0x80, $0x38;
	[tilespmem:$0x12A00] =	vst v63  }
0x220: {  	s9 =	sadd.s32 $0x60, s12;
	s23 =	simm.s32 $0x10B30  }
0x221: {  	[hbm4b:s9+s11] =	stream.linear.scatter [tilespmem:s23], [sflag:$0x3], $0x80, $0x38;
	[tilespmem:$0x12A00] =	vst v63  }
0x222: {  	s9 =	sadd.s32 $0x70, s12;
	s23 =	simm.s32 $0x10BB8  }
0x223: {  	[hbm4b:s9+s11] =	stream.linear.scatter [tilespmem:s23], [sflag:$0x3], $0x80, $0x38;
	[tilespmem:$0x12A00] =	vst v63  }
0x224: {  	s9 =	sadd.s32 $0x1000, s12;
	s23 =	simm.s32 $0x10C40  }
0x225: {  	[hbm4b:s9+s11] =	stream.linear.scatter [tilespmem:s23], [sflag:$0x3], $0x80, $0x38;
	[tilespmem:$0x12A00] =	vst v63  }
0x226: {  	s9 =	sadd.s32 $0x1010, s12;
	s23 =	simm.s32 $0x10CC8  }
0x227: {  	[hbm4b:s9+s11] =	stream.linear.scatter [tilespmem:s23], [sflag:$0x3], $0x80, $0x38;
	[tilespmem:$0x12A00] =	vst v63  }
0x228: {  	s9 =	sadd.s32 $0x1020, s12;
	s23 =	simm.s32 $0x10D50  }
0x229: {  	[hbm4b:s9+s11] =	stream.linear.scatter [tilespmem:s23], [sflag:$0x3], $0x80, $0x38;
	[tilespmem:$0x12A00] =	vst v63  }
0x22a: {  	s9 =	sadd.s32 $0x1030, s12;
	s23 =	simm.s32 $0x10DD8  }
0x22b: {  	[hbm4b:s9+s11] =	stream.linear.scatter [tilespmem:s23], [sflag:$0x3], $0x80, $0x38;
	[tilespmem:$0x12A00] =	vst v63  }
0x22c: {  	s9 =	sadd.s32 $0x1040, s12;
	s23 =	simm.s32 $0x10E60  }
0x22d: {  	[hbm4b:s9+s11] =	stream.linear.scatter [tilespmem:s23], [sflag:$0x3], $0x80, $0x38;
	[tilespmem:$0x12A00] =	vst v63  }
0x22e: {  	s9 =	sadd.s32 $0x1050, s12;
	s23 =	simm.s32 $0x10EE8  }
0x22f: {  	[hbm4b:s9+s11] =	stream.linear.scatter [tilespmem:s23], [sflag:$0x3], $0x80, $0x38;
	[tilespmem:$0x12A00] =	vst v63  }
0x230: {  	s9 =	sadd.s32 $0x1060, s12;
	s23 =	simm.s32 $0x10F70  }
0x231: {  	[hbm4b:s9+s11] =	stream.linear.scatter [tilespmem:s23], [sflag:$0x3], $0x80, $0x38;
	[tilespmem:$0x12A00] =	vst v63  }
0x232: {  	s9 =	sadd.s32 $0x1070, s12;
	s23 =	simm.s32 $0x10FF8  }
0x233: {  	[hbm4b:s9+s11] =	stream.linear.scatter [tilespmem:s23], [sflag:$0x3], $0x80, $0x38;
	[tilespmem:$0x12A00] =	vst v63  }
0x234: {  	s9 =	sadd.s32 $0x2000, s12;
	s23 =	simm.s32 $0x11080  }
0x235: {  	[hbm4b:s9+s11] =	stream.linear.scatter [tilespmem:s23], [sflag:$0x3], $0x80, $0x38;
	[tilespmem:$0x12A00] =	vst v63  }
0x236: {  	s9 =	sadd.s32 $0x2010, s12;
	s23 =	simm.s32 $0x11108  }
0x237: {  	[hbm4b:s9+s11] =	stream.linear.scatter [tilespmem:s23], [sflag:$0x3], $0x80, $0x38;
	[tilespmem:$0x12A00] =	vst v63  }
0x238: {  	s9 =	sadd.s32 $0x2020, s12;
	s23 =	simm.s32 $0x11190  }
0x239: {  	[hbm4b:s9+s11] =	stream.linear.scatter [tilespmem:s23], [sflag:$0x3], $0x80, $0x38;
	[tilespmem:$0x12A00] =	vst v63  }
0x23a: {  	s9 =	sadd.s32 $0x2030, s12;
	s23 =	simm.s32 $0x11218  }
0x23b: {  	[hbm4b:s9+s11] =	stream.linear.scatter [tilespmem:s23], [sflag:$0x3], $0x80, $0x38;
	[tilespmem:$0x12A00] =	vst v63  }
0x23c: {  	s9 =	sadd.s32 $0x2040, s12;
	s23 =	simm.s32 $0x112A0  }
0x23d: {  	[hbm4b:s9+s11] =	stream.linear.scatter [tilespmem:s23], [sflag:$0x3], $0x80, $0x38;
	[tilespmem:$0x12A00] =	vst v63  }
0x23e: {  	s9 =	sadd.s32 $0x2050, s12;
	s23 =	simm.s32 $0x11328  }
0x23f: {  	[hbm4b:s9+s11] =	stream.linear.scatter [tilespmem:s23], [sflag:$0x3], $0x80, $0x38;
	[tilespmem:$0x12A00] =	vst v63  }
0x240: {  	s9 =	sadd.s32 $0x2060, s12;
	s23 =	simm.s32 $0x113B0  }
0x241: {  	[hbm4b:s9+s11] =	stream.linear.scatter [tilespmem:s23], [sflag:$0x3], $0x80, $0x38;
	[tilespmem:$0x12A00] =	vst v63  }
0x242: {  	s9 =	sadd.s32 $0x2070, s12;
	s23 =	simm.s32 $0x11438  }
0x243: {  	[hbm4b:s9+s11] =	stream.linear.scatter [tilespmem:s23], [sflag:$0x3], $0x80, $0x38;
	[tilespmem:$0x12A00] =	vst v63  }
0x244: {  	s9 =	sadd.s32 $0x3000, s12;
	s23 =	simm.s32 $0x114C0  }
0x245: {  	[hbm4b:s9+s11] =	stream.linear.scatter [tilespmem:s23], [sflag:$0x3], $0x80, $0x38;
	[tilespmem:$0x12A00] =	vst v63  }
0x246: {  	s9 =	sadd.s32 $0x3010, s12;
	s23 =	simm.s32 $0x11548  }
0x247: {  	[hbm4b:s9+s11] =	stream.linear.scatter [tilespmem:s23], [sflag:$0x3], $0x80, $0x38;
	[tilespmem:$0x12A00] =	vst v63  }
0x248: {  	s9 =	sadd.s32 $0x3020, s12;
	s23 =	simm.s32 $0x115D0  }
0x249: {  	[hbm4b:s9+s11] =	stream.linear.scatter [tilespmem:s23], [sflag:$0x3], $0x80, $0x38;
	[tilespmem:$0x12A00] =	vst v63  }
0x24a: {  	s9 =	sadd.s32 $0x3030, s12;
	s23 =	simm.s32 $0x11658  }
0x24b: {  	[hbm4b:s9+s11] =	stream.linear.scatter [tilespmem:s23], [sflag:$0x3], $0x80, $0x38;
	[tilespmem:$0x12A00] =	vst v63  }
0x24c: {  	s9 =	sadd.s32 $0x3040, s12;
	s23 =	simm.s32 $0x116E0  }
0x24d: {  	[hbm4b:s9+s11] =	stream.linear.scatter [tilespmem:s23], [sflag:$0x3], $0x80, $0x38;
	[tilespmem:$0x12A00] =	vst v63  }
0x24e: {  	s9 =	sadd.s32 $0x3050, s12;
	s23 =	simm.s32 $0x11768  }
0x24f: {  	[hbm4b:s9+s11] =	stream.linear.scatter [tilespmem:s23], [sflag:$0x3], $0x80, $0x38;
	[tilespmem:$0x12A00] =	vst v63  }
0x250: {  	s9 =	sadd.s32 $0x3060, s12;
	s23 =	simm.s32 $0x117F0  }
0x251: {  	[hbm4b:s9+s11] =	stream.linear.scatter [tilespmem:s23], [sflag:$0x3], $0x80, $0x38;
	[tilespmem:$0x12A00] =	vst v63  }
0x252: {  	s12 =	sadd.s32 $0x3070, s12;
	s23 =	simm.s32 $0x11878  }
0x253: {  	[hbm4b:s12+s11] =	stream.linear.scatter [tilespmem:s23], [sflag:$0x3], $0x80, $0x38;
	[tilespmem:$0x12A00] =	vst v63  }
0x254: {  	_ =	swait.ge [sflag:s7], $0x1000  }
0x255: {  	s20 =	simm.s32 $0x3;
	[sflag:s7] =	ssyncset.done $0x0  }
0x256: {  	v2 =	vmov s20;
	[sflag:s7] =	ssyncadd.s32 $0xFFFFF000  }
0x257: {  	v2 =	vand.u32 $0x7F, v2;
	s23 =	simm.s32 $0x1;
	v3 =	vld [tilespmem:s1+$0xFFFFFFF0]  }
0x258: {  	v4 =	vadd.s32 v0, v2;
	s9 =	simm.s32 $0x2;
	v5 =	vmov s23;
	v6 =	vld [tilespmem:s1+$0x0]  }
0x259: {  	v7 =	vadd.s32 v1, v2;
	v10 =	vmov s9;
	v5 =	vand.u32 $0x7D, v5;
	v2 =	vld [tilespmem:s1+$0xFFFFFFA0]  }
0x25a: {  	v10 =	vand.u32 $0x7E, v10;
	v9 =	vadd.s32 v0, v5;
	v8 =	vld [tilespmem:s1+$0xFFFFFFB0]  }
0x25b: {  	v14 =	vadd.s32 v0, v10;
	v13 =	vld [tilespmem:s1+$0xFFFFFFD0]  }
0x25c: {  	v12 =	vmov s11;
	s20 =	simm.s32 $0x7;
	v10 =	vadd.s32 v1, v10;
	v15 =	vld [tilespmem:s1+$0xFFFFFFE0]  }
0x25d: {  	v12 =	vand.u32 $0x7C, v12;
	v5 =	vadd.s32 v1, v5;
	v11 =	vld [tilespmem:s1+$0xFFFFFFC0];
	[tilespmem:v4+s29+$0x0] =	vst.idx.msk $0xffff, v3;
	v3 =	vmov s20  }
0x25e: {  	v63 =	vadd.s32 v0, v12;
	s12 =	sadd.s32 $0x80, s1;
	[tilespmem:v7+s29+$0x0] =	vst.idx.msk $0xffff, v6;
	v3 =	vand.u32 $0x7F, v3;
	v6 =	vld [tilespmem:s1+$0xFFFFFF90]  }
0x25f: {  	s23 =	simm.s32 $0x5;
	v17 =	vld [tilespmem:s12+$0xFFFFFFF0];
	[tilespmem:v9+s29+$0x0] =	vst.idx.msk $0xffff, v8;
	v18 =	vadd.s32 v0, v3  }
0x260: {  	v19 =	vld [tilespmem:s12+$0x0];
	v4 =	vmov s23;
	[tilespmem:v14+s29+$0x0] =	vst.idx.msk $0xffff, v13;
	v20 =	vadd.s32 v1, v3  }
0x261: {  	s9 =	simm.s32 $0x6;
	v8 =	vand.u32 $0x7D, v4;
	[tilespmem:v10+s29+$0x0] =	vst.idx.msk $0xffff, v15;
	v10 =	vadd.s32 v1, v12;
	v3 =	vld [tilespmem:s12+$0xFFFFFFA0]  }
0x262: {  	v9 =	vmov s9;
	[tilespmem:v5+s29+$0x0] =	vst.idx.msk $0xffff, v11;
	v4 =	vld [tilespmem:s12+$0xFFFFFFB0];
	v7 =	vadd.s32 v0, v8  }
0x263: {  	s20 =	simm.s32 $0x4;
	v5 =	vld [tilespmem:s12+$0xFFFFFFC0];
	v12 =	vand.u32 $0x7E, v9;
	v8 =	vadd.s32 v1, v8;
	[tilespmem:v63+s29+$0x0] =	vst.idx.msk $0xffff, v6  }
0x264: {  	s23 =	simm.s32 $0xB;
	v11 =	vmov s20;
	v9 =	vadd.s32 v0, v12;
	v6 =	vld [tilespmem:s12+$0xFFFFFFD0];
	[tilespmem:v18+s29+$0x0] =	vst.idx.msk $0xffff, v17  }
0x265: {  	s11 =	sshllo.u32 s5, $0x1;
	s20 =	simm.s32 $0x8;
	v14 =	vmov s23;
	s23 =	simm.s32 $0xC;
	v13 =	vand.u32 $0x7C, v11;
	v11 =	vld [tilespmem:s12+$0xFFFFFFE0];
	v12 =	vadd.s32 v1, v12;
	[tilespmem:v20+s29+$0x0] =	vst.idx.msk $0xffff, v19  }
.LBB2_18:
0x266: {  	p0 =	slt.u32 s23, $0x7C;
	v14 =	vand.u32 $0x7F, v14;
	v15 =	vld [tilespmem:s12+$0xFFFFFF90];
	v16 =	vadd.s32 v0, v13;
	s12 =	sadd.s32 $0x80, s12;
	[tilespmem:v10+s29+$0x0] =	vst.idx.msk $0xffff, v2;
	v2 =	vmov v3  }
0x267: {  	s9 =	sadd.s32 $0x1, s20;
	v17 =	vld [tilespmem:s12+$0xFFFFFFF0];
	v18 =	vadd.s32 v0, v14;
	[tilespmem:v7+s29+$0x0] =	vst.idx.msk $0xffff, v4  }
0x268: {  	v4 =	vmov s9;
	v20 =	vadd.s32 v1, v14;
	v19 =	vld [tilespmem:s12+$0x0];
	[tilespmem:v8+s29+$0x0] =	vst.idx.msk $0xffff, v5  }
.Ltmp7:
0x269: {  	v10 =	vadd.s32 v1, v13;
	s9 =	sadd.s32 $0x2, s20;
	v8 =	vand.u32 $0x7D, v4;
	v3 =	vld [tilespmem:s12+$0xFFFFFFA0];
	[tilespmem:v9+s29+$0x0] =	vst.idx.msk $0xffff, v6;
	(pc) =	sbr.rel @p0 .LBB2_18-.Ltmp7, $4  }
0x26a: {  	v7 =	vadd.s32 v0, v8;
	v6 =	vmov s9;
	v4 =	vld [tilespmem:s12+$0xFFFFFFB0];
	[tilespmem:v12+s29+$0x0] =	vst.idx.msk $0xffff, v11  }
0x26b: {  	v8 =	vadd.s32 v1, v8;
	v12 =	vand.u32 $0x7E, v6;
	v5 =	vld [tilespmem:s12+$0xFFFFFFC0];
	[tilespmem:v16+s29+$0x0] =	vst.idx.msk $0xffff, v15  }
0x26c: {  	s9 =	sadd.s32 $0x3, s23;
	v11 =	vmov s20;
	s20 =	smov.u32 s23;
	v9 =	vadd.s32 v0, v12;
	v6 =	vld [tilespmem:s12+$0xFFFFFFD0];
	[tilespmem:v18+s29+$0x0] =	vst.idx.msk $0xffff, v17  }
0x26d: {  	v14 =	vmov s9;
	s23 =	sadd.s32 $0x4, s23;
	v13 =	vand.u32 $0x7C, v11;
	v12 =	vadd.s32 v1, v12;
	v11 =	vld [tilespmem:s12+$0xFFFFFFE0];
	[tilespmem:v20+s29+$0x0] =	vst.idx.msk $0xffff, v19  }
0x26e: {  	_ =	sdelay $0x3  }
0x26f: {  	v14 =	vand.u32 $0x7F, v14;
	v15 =	vld [tilespmem:s12+$0xFFFFFF90];
	v16 =	vadd.s32 v0, v13;
	s9 =	sadd.s32 $0x80, s12;
	[tilespmem:v10+s29+$0x0] =	vst.idx.msk $0xffff, v2  }
0x270: {  	s23 =	sadd.s32 $0x1, s20;
	v2 =	vld [tilespmem:s9+$0xFFFFFFF0];
	v51 =	vadd.s32 v0, v14;
	[tilespmem:v7+s29+$0x0] =	vst.idx.msk $0xffff, v4  }
0x271: {  	v54 =	vadd.s32 v1, v13;
	v52 =	vmov s23;
	[tilespmem:v8+s29+$0x0] =	vst.idx.msk $0xffff, v5  }
0x272: {  	v53 =	vld [tilespmem:s9+$0x0];
	v14 =	vadd.s32 v1, v14;
	s23 =	sadd.s32 $0x2, s20;
	v4 =	vand.u32 $0x7D, v52;
	[tilespmem:v9+s29+$0x0] =	vst.idx.msk $0xffff, v6  }
0x273: {  	v56 =	vld [tilespmem:s9+$0xFFFFFFB0];
	v55 =	vmov s23;
	v57 =	vadd.s32 v0, v4;
	[tilespmem:v12+s29+$0x0] =	vst.idx.msk $0xffff, v11  }
0x274: {  	v58 =	vld [tilespmem:s9+$0xFFFFFFC0];
	v4 =	vadd.s32 v1, v4;
	v6 =	vand.u32 $0x7E, v55;
	[tilespmem:v16+s29+$0x0] =	vst.idx.msk $0xffff, v15  }
0x275: {  	v59 =	vmov s20;
	v60 =	vld [tilespmem:s9+$0xFFFFFFD0];
	v61 =	vadd.s32 v0, v6;
	[tilespmem:v51+s29+$0x0] =	vst.idx.msk $0xffff, v2  }
0x276: {  	v62 =	vld [tilespmem:s9+$0xFFFFFFE0];
	v6 =	vadd.s32 v1, v6;
	v2 =	vand.u32 $0x7C, v59;
	[tilespmem:v54+s29+$0x0] =	vst.idx.msk $0xffff, v3  }
0x277: {  	v63 =	vld [tilespmem:s9+$0xFFFFFF90];
	[tilespmem:v14+s29+$0x0] =	vst.idx.msk $0xffff, v53;
	v12 =	vadd.s32 v0, v2  }
0x278: {  	v3 =	vld [tilespmem:s9+$0xFFFFFFA0];
	v2 =	vadd.s32 v1, v2;
	[tilespmem:v57+s29+$0x0] =	vst.idx.msk $0xffff, v56  }
0x279: {  	s12 =	sadd.s32 s18, s11;
	[tilespmem:v4+s29+$0x0] =	vst.idx.msk $0xffff, v58  }
0x27a: {  	s9 =	sshll.u32 s12, $0x11;
	[tilespmem:v61+s29+$0x0] =	vst.idx.msk $0xffff, v60  }
0x27b: {  	s9 =	sor.u32 s22, s9;
	[tilespmem:v6+s29+$0x0] =	vst.idx.msk $0xffff, v62  }
0x27c: {  	s9 =	sshrl.u32 s9, $0x3;
	[tilespmem:v12+s29+$0x0] =	vst.idx.msk $0xffff, v63  }
0x27d: {  	s9 =	sadd.s32 s3, s9;
	[tilespmem:v2+s29+$0x0] =	vst.idx.msk $0xffff, v3  }
0x27e: {  	[hbm4b:s9+s4] =	stream.linear.scatter [tilespmem:s29], [sflag:$0x3], $0x80, $0x38;
	[tilespmem:$0x12A00] =	vst v63  }
0x27f: {  	s23 =	simm.s32 $0x11988;
	s20 =	sadd.s32 $0x10, s9  }
0x280: {  	[hbm4b:s20+s4] =	stream.linear.scatter [tilespmem:s23], [sflag:$0x3], $0x80, $0x38;
	[tilespmem:$0x12A00] =	vst v63  }
0x281: {  	s20 =	sadd.s32 $0x20, s9;
	s23 =	simm.s32 $0x11A10  }
0x282: {  	[hbm4b:s20+s4] =	stream.linear.scatter [tilespmem:s23], [sflag:$0x3], $0x80, $0x38;
	[tilespmem:$0x12A00] =	vst v63  }
0x283: {  	s20 =	sadd.s32 $0x30, s9;
	s23 =	simm.s32 $0x11A98  }
0x284: {  	[hbm4b:s20+s4] =	stream.linear.scatter [tilespmem:s23], [sflag:$0x3], $0x80, $0x38;
	[tilespmem:$0x12A00] =	vst v63  }
0x285: {  	s20 =	sadd.s32 $0x40, s9;
	s23 =	simm.s32 $0x11B20  }
0x286: {  	[hbm4b:s20+s4] =	stream.linear.scatter [tilespmem:s23], [sflag:$0x3], $0x80, $0x38;
	[tilespmem:$0x12A00] =	vst v63  }
0x287: {  	s20 =	sadd.s32 $0x50, s9;
	s23 =	simm.s32 $0x11BA8  }
0x288: {  	[hbm4b:s20+s4] =	stream.linear.scatter [tilespmem:s23], [sflag:$0x3], $0x80, $0x38;
	[tilespmem:$0x12A00] =	vst v63  }
0x289: {  	s20 =	sadd.s32 $0x60, s9;
	s23 =	simm.s32 $0x11C30  }
0x28a: {  	[hbm4b:s20+s4] =	stream.linear.scatter [tilespmem:s23], [sflag:$0x3], $0x80, $0x38;
	[tilespmem:$0x12A00] =	vst v63  }
0x28b: {  	s20 =	sadd.s32 $0x70, s9;
	s23 =	simm.s32 $0x11CB8  }
0x28c: {  	[hbm4b:s20+s4] =	stream.linear.scatter [tilespmem:s23], [sflag:$0x3], $0x80, $0x38;
	[tilespmem:$0x12A00] =	vst v63  }
0x28d: {  	s20 =	sadd.s32 $0x1000, s9;
	s23 =	simm.s32 $0x11D40  }
0x28e: {  	[hbm4b:s20+s4] =	stream.linear.scatter [tilespmem:s23], [sflag:$0x3], $0x80, $0x38;
	[tilespmem:$0x12A00] =	vst v63  }
0x28f: {  	s20 =	sadd.s32 $0x1010, s9;
	s23 =	simm.s32 $0x11DC8  }
0x290: {  	[hbm4b:s20+s4] =	stream.linear.scatter [tilespmem:s23], [sflag:$0x3], $0x80, $0x38;
	[tilespmem:$0x12A00] =	vst v63  }
0x291: {  	s20 =	sadd.s32 $0x1020, s9;
	s23 =	simm.s32 $0x11E50  }
0x292: {  	[hbm4b:s20+s4] =	stream.linear.scatter [tilespmem:s23], [sflag:$0x3], $0x80, $0x38;
	[tilespmem:$0x12A00] =	vst v63  }
0x293: {  	s20 =	sadd.s32 $0x1030, s9;
	s23 =	simm.s32 $0x11ED8  }
0x294: {  	[hbm4b:s20+s4] =	stream.linear.scatter [tilespmem:s23], [sflag:$0x3], $0x80, $0x38;
	[tilespmem:$0x12A00] =	vst v63  }
0x295: {  	s20 =	sadd.s32 $0x1040, s9;
	s23 =	simm.s32 $0x11F60  }
0x296: {  	[hbm4b:s20+s4] =	stream.linear.scatter [tilespmem:s23], [sflag:$0x3], $0x80, $0x38;
	[tilespmem:$0x12A00] =	vst v63  }
0x297: {  	s20 =	sadd.s32 $0x1050, s9;
	s23 =	simm.s32 $0x11FE8  }
0x298: {  	[hbm4b:s20+s4] =	stream.linear.scatter [tilespmem:s23], [sflag:$0x3], $0x80, $0x38;
	[tilespmem:$0x12A00] =	vst v63  }
0x299: {  	s20 =	sadd.s32 $0x1060, s9;
	s23 =	simm.s32 $0x12070  }
0x29a: {  	[hbm4b:s20+s4] =	stream.linear.scatter [tilespmem:s23], [sflag:$0x3], $0x80, $0x38;
	[tilespmem:$0x12A00] =	vst v63  }
0x29b: {  	s20 =	sadd.s32 $0x1070, s9;
	s23 =	simm.s32 $0x120F8  }
0x29c: {  	[hbm4b:s20+s4] =	stream.linear.scatter [tilespmem:s23], [sflag:$0x3], $0x80, $0x38;
	[tilespmem:$0x12A00] =	vst v63  }
0x29d: {  	s20 =	sadd.s32 $0x2000, s9;
	s23 =	simm.s32 $0x12180  }
0x29e: {  	[hbm4b:s20+s4] =	stream.linear.scatter [tilespmem:s23], [sflag:$0x3], $0x80, $0x38;
	[tilespmem:$0x12A00] =	vst v63  }
0x29f: {  	s12 =	sadd.s32 $0x2010, s9;
	s20 =	simm.s32 $0x12208  }
0x2a0: {  	[hbm4b:s12+s4] =	stream.linear.scatter [tilespmem:s20], [sflag:$0x3], $0x80, $0x38;
	[tilespmem:$0x12A00] =	vst v63  }
0x2a1: {  	s23 =	sadd.s32 $0x2020, s9  }
0x2a2: {  	[hbm4b:s23+s4] =	stream.linear.scatter [tilespmem:s10], [sflag:$0x3], $0x80, $0x38;
	[tilespmem:$0x12A00] =	vst v63  }
0x2a3: {  	s12 =	sadd.s32 $0x2030, s9  }
0x2a4: {  	[hbm4b:s12+s4] =	stream.linear.scatter [tilespmem:s14], [sflag:$0x3], $0x80, $0x38;
	[tilespmem:$0x12A00] =	vst v63  }
0x2a5: {  	s20 =	sadd.s32 $0x2040, s9  }
0x2a6: {  	[hbm4b:s20+s4] =	stream.linear.scatter [tilespmem:s15], [sflag:$0x3], $0x80, $0x38;
	[tilespmem:$0x12A00] =	vst v63  }
0x2a7: {  	s23 =	sadd.s32 $0x2050, s9  }
0x2a8: {  	[hbm4b:s23+s4] =	stream.linear.scatter [tilespmem:s16], [sflag:$0x3], $0x80, $0x38;
	[tilespmem:$0x12A00] =	vst v63  }
0x2a9: {  	s12 =	sadd.s32 $0x2060, s9  }
0x2aa: {  	[hbm4b:s12+s4] =	stream.linear.scatter [tilespmem:s17], [sflag:$0x3], $0x80, $0x38;
	[tilespmem:$0x12A00] =	vst v63  }
0x2ab: {  	s20 =	sadd.s32 $0x2070, s9  }
0x2ac: {  	[hbm4b:s20+s4] =	stream.linear.scatter [tilespmem:s6], [sflag:$0x3], $0x80, $0x38;
	[tilespmem:$0x12A00] =	vst v63  }
0x2ad: {  	s23 =	sadd.s32 $0x3000, s9  }
0x2ae: {  	[hbm4b:s23+s4] =	stream.linear.scatter [tilespmem:s19], [sflag:$0x3], $0x80, $0x38;
	[tilespmem:$0x12A00] =	vst v63  }
0x2af: {  	s12 =	sadd.s32 $0x3010, s9  }
0x2b0: {  	[hbm4b:s12+s4] =	stream.linear.scatter [tilespmem:s25], [sflag:$0x3], $0x80, $0x38;
	[tilespmem:$0x12A00] =	vst v63  }
0x2b1: {  	s20 =	sadd.s32 $0x3020, s9  }
0x2b2: {  	[hbm4b:s20+s4] =	stream.linear.scatter [tilespmem:s26], [sflag:$0x3], $0x80, $0x38;
	[tilespmem:$0x12A00] =	vst v63  }
0x2b3: {  	s23 =	sadd.s32 $0x3030, s9  }
0x2b4: {  	[hbm4b:s23+s4] =	stream.linear.scatter [tilespmem:s28], [sflag:$0x3], $0x80, $0x38;
	[tilespmem:$0x12A00] =	vst v63  }
0x2b5: {  	s5 =	sadd.s32 $0x1, s5;
	s12 =	sadd.s32 $0x3040, s9  }
0x2b6: {  	[hbm4b:s12+s4] =	stream.linear.scatter [tilespmem:s30], [sflag:$0x3], $0x80, $0x38;
	[tilespmem:$0x12A00] =	vst v63  }
0x2b7: {  	p0 =	sne.s32 s5, $0x4;
	s20 =	sadd.s32 $0x3050, s9  }
0x2b8: {  	[hbm4b:s20+s4] =	stream.linear.scatter [tilespmem:s31], [sflag:$0x3], $0x80, $0x38;
	[tilespmem:$0x12A00] =	vst v63  }
.Ltmp8:
0x2b9: {  	_ = 	snop;
	(pc) =	sbr.rel @p0 .LBB2_15-.Ltmp8, $4  }
0x2ba: {  	s23 =	sadd.s32 $0x3060, s9  }
0x2bb: {  	[hbm4b:s23+s4] =	stream.linear.scatter [tilespmem:s2], [sflag:$0x3], $0x80, $0x38;
	[tilespmem:$0x12A00] =	vst v63  }
0x2bc: {  	s21 =	sadd.s32 $0x2000, s21;
	s1 =	sadd.s32 $0x2000, s1;
	s9 =	sadd.s32 $0x3070, s9  }
0x2bd: {  	[hbm4b:s9+s4] =	stream.linear.scatter [tilespmem:s0], [sflag:$0x3], $0x80, $0x38;
	[tilespmem:$0x12A00] =	vst v63  }
0x2be: {  	s1 =	rddreg [dreg:$0x13]  }
0x2bf: {  	s1 =	sadd.s32 $0x1, s1  }
0x2c0: {  	p0 =	sne.s32 s1, $0xB  }
.Ltmp9:
0x2c1: {  	_ = 	snop;
	(pc) =	sbr.rel @p0 .LBB2_8-.Ltmp9, $1  }
0x2c2: {  	_ =	sdelay $0x3  }
0x2c3: {  	s8 =	simm.s32 $0x0;
	s1 =	rddreg [dreg:$0xc];
	s21 =	simm.s32 $0x4  }
0x2c4: {  	[tilespmem:s8], [sflag:$0x4] =	stream.linear.gather [hbm4b:s1+s8], $0x400, $0x38;
	[tilespmem:$0x12A00] =	vst v63  }
0x2c5: {  	_ =	swait.ge [sflag:s21], $0x400  }
0x2c6: {  	s5 =	simm.s32 $0x400;
	s9 =	simm.s32 $0x800;
	[sflag:s21] =	ssyncset.done $0x0  }
0x2c7: {  	s23 =	simm.s32 $0x2;
	s22 =	rddreg [dreg:$0x5];
	[sflag:s21] =	ssyncadd.s32 $0xFFFFFC00  }
0x2c8: {  	[tilespmem:s9], [sflag:$0x1] =	stream.indirect.gather [hbm4b:s22+s5], $0x20, s8, s5, $0xb8;
	[tilespmem:$0x12A00] =	vst v63  }
0x2c9: {  	_ =	swait.ge [sflag:s23], $0x8000  }
0x2ca: {  	s13 =	simm.s32 $0x8840;
	s21 =	rddreg [dreg:$0x8]  }
0x2cb: {  	s1 =	simm.s32 $0x9870;
	[sflag:s23] =	ssyncset.done $0x0;
	s22 =	rddreg [dreg:$0x9]  }
0x2cc: {  	s5 =	simm.s32 $0x0;
	[sflag:s23] =	ssyncadd.s32 $0xFFFF8000;
	s23 =	rddreg [dreg:$0xd]  }
.LBB2_22:
0x2cd: {  	_ =	swait.ge [sflag:s7], $0x1000  }
0x2ce: {  	s9 =	simm.s32 $0x3;
	[sflag:s7] =	ssyncset.done $0x0  }
0x2cf: {  	v2 =	vmov s9;
	[sflag:s7] =	ssyncadd.s32 $0xFFFFF000  }
0x2d0: {  	s18 =	simm.s32 $0x1;
	v2 =	vand.u32 $0x7F, v2;
	v3 =	vld [tilespmem:s13+$0x20]  }
0x2d1: {  	s20 =	simm.s32 $0x2;
	v5 =	vmov s18;
	v4 =	vadd.s32 v0, v2;
	v6 =	vld [tilespmem:s13+$0x30]  }
0x2d2: {  	v10 =	vmov s20;
	v5 =	vand.u32 $0x7D, v5;
	v7 =	vadd.s32 v1, v2;
	v2 =	vld [tilespmem:s13+$0xFFFFFFD0]  }
0x2d3: {  	v10 =	vand.u32 $0x7E, v10;
	v8 =	vld [tilespmem:s13+$0xFFFFFFE0];
	v9 =	vadd.s32 v0, v5  }
0x2d4: {  	v13 =	vld [tilespmem:s13+$0x0];
	v14 =	vadd.s32 v0, v10  }
0x2d5: {  	s11 =	simm.s32 $0x7;
	v12 =	vmov s8;
	v15 =	vld [tilespmem:s13+$0x10];
	v10 =	vadd.s32 v1, v10  }
0x2d6: {  	v12 =	vand.u32 $0x7C, v12;
	v11 =	vld [tilespmem:s13+$0xFFFFFFF0];
	v5 =	vadd.s32 v1, v5;
	[tilespmem:v4+s24+$0x0] =	vst.idx.msk $0xffff, v3;
	v3 =	vmov s11  }
0x2d7: {  	v16 =	vadd.s32 v0, v12;
	s11 =	sadd.s32 $0x80, s13;
	[tilespmem:v7+s24+$0x0] =	vst.idx.msk $0xffff, v6;
	v3 =	vand.u32 $0x7F, v3;
	v6 =	vld [tilespmem:s13+$0xFFFFFFC0]  }
0x2d8: {  	s12 =	simm.s32 $0x5;
	[tilespmem:v9+s24+$0x0] =	vst.idx.msk $0xffff, v8;
	v17 =	vld [tilespmem:s11+$0x20];
	v18 =	vadd.s32 v0, v3  }
0x2d9: {  	v4 =	vmov s12;
	[tilespmem:v14+s24+$0x0] =	vst.idx.msk $0xffff, v13;
	v19 =	vld [tilespmem:s11+$0x30];
	v20 =	vadd.s32 v1, v3  }
0x2da: {  	s18 =	simm.s32 $0x6;
	v8 =	vand.u32 $0x7D, v4;
	[tilespmem:v10+s24+$0x0] =	vst.idx.msk $0xffff, v15;
	v10 =	vadd.s32 v1, v12;
	v3 =	vld [tilespmem:s11+$0xFFFFFFD0]  }
0x2db: {  	v9 =	vmov s18;
	[tilespmem:v5+s24+$0x0] =	vst.idx.msk $0xffff, v11;
	v4 =	vld [tilespmem:s11+$0xFFFFFFE0];
	v7 =	vadd.s32 v0, v8  }
0x2dc: {  	s20 =	simm.s32 $0x4;
	v5 =	vld [tilespmem:s11+$0xFFFFFFF0];
	v12 =	vand.u32 $0x7E, v9;
	v8 =	vadd.s32 v1, v8;
	[tilespmem:v16+s24+$0x0] =	vst.idx.msk $0xffff, v6  }
0x2dd: {  	s18 =	simm.s32 $0xB;
	v11 =	vmov s20;
	v9 =	vadd.s32 v0, v12;
	v6 =	vld [tilespmem:s11+$0x0];
	[tilespmem:v18+s24+$0x0] =	vst.idx.msk $0xffff, v17  }
0x2de: {  	s12 =	simm.s32 $0x8;
	v14 =	vmov s18;
	s18 =	simm.s32 $0xC;
	v13 =	vand.u32 $0x7C, v11;
	v11 =	vld [tilespmem:s11+$0x10];
	v12 =	vadd.s32 v1, v12;
	[tilespmem:v20+s24+$0x0] =	vst.idx.msk $0xffff, v19  }
.LBB2_23:
0x2df: {  	p0 =	slt.u32 s18, $0x7C;
	v14 =	vand.u32 $0x7F, v14;
	v15 =	vld [tilespmem:s11+$0xFFFFFFC0];
	v16 =	vadd.s32 v0, v13;
	s11 =	sadd.s32 $0x80, s11;
	[tilespmem:v10+s24+$0x0] =	vst.idx.msk $0xffff, v2;
	v2 =	vmov v3  }
0x2e0: {  	s9 =	sadd.s32 $0x1, s12;
	v17 =	vld [tilespmem:s11+$0x20];
	v18 =	vadd.s32 v0, v14;
	[tilespmem:v7+s24+$0x0] =	vst.idx.msk $0xffff, v4  }
0x2e1: {  	v4 =	vmov s9;
	v20 =	vadd.s32 v1, v14;
	v19 =	vld [tilespmem:s11+$0x30];
	[tilespmem:v8+s24+$0x0] =	vst.idx.msk $0xffff, v5  }
.Ltmp10:
0x2e2: {  	v10 =	vadd.s32 v1, v13;
	s9 =	sadd.s32 $0x2, s12;
	v8 =	vand.u32 $0x7D, v4;
	v3 =	vld [tilespmem:s11+$0xFFFFFFD0];
	[tilespmem:v9+s24+$0x0] =	vst.idx.msk $0xffff, v6;
	(pc) =	sbr.rel @p0 .LBB2_23-.Ltmp10, $4  }
0x2e3: {  	v7 =	vadd.s32 v0, v8;
	v6 =	vmov s9;
	v4 =	vld [tilespmem:s11+$0xFFFFFFE0];
	[tilespmem:v12+s24+$0x0] =	vst.idx.msk $0xffff, v11  }
0x2e4: {  	v8 =	vadd.s32 v1, v8;
	v12 =	vand.u32 $0x7E, v6;
	v5 =	vld [tilespmem:s11+$0xFFFFFFF0];
	[tilespmem:v16+s24+$0x0] =	vst.idx.msk $0xffff, v15  }
0x2e5: {  	s9 =	sadd.s32 $0x3, s18;
	v11 =	vmov s12;
	s12 =	smov.u32 s18;
	v9 =	vadd.s32 v0, v12;
	v6 =	vld [tilespmem:s11+$0x0];
	[tilespmem:v18+s24+$0x0] =	vst.idx.msk $0xffff, v17  }
0x2e6: {  	v14 =	vmov s9;
	s18 =	sadd.s32 $0x4, s18;
	v13 =	vand.u32 $0x7C, v11;
	v12 =	vadd.s32 v1, v12;
	v11 =	vld [tilespmem:s11+$0x10];
	[tilespmem:v20+s24+$0x0] =	vst.idx.msk $0xffff, v19  }
0x2e7: {  	_ =	sdelay $0x3  }
0x2e8: {  	v14 =	vand.u32 $0x7F, v14;
	v15 =	vld [tilespmem:s11+$0xFFFFFFC0];
	v16 =	vadd.s32 v0, v13;
	s9 =	sadd.s32 $0x80, s11;
	[tilespmem:v10+s24+$0x0] =	vst.idx.msk $0xffff, v2  }
0x2e9: {  	s18 =	sadd.s32 $0x1, s12;
	v2 =	vld [tilespmem:s9+$0x20];
	v10 =	vadd.s32 v0, v14;
	[tilespmem:v7+s24+$0x0] =	vst.idx.msk $0xffff, v4  }
0x2ea: {  	v4 =	vmov s18;
	v7 =	vld [tilespmem:s9+$0x30];
	v14 =	vadd.s32 v1, v14;
	[tilespmem:v8+s24+$0x0] =	vst.idx.msk $0xffff, v5  }
0x2eb: {  	s20 =	sadd.s32 $0x2, s12;
	v4 =	vand.u32 $0x7D, v4;
	v5 =	vadd.s32 v1, v13;
	[tilespmem:v9+s24+$0x0] =	vst.idx.msk $0xffff, v6  }
0x2ec: {  	v6 =	vld [tilespmem:s9+$0xFFFFFFE0];
	v8 =	vadd.s32 v0, v4;
	v9 =	vmov s20;
	[tilespmem:v12+s24+$0x0] =	vst.idx.msk $0xffff, v11  }
0x2ed: {  	v4 =	vadd.s32 v1, v4;
	v11 =	vld [tilespmem:s9+$0xFFFFFFF0];
	v9 =	vand.u32 $0x7E, v9;
	[tilespmem:v16+s24+$0x0] =	vst.idx.msk $0xffff, v15  }
0x2ee: {  	v13 =	vld [tilespmem:s9+$0x0];
	v15 =	vadd.s32 v0, v9;
	[tilespmem:v10+s24+$0x0] =	vst.idx.msk $0xffff, v2  }
0x2ef: {  	v9 =	vadd.s32 v1, v9;
	v10 =	vld [tilespmem:s9+$0x10];
	[tilespmem:v14+s24+$0x0] =	vst.idx.msk $0xffff, v7  }
0x2f0: {  	v12 =	vmov s12;
	[tilespmem:v5+s24+$0x0] =	vst.idx.msk $0xffff, v3  }
0x2f1: {  	v2 =	vand.u32 $0x7C, v12;
	[tilespmem:v8+s24+$0x0] =	vst.idx.msk $0xffff, v6  }
0x2f2: {  	v7 =	vld [tilespmem:s9+$0xFFFFFFC0];
	v12 =	vadd.s32 v0, v2;
	[tilespmem:v4+s24+$0x0] =	vst.idx.msk $0xffff, v11  }
0x2f3: {  	s11 =	sshll.u32 s5, $0x1;
	v3 =	vld [tilespmem:s9+$0xFFFFFFD0];
	v2 =	vadd.s32 v1, v2;
	[tilespmem:v15+s24+$0x0] =	vst.idx.msk $0xffff, v13  }
0x2f4: {  	s9 =	sadd.s32 s23, s11;
	[tilespmem:v9+s24+$0x0] =	vst.idx.msk $0xffff, v10  }
0x2f5: {  	s9 =	sshll.u32 s9, $0x11;
	s12 =	rddreg [dreg:$0xe]  }
0x2f6: {  	s9 =	sor.u32 s12, s9  }
0x2f7: {  	[tilespmem:v12+s24+$0x0] =	vst.idx.msk $0xffff, v7;
	s9 =	sshrl.u32 s9, $0x3  }
0x2f8: {  	s11 =	simm.s32 $0x0;
	[tilespmem:v2+s24+$0x0] =	vst.idx.msk $0xffff, v3;
	s12 =	sadd.s32 s3, s9  }
0x2f9: {  	[hbm4b:s12+s11] =	stream.linear.scatter [tilespmem:s24], [sflag:$0x3], $0x80, $0x38;
	[tilespmem:$0x12A00] =	vst v63  }
0x2fa: {  	s18 =	simm.s32 $0x10888;
	s9 =	sadd.s32 $0x10, s12  }
0x2fb: {  	[hbm4b:s9+s11] =	stream.linear.scatter [tilespmem:s18], [sflag:$0x3], $0x80, $0x38;
	[tilespmem:$0x12A00] =	vst v63  }
0x2fc: {  	s20 =	simm.s32 $0x10910;
	s18 =	sadd.s32 $0x20, s12  }
0x2fd: {  	[hbm4b:s18+s11] =	stream.linear.scatter [tilespmem:s20], [sflag:$0x3], $0x80, $0x38;
	[tilespmem:$0x12A00] =	vst v63  }
0x2fe: {  	s18 =	sadd.s32 $0x30, s12;
	s20 =	simm.s32 $0x10998  }
0x2ff: {  	[hbm4b:s18+s11] =	stream.linear.scatter [tilespmem:s20], [sflag:$0x3], $0x80, $0x38;
	[tilespmem:$0x12A00] =	vst v63  }
0x300: {  	s18 =	sadd.s32 $0x40, s12;
	s20 =	simm.s32 $0x10A20  }
0x301: {  	[hbm4b:s18+s11] =	stream.linear.scatter [tilespmem:s20], [sflag:$0x3], $0x80, $0x38;
	[tilespmem:$0x12A00] =	vst v63  }
0x302: {  	s18 =	sadd.s32 $0x50, s12;
	s20 =	simm.s32 $0x10AA8  }
0x303: {  	[hbm4b:s18+s11] =	stream.linear.scatter [tilespmem:s20], [sflag:$0x3], $0x80, $0x38;
	[tilespmem:$0x12A00] =	vst v63  }
0x304: {  	s18 =	sadd.s32 $0x60, s12;
	s20 =	simm.s32 $0x10B30  }
0x305: {  	[hbm4b:s18+s11] =	stream.linear.scatter [tilespmem:s20], [sflag:$0x3], $0x80, $0x38;
	[tilespmem:$0x12A00] =	vst v63  }
0x306: {  	s18 =	sadd.s32 $0x70, s12;
	s20 =	simm.s32 $0x10BB8  }
0x307: {  	[hbm4b:s18+s11] =	stream.linear.scatter [tilespmem:s20], [sflag:$0x3], $0x80, $0x38;
	[tilespmem:$0x12A00] =	vst v63  }
0x308: {  	s18 =	sadd.s32 $0x1000, s12;
	s20 =	simm.s32 $0x10C40  }
0x309: {  	[hbm4b:s18+s11] =	stream.linear.scatter [tilespmem:s20], [sflag:$0x3], $0x80, $0x38;
	[tilespmem:$0x12A00] =	vst v63  }
0x30a: {  	s18 =	sadd.s32 $0x1010, s12;
	s20 =	simm.s32 $0x10CC8  }
0x30b: {  	[hbm4b:s18+s11] =	stream.linear.scatter [tilespmem:s20], [sflag:$0x3], $0x80, $0x38;
	[tilespmem:$0x12A00] =	vst v63  }
0x30c: {  	s18 =	sadd.s32 $0x1020, s12;
	s20 =	simm.s32 $0x10D50  }
0x30d: {  	[hbm4b:s18+s11] =	stream.linear.scatter [tilespmem:s20], [sflag:$0x3], $0x80, $0x38;
	[tilespmem:$0x12A00] =	vst v63  }
0x30e: {  	s18 =	sadd.s32 $0x1030, s12;
	s20 =	simm.s32 $0x10DD8  }
0x30f: {  	[hbm4b:s18+s11] =	stream.linear.scatter [tilespmem:s20], [sflag:$0x3], $0x80, $0x38;
	[tilespmem:$0x12A00] =	vst v63  }
0x310: {  	s18 =	sadd.s32 $0x1040, s12;
	s20 =	simm.s32 $0x10E60  }
0x311: {  	[hbm4b:s18+s11] =	stream.linear.scatter [tilespmem:s20], [sflag:$0x3], $0x80, $0x38;
	[tilespmem:$0x12A00] =	vst v63  }
0x312: {  	s18 =	sadd.s32 $0x1050, s12;
	s20 =	simm.s32 $0x10EE8  }
0x313: {  	[hbm4b:s18+s11] =	stream.linear.scatter [tilespmem:s20], [sflag:$0x3], $0x80, $0x38;
	[tilespmem:$0x12A00] =	vst v63  }
0x314: {  	s18 =	sadd.s32 $0x1060, s12;
	s20 =	simm.s32 $0x10F70  }
0x315: {  	[hbm4b:s18+s11] =	stream.linear.scatter [tilespmem:s20], [sflag:$0x3], $0x80, $0x38;
	[tilespmem:$0x12A00] =	vst v63  }
0x316: {  	s18 =	sadd.s32 $0x1070, s12;
	s20 =	simm.s32 $0x10FF8  }
0x317: {  	[hbm4b:s18+s11] =	stream.linear.scatter [tilespmem:s20], [sflag:$0x3], $0x80, $0x38;
	[tilespmem:$0x12A00] =	vst v63  }
0x318: {  	s18 =	sadd.s32 $0x2000, s12;
	s20 =	simm.s32 $0x11080  }
0x319: {  	[hbm4b:s18+s11] =	stream.linear.scatter [tilespmem:s20], [sflag:$0x3], $0x80, $0x38;
	[tilespmem:$0x12A00] =	vst v63  }
0x31a: {  	s18 =	sadd.s32 $0x2010, s12;
	s20 =	simm.s32 $0x11108  }
0x31b: {  	[hbm4b:s18+s11] =	stream.linear.scatter [tilespmem:s20], [sflag:$0x3], $0x80, $0x38;
	[tilespmem:$0x12A00] =	vst v63  }
0x31c: {  	s18 =	sadd.s32 $0x2020, s12;
	s20 =	simm.s32 $0x11190  }
0x31d: {  	[hbm4b:s18+s11] =	stream.linear.scatter [tilespmem:s20], [sflag:$0x3], $0x80, $0x38;
	[tilespmem:$0x12A00] =	vst v63  }
0x31e: {  	s18 =	sadd.s32 $0x2030, s12;
	s20 =	simm.s32 $0x11218  }
0x31f: {  	[hbm4b:s18+s11] =	stream.linear.scatter [tilespmem:s20], [sflag:$0x3], $0x80, $0x38;
	[tilespmem:$0x12A00] =	vst v63  }
0x320: {  	s18 =	sadd.s32 $0x2040, s12;
	s20 =	simm.s32 $0x112A0  }
0x321: {  	[hbm4b:s18+s11] =	stream.linear.scatter [tilespmem:s20], [sflag:$0x3], $0x80, $0x38;
	[tilespmem:$0x12A00] =	vst v63  }
0x322: {  	s18 =	sadd.s32 $0x2050, s12;
	s20 =	simm.s32 $0x11328  }
0x323: {  	[hbm4b:s18+s11] =	stream.linear.scatter [tilespmem:s20], [sflag:$0x3], $0x80, $0x38;
	[tilespmem:$0x12A00] =	vst v63  }
0x324: {  	s18 =	sadd.s32 $0x2060, s12;
	s20 =	simm.s32 $0x113B0  }
0x325: {  	[hbm4b:s18+s11] =	stream.linear.scatter [tilespmem:s20], [sflag:$0x3], $0x80, $0x38;
	[tilespmem:$0x12A00] =	vst v63  }
0x326: {  	s18 =	sadd.s32 $0x2070, s12;
	s20 =	simm.s32 $0x11438  }
0x327: {  	[hbm4b:s18+s11] =	stream.linear.scatter [tilespmem:s20], [sflag:$0x3], $0x80, $0x38;
	[tilespmem:$0x12A00] =	vst v63  }
0x328: {  	s18 =	sadd.s32 $0x3000, s12;
	s20 =	simm.s32 $0x114C0  }
0x329: {  	[hbm4b:s18+s11] =	stream.linear.scatter [tilespmem:s20], [sflag:$0x3], $0x80, $0x38;
	[tilespmem:$0x12A00] =	vst v63  }
0x32a: {  	s18 =	sadd.s32 $0x3010, s12;
	s20 =	simm.s32 $0x11548  }
0x32b: {  	[hbm4b:s18+s11] =	stream.linear.scatter [tilespmem:s20], [sflag:$0x3], $0x80, $0x38;
	[tilespmem:$0x12A00] =	vst v63  }
0x32c: {  	s18 =	sadd.s32 $0x3020, s12;
	s20 =	simm.s32 $0x115D0  }
0x32d: {  	[hbm4b:s18+s11] =	stream.linear.scatter [tilespmem:s20], [sflag:$0x3], $0x80, $0x38;
	[tilespmem:$0x12A00] =	vst v63  }
0x32e: {  	s18 =	sadd.s32 $0x3030, s12;
	s20 =	simm.s32 $0x11658  }
0x32f: {  	[hbm4b:s18+s11] =	stream.linear.scatter [tilespmem:s20], [sflag:$0x3], $0x80, $0x38;
	[tilespmem:$0x12A00] =	vst v63  }
0x330: {  	s18 =	sadd.s32 $0x3040, s12;
	s20 =	simm.s32 $0x116E0  }
0x331: {  	[hbm4b:s18+s11] =	stream.linear.scatter [tilespmem:s20], [sflag:$0x3], $0x80, $0x38;
	[tilespmem:$0x12A00] =	vst v63  }
0x332: {  	s18 =	sadd.s32 $0x3050, s12;
	s20 =	simm.s32 $0x11768  }
0x333: {  	[hbm4b:s18+s11] =	stream.linear.scatter [tilespmem:s20], [sflag:$0x3], $0x80, $0x38;
	[tilespmem:$0x12A00] =	vst v63  }
0x334: {  	s18 =	sadd.s32 $0x3060, s12;
	s20 =	simm.s32 $0x117F0  }
0x335: {  	[hbm4b:s18+s11] =	stream.linear.scatter [tilespmem:s20], [sflag:$0x3], $0x80, $0x38;
	[tilespmem:$0x12A00] =	vst v63  }
0x336: {  	s18 =	sadd.s32 $0x3070, s12;
	s20 =	simm.s32 $0x11878  }
0x337: {  	[hbm4b:s18+s11] =	stream.linear.scatter [tilespmem:s20], [sflag:$0x3], $0x80, $0x38;
	[tilespmem:$0x12A00] =	vst v63  }
0x338: {  	_ =	swait.ge [sflag:s7], $0x1000  }
0x339: {  	s18 =	simm.s32 $0x3;
	[sflag:s7] =	ssyncset.done $0x0  }
0x33a: {  	v2 =	vmov s18;
	[sflag:s7] =	ssyncadd.s32 $0xFFFFF000  }
0x33b: {  	s20 =	simm.s32 $0x1;
	v2 =	vand.u32 $0x7F, v2;
	v3 =	vld [tilespmem:s1+$0xFFFFFFF0]  }
0x33c: {  	s12 =	simm.s32 $0x2;
	v5 =	vmov s20;
	v4 =	vadd.s32 v0, v2;
	v6 =	vld [tilespmem:s1+$0x0]  }
0x33d: {  	v10 =	vmov s12;
	v5 =	vand.u32 $0x7D, v5;
	v7 =	vadd.s32 v1, v2;
	v2 =	vld [tilespmem:s1+$0xFFFFFFA0]  }
0x33e: {  	v10 =	vand.u32 $0x7E, v10;
	v9 =	vadd.s32 v0, v5;
	v8 =	vld [tilespmem:s1+$0xFFFFFFB0]  }
0x33f: {  	v14 =	vadd.s32 v0, v10;
	v13 =	vld [tilespmem:s1+$0xFFFFFFD0]  }
0x340: {  	v12 =	vmov s11;
	s18 =	simm.s32 $0x7;
	v10 =	vadd.s32 v1, v10;
	v15 =	vld [tilespmem:s1+$0xFFFFFFE0]  }
0x341: {  	v12 =	vand.u32 $0x7C, v12;
	v5 =	vadd.s32 v1, v5;
	v11 =	vld [tilespmem:s1+$0xFFFFFFC0];
	[tilespmem:v4+s29+$0x0] =	vst.idx.msk $0xffff, v3;
	v3 =	vmov s18  }
0x342: {  	v63 =	vadd.s32 v0, v12;
	s12 =	sadd.s32 $0x80, s1;
	[tilespmem:v7+s29+$0x0] =	vst.idx.msk $0xffff, v6;
	v3 =	vand.u32 $0x7F, v3;
	v6 =	vld [tilespmem:s1+$0xFFFFFF90]  }
0x343: {  	s20 =	simm.s32 $0x5;
	v17 =	vld [tilespmem:s12+$0xFFFFFFF0];
	[tilespmem:v9+s29+$0x0] =	vst.idx.msk $0xffff, v8;
	v18 =	vadd.s32 v0, v3  }
0x344: {  	v19 =	vld [tilespmem:s12+$0x0];
	v4 =	vmov s20;
	[tilespmem:v14+s29+$0x0] =	vst.idx.msk $0xffff, v13;
	v20 =	vadd.s32 v1, v3  }
0x345: {  	s11 =	simm.s32 $0x6;
	v8 =	vand.u32 $0x7D, v4;
	[tilespmem:v10+s29+$0x0] =	vst.idx.msk $0xffff, v15;
	v10 =	vadd.s32 v1, v12;
	v3 =	vld [tilespmem:s12+$0xFFFFFFA0]  }
0x346: {  	v9 =	vmov s11;
	[tilespmem:v5+s29+$0x0] =	vst.idx.msk $0xffff, v11;
	v4 =	vld [tilespmem:s12+$0xFFFFFFB0];
	v7 =	vadd.s32 v0, v8  }
0x347: {  	s18 =	simm.s32 $0x4;
	v5 =	vld [tilespmem:s12+$0xFFFFFFC0];
	v12 =	vand.u32 $0x7E, v9;
	v8 =	vadd.s32 v1, v8;
	[tilespmem:v63+s29+$0x0] =	vst.idx.msk $0xffff, v6  }
0x348: {  	s20 =	simm.s32 $0xB;
	v11 =	vmov s18;
	v9 =	vadd.s32 v0, v12;
	v6 =	vld [tilespmem:s12+$0xFFFFFFD0];
	[tilespmem:v18+s29+$0x0] =	vst.idx.msk $0xffff, v17  }
0x349: {  	s11 =	sshllo.u32 s5, $0x1;
	s18 =	simm.s32 $0x8;
	v14 =	vmov s20;
	s20 =	simm.s32 $0xC;
	v13 =	vand.u32 $0x7C, v11;
	v11 =	vld [tilespmem:s12+$0xFFFFFFE0];
	v12 =	vadd.s32 v1, v12;
	[tilespmem:v20+s29+$0x0] =	vst.idx.msk $0xffff, v19  }
.LBB2_25:
0x34a: {  	p0 =	slt.u32 s20, $0x7C;
	v14 =	vand.u32 $0x7F, v14;
	v15 =	vld [tilespmem:s12+$0xFFFFFF90];
	v16 =	vadd.s32 v0, v13;
	s12 =	sadd.s32 $0x80, s12;
	[tilespmem:v10+s29+$0x0] =	vst.idx.msk $0xffff, v2;
	v2 =	vmov v3  }
0x34b: {  	s9 =	sadd.s32 $0x1, s18;
	v17 =	vld [tilespmem:s12+$0xFFFFFFF0];
	v18 =	vadd.s32 v0, v14;
	[tilespmem:v7+s29+$0x0] =	vst.idx.msk $0xffff, v4  }
0x34c: {  	v4 =	vmov s9;
	v20 =	vadd.s32 v1, v14;
	v19 =	vld [tilespmem:s12+$0x0];
	[tilespmem:v8+s29+$0x0] =	vst.idx.msk $0xffff, v5  }
.Ltmp11:
0x34d: {  	v10 =	vadd.s32 v1, v13;
	s9 =	sadd.s32 $0x2, s18;
	v8 =	vand.u32 $0x7D, v4;
	v3 =	vld [tilespmem:s12+$0xFFFFFFA0];
	[tilespmem:v9+s29+$0x0] =	vst.idx.msk $0xffff, v6;
	(pc) =	sbr.rel @p0 .LBB2_25-.Ltmp11, $4  }
0x34e: {  	v7 =	vadd.s32 v0, v8;
	v6 =	vmov s9;
	v4 =	vld [tilespmem:s12+$0xFFFFFFB0];
	[tilespmem:v12+s29+$0x0] =	vst.idx.msk $0xffff, v11  }
0x34f: {  	v8 =	vadd.s32 v1, v8;
	v12 =	vand.u32 $0x7E, v6;
	v5 =	vld [tilespmem:s12+$0xFFFFFFC0];
	[tilespmem:v16+s29+$0x0] =	vst.idx.msk $0xffff, v15  }
0x350: {  	s9 =	sadd.s32 $0x3, s20;
	v11 =	vmov s18;
	s18 =	smov.u32 s20;
	v9 =	vadd.s32 v0, v12;
	v6 =	vld [tilespmem:s12+$0xFFFFFFD0];
	[tilespmem:v18+s29+$0x0] =	vst.idx.msk $0xffff, v17  }
0x351: {  	v14 =	vmov s9;
	s20 =	sadd.s32 $0x4, s20;
	v13 =	vand.u32 $0x7C, v11;
	v12 =	vadd.s32 v1, v12;
	v11 =	vld [tilespmem:s12+$0xFFFFFFE0];
	[tilespmem:v20+s29+$0x0] =	vst.idx.msk $0xffff, v19  }
0x352: {  	_ =	sdelay $0x3  }
0x353: {  	v14 =	vand.u32 $0x7F, v14;
	v15 =	vld [tilespmem:s12+$0xFFFFFF90];
	v16 =	vadd.s32 v0, v13;
	s9 =	sadd.s32 $0x80, s12;
	[tilespmem:v10+s29+$0x0] =	vst.idx.msk $0xffff, v2  }
0x354: {  	s20 =	sadd.s32 $0x1, s18;
	v2 =	vld [tilespmem:s9+$0xFFFFFFF0];
	v51 =	vadd.s32 v0, v14;
	[tilespmem:v7+s29+$0x0] =	vst.idx.msk $0xffff, v4  }
0x355: {  	v54 =	vadd.s32 v1, v13;
	v52 =	vmov s20;
	[tilespmem:v8+s29+$0x0] =	vst.idx.msk $0xffff, v5  }
0x356: {  	v53 =	vld [tilespmem:s9+$0x0];
	v14 =	vadd.s32 v1, v14;
	s20 =	sadd.s32 $0x2, s18;
	v4 =	vand.u32 $0x7D, v52;
	[tilespmem:v9+s29+$0x0] =	vst.idx.msk $0xffff, v6  }
0x357: {  	v56 =	vld [tilespmem:s9+$0xFFFFFFB0];
	v55 =	vmov s20;
	v57 =	vadd.s32 v0, v4;
	[tilespmem:v12+s29+$0x0] =	vst.idx.msk $0xffff, v11  }
0x358: {  	v58 =	vld [tilespmem:s9+$0xFFFFFFC0];
	v4 =	vadd.s32 v1, v4;
	v6 =	vand.u32 $0x7E, v55;
	[tilespmem:v16+s29+$0x0] =	vst.idx.msk $0xffff, v15  }
0x359: {  	v60 =	vld [tilespmem:s9+$0xFFFFFFD0];
	v61 =	vadd.s32 v0, v6;
	[tilespmem:v51+s29+$0x0] =	vst.idx.msk $0xffff, v2  }
0x35a: {  	v62 =	vld [tilespmem:s9+$0xFFFFFFE0];
	v6 =	vadd.s32 v1, v6;
	[tilespmem:v54+s29+$0x0] =	vst.idx.msk $0xffff, v3  }
0x35b: {  	v59 =	vmov s18;
	[tilespmem:v14+s29+$0x0] =	vst.idx.msk $0xffff, v53  }
0x35c: {  	v2 =	vand.u32 $0x7C, v59;
	[tilespmem:v57+s29+$0x0] =	vst.idx.msk $0xffff, v56  }
0x35d: {  	v63 =	vld [tilespmem:s9+$0xFFFFFF90];
	v12 =	vadd.s32 v0, v2;
	[tilespmem:v4+s29+$0x0] =	vst.idx.msk $0xffff, v58  }
0x35e: {  	v3 =	vld [tilespmem:s9+$0xFFFFFFA0];
	v2 =	vadd.s32 v1, v2;
	[tilespmem:v61+s29+$0x0] =	vst.idx.msk $0xffff, v60  }
0x35f: {  	s11 =	sadd.s32 s23, s11;
	[tilespmem:v6+s29+$0x0] =	vst.idx.msk $0xffff, v62  }
0x360: {  	s9 =	sshll.u32 s11, $0x11;
	s12 =	rddreg [dreg:$0xe]  }
0x361: {  	s9 =	sor.u32 s12, s9  }
0x362: {  	[tilespmem:v12+s29+$0x0] =	vst.idx.msk $0xffff, v63;
	s9 =	sshrl.u32 s9, $0x3  }
0x363: {  	[tilespmem:v2+s29+$0x0] =	vst.idx.msk $0xffff, v3;
	s9 =	sadd.s32 s3, s9  }
0x364: {  	[hbm4b:s9+s4] =	stream.linear.scatter [tilespmem:s29], [sflag:$0x3], $0x80, $0x38;
	[tilespmem:$0x12A00] =	vst v63  }
0x365: {  	s20 =	simm.s32 $0x11988;
	s18 =	sadd.s32 $0x10, s9  }
0x366: {  	[hbm4b:s18+s4] =	stream.linear.scatter [tilespmem:s20], [sflag:$0x3], $0x80, $0x38;
	[tilespmem:$0x12A00] =	vst v63  }
0x367: {  	s18 =	sadd.s32 $0x20, s9;
	s20 =	simm.s32 $0x11A10  }
0x368: {  	[hbm4b:s18+s4] =	stream.linear.scatter [tilespmem:s20], [sflag:$0x3], $0x80, $0x38;
	[tilespmem:$0x12A00] =	vst v63  }
0x369: {  	s18 =	sadd.s32 $0x30, s9;
	s20 =	simm.s32 $0x11A98  }
0x36a: {  	[hbm4b:s18+s4] =	stream.linear.scatter [tilespmem:s20], [sflag:$0x3], $0x80, $0x38;
	[tilespmem:$0x12A00] =	vst v63  }
0x36b: {  	s18 =	sadd.s32 $0x40, s9;
	s20 =	simm.s32 $0x11B20  }
0x36c: {  	[hbm4b:s18+s4] =	stream.linear.scatter [tilespmem:s20], [sflag:$0x3], $0x80, $0x38;
	[tilespmem:$0x12A00] =	vst v63  }
0x36d: {  	s18 =	sadd.s32 $0x50, s9;
	s20 =	simm.s32 $0x11BA8  }
0x36e: {  	[hbm4b:s18+s4] =	stream.linear.scatter [tilespmem:s20], [sflag:$0x3], $0x80, $0x38;
	[tilespmem:$0x12A00] =	vst v63  }
0x36f: {  	s18 =	sadd.s32 $0x60, s9;
	s20 =	simm.s32 $0x11C30  }
0x370: {  	[hbm4b:s18+s4] =	stream.linear.scatter [tilespmem:s20], [sflag:$0x3], $0x80, $0x38;
	[tilespmem:$0x12A00] =	vst v63  }
0x371: {  	s18 =	sadd.s32 $0x70, s9;
	s20 =	simm.s32 $0x11CB8  }
0x372: {  	[hbm4b:s18+s4] =	stream.linear.scatter [tilespmem:s20], [sflag:$0x3], $0x80, $0x38;
	[tilespmem:$0x12A00] =	vst v63  }
0x373: {  	s18 =	sadd.s32 $0x1000, s9;
	s20 =	simm.s32 $0x11D40  }
0x374: {  	[hbm4b:s18+s4] =	stream.linear.scatter [tilespmem:s20], [sflag:$0x3], $0x80, $0x38;
	[tilespmem:$0x12A00] =	vst v63  }
0x375: {  	s18 =	sadd.s32 $0x1010, s9;
	s20 =	simm.s32 $0x11DC8  }
0x376: {  	[hbm4b:s18+s4] =	stream.linear.scatter [tilespmem:s20], [sflag:$0x3], $0x80, $0x38;
	[tilespmem:$0x12A00] =	vst v63  }
0x377: {  	s18 =	sadd.s32 $0x1020, s9;
	s20 =	simm.s32 $0x11E50  }
0x378: {  	[hbm4b:s18+s4] =	stream.linear.scatter [tilespmem:s20], [sflag:$0x3], $0x80, $0x38;
	[tilespmem:$0x12A00] =	vst v63  }
0x379: {  	s18 =	sadd.s32 $0x1030, s9;
	s20 =	simm.s32 $0x11ED8  }
0x37a: {  	[hbm4b:s18+s4] =	stream.linear.scatter [tilespmem:s20], [sflag:$0x3], $0x80, $0x38;
	[tilespmem:$0x12A00] =	vst v63  }
0x37b: {  	s18 =	sadd.s32 $0x1040, s9;
	s20 =	simm.s32 $0x11F60  }
0x37c: {  	[hbm4b:s18+s4] =	stream.linear.scatter [tilespmem:s20], [sflag:$0x3], $0x80, $0x38;
	[tilespmem:$0x12A00] =	vst v63  }
0x37d: {  	s18 =	sadd.s32 $0x1050, s9;
	s20 =	simm.s32 $0x11FE8  }
0x37e: {  	[hbm4b:s18+s4] =	stream.linear.scatter [tilespmem:s20], [sflag:$0x3], $0x80, $0x38;
	[tilespmem:$0x12A00] =	vst v63  }
0x37f: {  	s18 =	sadd.s32 $0x1060, s9;
	s20 =	simm.s32 $0x12070  }
0x380: {  	[hbm4b:s18+s4] =	stream.linear.scatter [tilespmem:s20], [sflag:$0x3], $0x80, $0x38;
	[tilespmem:$0x12A00] =	vst v63  }
0x381: {  	s18 =	sadd.s32 $0x1070, s9;
	s20 =	simm.s32 $0x120F8  }
0x382: {  	[hbm4b:s18+s4] =	stream.linear.scatter [tilespmem:s20], [sflag:$0x3], $0x80, $0x38;
	[tilespmem:$0x12A00] =	vst v63  }
0x383: {  	s18 =	sadd.s32 $0x2000, s9;
	s20 =	simm.s32 $0x12180  }
0x384: {  	[hbm4b:s18+s4] =	stream.linear.scatter [tilespmem:s20], [sflag:$0x3], $0x80, $0x38;
	[tilespmem:$0x12A00] =	vst v63  }
0x385: {  	s12 =	sadd.s32 $0x2010, s9;
	s18 =	simm.s32 $0x12208  }
0x386: {  	[hbm4b:s12+s4] =	stream.linear.scatter [tilespmem:s18], [sflag:$0x3], $0x80, $0x38;
	[tilespmem:$0x12A00] =	vst v63  }
0x387: {  	s20 =	sadd.s32 $0x2020, s9  }
0x388: {  	[hbm4b:s20+s4] =	stream.linear.scatter [tilespmem:s10], [sflag:$0x3], $0x80, $0x38;
	[tilespmem:$0x12A00] =	vst v63  }
0x389: {  	s12 =	sadd.s32 $0x2030, s9  }
0x38a: {  	[hbm4b:s12+s4] =	stream.linear.scatter [tilespmem:s14], [sflag:$0x3], $0x80, $0x38;
	[tilespmem:$0x12A00] =	vst v63  }
0x38b: {  	s18 =	sadd.s32 $0x2040, s9  }
0x38c: {  	[hbm4b:s18+s4] =	stream.linear.scatter [tilespmem:s15], [sflag:$0x3], $0x80, $0x38;
	[tilespmem:$0x12A00] =	vst v63  }
0x38d: {  	s20 =	sadd.s32 $0x2050, s9  }
0x38e: {  	[hbm4b:s20+s4] =	stream.linear.scatter [tilespmem:s16], [sflag:$0x3], $0x80, $0x38;
	[tilespmem:$0x12A00] =	vst v63  }
0x38f: {  	s12 =	sadd.s32 $0x2060, s9  }
0x390: {  	[hbm4b:s12+s4] =	stream.linear.scatter [tilespmem:s17], [sflag:$0x3], $0x80, $0x38;
	[tilespmem:$0x12A00] =	vst v63  }
0x391: {  	s18 =	sadd.s32 $0x2070, s9  }
0x392: {  	[hbm4b:s18+s4] =	stream.linear.scatter [tilespmem:s6], [sflag:$0x3], $0x80, $0x38;
	[tilespmem:$0x12A00] =	vst v63  }
0x393: {  	s20 =	sadd.s32 $0x3000, s9  }
0x394: {  	[hbm4b:s20+s4] =	stream.linear.scatter [tilespmem:s19], [sflag:$0x3], $0x80, $0x38;
	[tilespmem:$0x12A00] =	vst v63  }
0x395: {  	s12 =	sadd.s32 $0x3010, s9  }
0x396: {  	[hbm4b:s12+s4] =	stream.linear.scatter [tilespmem:s25], [sflag:$0x3], $0x80, $0x38;
	[tilespmem:$0x12A00] =	vst v63  }
0x397: {  	s18 =	sadd.s32 $0x3020, s9  }
0x398: {  	[hbm4b:s18+s4] =	stream.linear.scatter [tilespmem:s26], [sflag:$0x3], $0x80, $0x38;
	[tilespmem:$0x12A00] =	vst v63  }
0x399: {  	s20 =	sadd.s32 $0x3030, s9  }
0x39a: {  	[hbm4b:s20+s4] =	stream.linear.scatter [tilespmem:s28], [sflag:$0x3], $0x80, $0x38;
	[tilespmem:$0x12A00] =	vst v63  }
0x39b: {  	s5 =	sadd.s32 $0x1, s5;
	s12 =	sadd.s32 $0x3040, s9  }
0x39c: {  	[hbm4b:s12+s4] =	stream.linear.scatter [tilespmem:s30], [sflag:$0x3], $0x80, $0x38;
	[tilespmem:$0x12A00] =	vst v63  }
0x39d: {  	p0 =	sne.s32 s5, $0x4;
	s18 =	sadd.s32 $0x3050, s9  }
0x39e: {  	[hbm4b:s18+s4] =	stream.linear.scatter [tilespmem:s31], [sflag:$0x3], $0x80, $0x38;
	[tilespmem:$0x12A00] =	vst v63  }
.Ltmp12:
0x39f: {  	_ = 	snop;
	(pc) =	sbr.rel @p0 .LBB2_22-.Ltmp12, $4  }
0x3a0: {  	s20 =	sadd.s32 $0x3060, s9  }
0x3a1: {  	[hbm4b:s20+s4] =	stream.linear.scatter [tilespmem:s2], [sflag:$0x3], $0x80, $0x38;
	[tilespmem:$0x12A00] =	vst v63  }
0x3a2: {  	s13 =	sadd.s32 $0x2000, s13;
	s1 =	sadd.s32 $0x2000, s1;
	s9 =	sadd.s32 $0x3070, s9  }
0x3a3: {  	[hbm4b:s9+s4] =	stream.linear.scatter [tilespmem:s0], [sflag:$0x3], $0x80, $0x38;
	[tilespmem:$0x12A00] =	vst v63  }
0x3a4: {  	s1 =	simm.s32 $0x1  }
0x3a5: {  	_ =	swait.ge [sflag:s1], $0x8000  }
0x3a6: {  	s8 =	simm.s32 $0x0;
	s13 =	simm.s32 $0x840;
	[sflag:s1] =	ssyncset.done $0x0  }
0x3a7: {  	s5 =	simm.s32 $0x0;
	[sflag:s1] =	ssyncadd.s32 $0xFFFF8000;
	s1 =	simm.s32 $0x1870  }
.LBB2_28:
0x3a8: {  	_ =	swait.ge [sflag:s7], $0x1000  }
0x3a9: {  	s9 =	simm.s32 $0x3;
	[sflag:s7] =	ssyncset.done $0x0  }
0x3aa: {  	v2 =	vmov s9;
	[sflag:s7] =	ssyncadd.s32 $0xFFFFF000  }
0x3ab: {  	s23 =	simm.s32 $0x1;
	v2 =	vand.u32 $0x7F, v2;
	v3 =	vld [tilespmem:s13+$0x20]  }
0x3ac: {  	s11 =	simm.s32 $0x2;
	v5 =	vmov s23;
	v4 =	vadd.s32 v0, v2;
	v6 =	vld [tilespmem:s13+$0x30]  }
0x3ad: {  	v10 =	vmov s11;
	v5 =	vand.u32 $0x7D, v5;
	v7 =	vadd.s32 v1, v2;
	v2 =	vld [tilespmem:s13+$0xFFFFFFD0]  }
0x3ae: {  	v10 =	vand.u32 $0x7E, v10;
	v8 =	vld [tilespmem:s13+$0xFFFFFFE0];
	v9 =	vadd.s32 v0, v5  }
0x3af: {  	v13 =	vld [tilespmem:s13+$0x0];
	v14 =	vadd.s32 v0, v10  }
0x3b0: {  	s12 =	simm.s32 $0x7;
	v12 =	vmov s8;
	v15 =	vld [tilespmem:s13+$0x10];
	v10 =	vadd.s32 v1, v10  }
0x3b1: {  	v12 =	vand.u32 $0x7C, v12;
	v11 =	vld [tilespmem:s13+$0xFFFFFFF0];
	v5 =	vadd.s32 v1, v5;
	[tilespmem:v4+s24+$0x0] =	vst.idx.msk $0xffff, v3;
	v3 =	vmov s12  }
0x3b2: {  	s11 =	sadd.s32 $0x80, s13;
	v16 =	vadd.s32 v0, v12;
	[tilespmem:v7+s24+$0x0] =	vst.idx.msk $0xffff, v6;
	v3 =	vand.u32 $0x7F, v3;
	v6 =	vld [tilespmem:s13+$0xFFFFFFC0]  }
0x3b3: {  	s18 =	simm.s32 $0x5;
	v17 =	vld [tilespmem:s11+$0x20];
	[tilespmem:v9+s24+$0x0] =	vst.idx.msk $0xffff, v8;
	v18 =	vadd.s32 v0, v3  }
0x3b4: {  	v19 =	vld [tilespmem:s11+$0x30];
	v4 =	vmov s18;
	[tilespmem:v14+s24+$0x0] =	vst.idx.msk $0xffff, v13;
	v20 =	vadd.s32 v1, v3  }
0x3b5: {  	s20 =	simm.s32 $0x6;
	v8 =	vand.u32 $0x7D, v4;
	[tilespmem:v10+s24+$0x0] =	vst.idx.msk $0xffff, v15;
	v10 =	vadd.s32 v1, v12;
	v3 =	vld [tilespmem:s11+$0xFFFFFFD0]  }
0x3b6: {  	v9 =	vmov s20;
	[tilespmem:v5+s24+$0x0] =	vst.idx.msk $0xffff, v11;
	v4 =	vld [tilespmem:s11+$0xFFFFFFE0];
	v7 =	vadd.s32 v0, v8  }
0x3b7: {  	s23 =	simm.s32 $0x4;
	v5 =	vld [tilespmem:s11+$0xFFFFFFF0];
	v12 =	vand.u32 $0x7E, v9;
	v8 =	vadd.s32 v1, v8;
	[tilespmem:v16+s24+$0x0] =	vst.idx.msk $0xffff, v6  }
0x3b8: {  	s18 =	simm.s32 $0xB;
	v11 =	vmov s23;
	v9 =	vadd.s32 v0, v12;
	v6 =	vld [tilespmem:s11+$0x0];
	[tilespmem:v18+s24+$0x0] =	vst.idx.msk $0xffff, v17  }
0x3b9: {  	s12 =	simm.s32 $0x8;
	v14 =	vmov s18;
	s18 =	simm.s32 $0xC;
	v13 =	vand.u32 $0x7C, v11;
	v11 =	vld [tilespmem:s11+$0x10];
	v12 =	vadd.s32 v1, v12;
	[tilespmem:v20+s24+$0x0] =	vst.idx.msk $0xffff, v19  }
.LBB2_29:
0x3ba: {  	p0 =	slt.u32 s18, $0x7C;
	v14 =	vand.u32 $0x7F, v14;
	v15 =	vld [tilespmem:s11+$0xFFFFFFC0];
	v16 =	vadd.s32 v0, v13;
	s11 =	sadd.s32 $0x80, s11;
	[tilespmem:v10+s24+$0x0] =	vst.idx.msk $0xffff, v2;
	v2 =	vmov v3  }
0x3bb: {  	s9 =	sadd.s32 $0x1, s12;
	v17 =	vld [tilespmem:s11+$0x20];
	v18 =	vadd.s32 v0, v14;
	[tilespmem:v7+s24+$0x0] =	vst.idx.msk $0xffff, v4  }
0x3bc: {  	v4 =	vmov s9;
	v20 =	vadd.s32 v1, v14;
	v19 =	vld [tilespmem:s11+$0x30];
	[tilespmem:v8+s24+$0x0] =	vst.idx.msk $0xffff, v5  }
.Ltmp13:
0x3bd: {  	v10 =	vadd.s32 v1, v13;
	s9 =	sadd.s32 $0x2, s12;
	v8 =	vand.u32 $0x7D, v4;
	v3 =	vld [tilespmem:s11+$0xFFFFFFD0];
	[tilespmem:v9+s24+$0x0] =	vst.idx.msk $0xffff, v6;
	(pc) =	sbr.rel @p0 .LBB2_29-.Ltmp13, $4  }
0x3be: {  	v7 =	vadd.s32 v0, v8;
	v6 =	vmov s9;
	v4 =	vld [tilespmem:s11+$0xFFFFFFE0];
	[tilespmem:v12+s24+$0x0] =	vst.idx.msk $0xffff, v11  }
0x3bf: {  	v8 =	vadd.s32 v1, v8;
	v12 =	vand.u32 $0x7E, v6;
	v5 =	vld [tilespmem:s11+$0xFFFFFFF0];
	[tilespmem:v16+s24+$0x0] =	vst.idx.msk $0xffff, v15  }
0x3c0: {  	s9 =	sadd.s32 $0x3, s18;
	v11 =	vmov s12;
	s12 =	smov.u32 s18;
	v9 =	vadd.s32 v0, v12;
	v6 =	vld [tilespmem:s11+$0x0];
	[tilespmem:v18+s24+$0x0] =	vst.idx.msk $0xffff, v17  }
0x3c1: {  	v14 =	vmov s9;
	s18 =	sadd.s32 $0x4, s18;
	v13 =	vand.u32 $0x7C, v11;
	v12 =	vadd.s32 v1, v12;
	v11 =	vld [tilespmem:s11+$0x10];
	[tilespmem:v20+s24+$0x0] =	vst.idx.msk $0xffff, v19  }
0x3c2: {  	_ =	sdelay $0x3  }
0x3c3: {  	v14 =	vand.u32 $0x7F, v14;
	v15 =	vld [tilespmem:s11+$0xFFFFFFC0];
	v16 =	vadd.s32 v0, v13;
	s9 =	sadd.s32 $0x80, s11;
	[tilespmem:v10+s24+$0x0] =	vst.idx.msk $0xffff, v2  }
0x3c4: {  	s20 =	sadd.s32 $0x1, s12;
	v2 =	vld [tilespmem:s9+$0x20];
	v10 =	vadd.s32 v0, v14;
	[tilespmem:v7+s24+$0x0] =	vst.idx.msk $0xffff, v4  }
0x3c5: {  	v4 =	vmov s20;
	v7 =	vld [tilespmem:s9+$0x30];
	v14 =	vadd.s32 v1, v14;
	[tilespmem:v8+s24+$0x0] =	vst.idx.msk $0xffff, v5  }
0x3c6: {  	s23 =	sadd.s32 $0x2, s12;
	v4 =	vand.u32 $0x7D, v4;
	v5 =	vadd.s32 v1, v13;
	[tilespmem:v9+s24+$0x0] =	vst.idx.msk $0xffff, v6  }
0x3c7: {  	v6 =	vld [tilespmem:s9+$0xFFFFFFE0];
	v8 =	vadd.s32 v0, v4;
	v9 =	vmov s23;
	[tilespmem:v12+s24+$0x0] =	vst.idx.msk $0xffff, v11  }
0x3c8: {  	v4 =	vadd.s32 v1, v4;
	v11 =	vld [tilespmem:s9+$0xFFFFFFF0];
	v9 =	vand.u32 $0x7E, v9;
	[tilespmem:v16+s24+$0x0] =	vst.idx.msk $0xffff, v15  }
0x3c9: {  	v13 =	vld [tilespmem:s9+$0x0];
	v15 =	vadd.s32 v0, v9;
	[tilespmem:v10+s24+$0x0] =	vst.idx.msk $0xffff, v2  }
0x3ca: {  	v9 =	vadd.s32 v1, v9;
	v10 =	vld [tilespmem:s9+$0x10];
	[tilespmem:v14+s24+$0x0] =	vst.idx.msk $0xffff, v7  }
0x3cb: {  	v12 =	vmov s12;
	[tilespmem:v5+s24+$0x0] =	vst.idx.msk $0xffff, v3  }
0x3cc: {  	v2 =	vand.u32 $0x7C, v12;
	[tilespmem:v8+s24+$0x0] =	vst.idx.msk $0xffff, v6  }
0x3cd: {  	v7 =	vld [tilespmem:s9+$0xFFFFFFC0];
	v12 =	vadd.s32 v0, v2;
	[tilespmem:v4+s24+$0x0] =	vst.idx.msk $0xffff, v11  }
0x3ce: {  	s11 =	sshll.u32 s5, $0x1;
	v3 =	vld [tilespmem:s9+$0xFFFFFFD0];
	v2 =	vadd.s32 v1, v2;
	s12 =	rddreg [dreg:$0xf];
	[tilespmem:v15+s24+$0x0] =	vst.idx.msk $0xffff, v13  }
0x3cf: {  	s9 =	sadd.s32 s12, s11;
	[tilespmem:v9+s24+$0x0] =	vst.idx.msk $0xffff, v10  }
0x3d0: {  	s9 =	sshll.u32 s9, $0x11;
	s18 =	rddreg [dreg:$0x10]  }
0x3d1: {  	s9 =	sor.u32 s18, s9  }
0x3d2: {  	[tilespmem:v12+s24+$0x0] =	vst.idx.msk $0xffff, v7;
	s9 =	sshrl.u32 s9, $0x3  }
0x3d3: {  	s11 =	simm.s32 $0x0;
	[tilespmem:v2+s24+$0x0] =	vst.idx.msk $0xffff, v3;
	s12 =	sadd.s32 s3, s9  }
0x3d4: {  	[hbm4b:s12+s11] =	stream.linear.scatter [tilespmem:s24], [sflag:$0x3], $0x80, $0x38;
	[tilespmem:$0x12A00] =	vst v63  }
0x3d5: {  	s18 =	simm.s32 $0x10888;
	s9 =	sadd.s32 $0x10, s12  }
0x3d6: {  	[hbm4b:s9+s11] =	stream.linear.scatter [tilespmem:s18], [sflag:$0x3], $0x80, $0x38;
	[tilespmem:$0x12A00] =	vst v63  }
0x3d7: {  	s23 =	simm.s32 $0x10910;
	s20 =	sadd.s32 $0x20, s12  }
0x3d8: {  	[hbm4b:s20+s11] =	stream.linear.scatter [tilespmem:s23], [sflag:$0x3], $0x80, $0x38;
	[tilespmem:$0x12A00] =	vst v63  }
0x3d9: {  	s20 =	sadd.s32 $0x30, s12;
	s23 =	simm.s32 $0x10998  }
0x3da: {  	[hbm4b:s20+s11] =	stream.linear.scatter [tilespmem:s23], [sflag:$0x3], $0x80, $0x38;
	[tilespmem:$0x12A00] =	vst v63  }
0x3db: {  	s20 =	sadd.s32 $0x40, s12;
	s23 =	simm.s32 $0x10A20  }
0x3dc: {  	[hbm4b:s20+s11] =	stream.linear.scatter [tilespmem:s23], [sflag:$0x3], $0x80, $0x38;
	[tilespmem:$0x12A00] =	vst v63  }
0x3dd: {  	s20 =	sadd.s32 $0x50, s12;
	s23 =	simm.s32 $0x10AA8  }
0x3de: {  	[hbm4b:s20+s11] =	stream.linear.scatter [tilespmem:s23], [sflag:$0x3], $0x80, $0x38;
	[tilespmem:$0x12A00] =	vst v63  }
0x3df: {  	s20 =	sadd.s32 $0x60, s12;
	s23 =	simm.s32 $0x10B30  }
0x3e0: {  	[hbm4b:s20+s11] =	stream.linear.scatter [tilespmem:s23], [sflag:$0x3], $0x80, $0x38;
	[tilespmem:$0x12A00] =	vst v63  }
0x3e1: {  	s20 =	sadd.s32 $0x70, s12;
	s23 =	simm.s32 $0x10BB8  }
0x3e2: {  	[hbm4b:s20+s11] =	stream.linear.scatter [tilespmem:s23], [sflag:$0x3], $0x80, $0x38;
	[tilespmem:$0x12A00] =	vst v63  }
0x3e3: {  	s20 =	sadd.s32 $0x1000, s12;
	s23 =	simm.s32 $0x10C40  }
0x3e4: {  	[hbm4b:s20+s11] =	stream.linear.scatter [tilespmem:s23], [sflag:$0x3], $0x80, $0x38;
	[tilespmem:$0x12A00] =	vst v63  }
0x3e5: {  	s20 =	sadd.s32 $0x1010, s12;
	s23 =	simm.s32 $0x10CC8  }
0x3e6: {  	[hbm4b:s20+s11] =	stream.linear.scatter [tilespmem:s23], [sflag:$0x3], $0x80, $0x38;
	[tilespmem:$0x12A00] =	vst v63  }
0x3e7: {  	s20 =	sadd.s32 $0x1020, s12;
	s23 =	simm.s32 $0x10D50  }
0x3e8: {  	[hbm4b:s20+s11] =	stream.linear.scatter [tilespmem:s23], [sflag:$0x3], $0x80, $0x38;
	[tilespmem:$0x12A00] =	vst v63  }
0x3e9: {  	s20 =	sadd.s32 $0x1030, s12;
	s23 =	simm.s32 $0x10DD8  }
0x3ea: {  	[hbm4b:s20+s11] =	stream.linear.scatter [tilespmem:s23], [sflag:$0x3], $0x80, $0x38;
	[tilespmem:$0x12A00] =	vst v63  }
0x3eb: {  	s20 =	sadd.s32 $0x1040, s12;
	s23 =	simm.s32 $0x10E60  }
0x3ec: {  	[hbm4b:s20+s11] =	stream.linear.scatter [tilespmem:s23], [sflag:$0x3], $0x80, $0x38;
	[tilespmem:$0x12A00] =	vst v63  }
0x3ed: {  	s20 =	sadd.s32 $0x1050, s12;
	s23 =	simm.s32 $0x10EE8  }
0x3ee: {  	[hbm4b:s20+s11] =	stream.linear.scatter [tilespmem:s23], [sflag:$0x3], $0x80, $0x38;
	[tilespmem:$0x12A00] =	vst v63  }
0x3ef: {  	s20 =	sadd.s32 $0x1060, s12;
	s23 =	simm.s32 $0x10F70  }
0x3f0: {  	[hbm4b:s20+s11] =	stream.linear.scatter [tilespmem:s23], [sflag:$0x3], $0x80, $0x38;
	[tilespmem:$0x12A00] =	vst v63  }
0x3f1: {  	s20 =	sadd.s32 $0x1070, s12;
	s23 =	simm.s32 $0x10FF8  }
0x3f2: {  	[hbm4b:s20+s11] =	stream.linear.scatter [tilespmem:s23], [sflag:$0x3], $0x80, $0x38;
	[tilespmem:$0x12A00] =	vst v63  }
0x3f3: {  	s20 =	sadd.s32 $0x2000, s12;
	s23 =	simm.s32 $0x11080  }
0x3f4: {  	[hbm4b:s20+s11] =	stream.linear.scatter [tilespmem:s23], [sflag:$0x3], $0x80, $0x38;
	[tilespmem:$0x12A00] =	vst v63  }
0x3f5: {  	s20 =	sadd.s32 $0x2010, s12;
	s23 =	simm.s32 $0x11108  }
0x3f6: {  	[hbm4b:s20+s11] =	stream.linear.scatter [tilespmem:s23], [sflag:$0x3], $0x80, $0x38;
	[tilespmem:$0x12A00] =	vst v63  }
0x3f7: {  	s20 =	sadd.s32 $0x2020, s12;
	s23 =	simm.s32 $0x11190  }
0x3f8: {  	[hbm4b:s20+s11] =	stream.linear.scatter [tilespmem:s23], [sflag:$0x3], $0x80, $0x38;
	[tilespmem:$0x12A00] =	vst v63  }
0x3f9: {  	s20 =	sadd.s32 $0x2030, s12;
	s23 =	simm.s32 $0x11218  }
0x3fa: {  	[hbm4b:s20+s11] =	stream.linear.scatter [tilespmem:s23], [sflag:$0x3], $0x80, $0x38;
	[tilespmem:$0x12A00] =	vst v63  }
0x3fb: {  	s20 =	sadd.s32 $0x2040, s12;
	s23 =	simm.s32 $0x112A0  }
0x3fc: {  	[hbm4b:s20+s11] =	stream.linear.scatter [tilespmem:s23], [sflag:$0x3], $0x80, $0x38;
	[tilespmem:$0x12A00] =	vst v63  }
0x3fd: {  	s20 =	sadd.s32 $0x2050, s12;
	s23 =	simm.s32 $0x11328  }
0x3fe: {  	[hbm4b:s20+s11] =	stream.linear.scatter [tilespmem:s23], [sflag:$0x3], $0x80, $0x38;
	[tilespmem:$0x12A00] =	vst v63  }
0x3ff: {  	s20 =	sadd.s32 $0x2060, s12;
	s23 =	simm.s32 $0x113B0  }
0x400: {  	[hbm4b:s20+s11] =	stream.linear.scatter [tilespmem:s23], [sflag:$0x3], $0x80, $0x38;
	[tilespmem:$0x12A00] =	vst v63  }
0x401: {  	s20 =	sadd.s32 $0x2070, s12;
	s23 =	simm.s32 $0x11438  }
0x402: {  	[hbm4b:s20+s11] =	stream.linear.scatter [tilespmem:s23], [sflag:$0x3], $0x80, $0x38;
	[tilespmem:$0x12A00] =	vst v63  }
0x403: {  	s20 =	sadd.s32 $0x3000, s12;
	s23 =	simm.s32 $0x114C0  }
0x404: {  	[hbm4b:s20+s11] =	stream.linear.scatter [tilespmem:s23], [sflag:$0x3], $0x80, $0x38;
	[tilespmem:$0x12A00] =	vst v63  }
0x405: {  	s20 =	sadd.s32 $0x3010, s12;
	s23 =	simm.s32 $0x11548  }
0x406: {  	[hbm4b:s20+s11] =	stream.linear.scatter [tilespmem:s23], [sflag:$0x3], $0x80, $0x38;
	[tilespmem:$0x12A00] =	vst v63  }
0x407: {  	s20 =	sadd.s32 $0x3020, s12;
	s23 =	simm.s32 $0x115D0  }
0x408: {  	[hbm4b:s20+s11] =	stream.linear.scatter [tilespmem:s23], [sflag:$0x3], $0x80, $0x38;
	[tilespmem:$0x12A00] =	vst v63  }
0x409: {  	s20 =	sadd.s32 $0x3030, s12;
	s23 =	simm.s32 $0x11658  }
0x40a: {  	[hbm4b:s20+s11] =	stream.linear.scatter [tilespmem:s23], [sflag:$0x3], $0x80, $0x38;
	[tilespmem:$0x12A00] =	vst v63  }
0x40b: {  	s20 =	sadd.s32 $0x3040, s12;
	s23 =	simm.s32 $0x116E0  }
0x40c: {  	[hbm4b:s20+s11] =	stream.linear.scatter [tilespmem:s23], [sflag:$0x3], $0x80, $0x38;
	[tilespmem:$0x12A00] =	vst v63  }
0x40d: {  	s20 =	sadd.s32 $0x3050, s12;
	s23 =	simm.s32 $0x11768  }
0x40e: {  	[hbm4b:s20+s11] =	stream.linear.scatter [tilespmem:s23], [sflag:$0x3], $0x80, $0x38;
	[tilespmem:$0x12A00] =	vst v63  }
0x40f: {  	s20 =	sadd.s32 $0x3060, s12;
	s23 =	simm.s32 $0x117F0  }
0x410: {  	[hbm4b:s20+s11] =	stream.linear.scatter [tilespmem:s23], [sflag:$0x3], $0x80, $0x38;
	[tilespmem:$0x12A00] =	vst v63  }
0x411: {  	s20 =	sadd.s32 $0x3070, s12;
	s23 =	simm.s32 $0x11878  }
0x412: {  	[hbm4b:s20+s11] =	stream.linear.scatter [tilespmem:s23], [sflag:$0x3], $0x80, $0x38;
	[tilespmem:$0x12A00] =	vst v63  }
0x413: {  	_ =	swait.ge [sflag:s7], $0x1000  }
0x414: {  	s18 =	simm.s32 $0x3;
	[sflag:s7] =	ssyncset.done $0x0  }
0x415: {  	v2 =	vmov s18;
	[sflag:s7] =	ssyncadd.s32 $0xFFFFF000  }
0x416: {  	v2 =	vand.u32 $0x7F, v2;
	s20 =	simm.s32 $0x1;
	v3 =	vld [tilespmem:s1+$0xFFFFFFF0]  }
0x417: {  	v4 =	vadd.s32 v0, v2;
	s23 =	simm.s32 $0x2;
	v5 =	vmov s20;
	v6 =	vld [tilespmem:s1+$0x0]  }
0x418: {  	v7 =	vadd.s32 v1, v2;
	v10 =	vmov s23;
	v5 =	vand.u32 $0x7D, v5;
	v2 =	vld [tilespmem:s1+$0xFFFFFFA0]  }
0x419: {  	v10 =	vand.u32 $0x7E, v10;
	v9 =	vadd.s32 v0, v5;
	v8 =	vld [tilespmem:s1+$0xFFFFFFB0]  }
0x41a: {  	v14 =	vadd.s32 v0, v10;
	v13 =	vld [tilespmem:s1+$0xFFFFFFD0]  }
0x41b: {  	v12 =	vmov s11;
	s12 =	simm.s32 $0x7;
	v10 =	vadd.s32 v1, v10;
	v15 =	vld [tilespmem:s1+$0xFFFFFFE0]  }
0x41c: {  	v12 =	vand.u32 $0x7C, v12;
	v5 =	vadd.s32 v1, v5;
	v11 =	vld [tilespmem:s1+$0xFFFFFFC0];
	[tilespmem:v4+s29+$0x0] =	vst.idx.msk $0xffff, v3;
	v3 =	vmov s12  }
0x41d: {  	v63 =	vadd.s32 v0, v12;
	s12 =	sadd.s32 $0x80, s1;
	[tilespmem:v7+s29+$0x0] =	vst.idx.msk $0xffff, v6;
	v3 =	vand.u32 $0x7F, v3;
	v6 =	vld [tilespmem:s1+$0xFFFFFF90]  }
0x41e: {  	s18 =	simm.s32 $0x5;
	[tilespmem:v9+s29+$0x0] =	vst.idx.msk $0xffff, v8;
	v17 =	vld [tilespmem:s12+$0xFFFFFFF0];
	v18 =	vadd.s32 v0, v3  }
0x41f: {  	v4 =	vmov s18;
	[tilespmem:v14+s29+$0x0] =	vst.idx.msk $0xffff, v13;
	v19 =	vld [tilespmem:s12+$0x0];
	v20 =	vadd.s32 v1, v3  }
0x420: {  	s20 =	simm.s32 $0x6;
	v8 =	vand.u32 $0x7D, v4;
	[tilespmem:v10+s29+$0x0] =	vst.idx.msk $0xffff, v15;
	v10 =	vadd.s32 v1, v12;
	v3 =	vld [tilespmem:s12+$0xFFFFFFA0]  }
0x421: {  	v9 =	vmov s20;
	[tilespmem:v5+s29+$0x0] =	vst.idx.msk $0xffff, v11;
	v4 =	vld [tilespmem:s12+$0xFFFFFFB0];
	v7 =	vadd.s32 v0, v8  }
0x422: {  	s23 =	simm.s32 $0x4;
	v5 =	vld [tilespmem:s12+$0xFFFFFFC0];
	v12 =	vand.u32 $0x7E, v9;
	v8 =	vadd.s32 v1, v8;
	[tilespmem:v63+s29+$0x0] =	vst.idx.msk $0xffff, v6  }
0x423: {  	s20 =	simm.s32 $0xB;
	v11 =	vmov s23;
	v9 =	vadd.s32 v0, v12;
	v6 =	vld [tilespmem:s12+$0xFFFFFFD0];
	[tilespmem:v18+s29+$0x0] =	vst.idx.msk $0xffff, v17  }
0x424: {  	s11 =	sshllo.u32 s5, $0x1;
	s18 =	simm.s32 $0x8;
	v14 =	vmov s20;
	s20 =	simm.s32 $0xC;
	v13 =	vand.u32 $0x7C, v11;
	v11 =	vld [tilespmem:s12+$0xFFFFFFE0];
	v12 =	vadd.s32 v1, v12;
	[tilespmem:v20+s29+$0x0] =	vst.idx.msk $0xffff, v19  }
.LBB2_31:
0x425: {  	p0 =	slt.u32 s20, $0x7C;
	v14 =	vand.u32 $0x7F, v14;
	v15 =	vld [tilespmem:s12+$0xFFFFFF90];
	v16 =	vadd.s32 v0, v13;
	s12 =	sadd.s32 $0x80, s12;
	[tilespmem:v10+s29+$0x0] =	vst.idx.msk $0xffff, v2;
	v2 =	vmov v3  }
0x426: {  	s9 =	sadd.s32 $0x1, s18;
	v17 =	vld [tilespmem:s12+$0xFFFFFFF0];
	v18 =	vadd.s32 v0, v14;
	[tilespmem:v7+s29+$0x0] =	vst.idx.msk $0xffff, v4  }
0x427: {  	v4 =	vmov s9;
	v20 =	vadd.s32 v1, v14;
	v19 =	vld [tilespmem:s12+$0x0];
	[tilespmem:v8+s29+$0x0] =	vst.idx.msk $0xffff, v5  }
.Ltmp14:
0x428: {  	v10 =	vadd.s32 v1, v13;
	s9 =	sadd.s32 $0x2, s18;
	v8 =	vand.u32 $0x7D, v4;
	v3 =	vld [tilespmem:s12+$0xFFFFFFA0];
	[tilespmem:v9+s29+$0x0] =	vst.idx.msk $0xffff, v6;
	(pc) =	sbr.rel @p0 .LBB2_31-.Ltmp14, $4  }
0x429: {  	v7 =	vadd.s32 v0, v8;
	v6 =	vmov s9;
	v4 =	vld [tilespmem:s12+$0xFFFFFFB0];
	[tilespmem:v12+s29+$0x0] =	vst.idx.msk $0xffff, v11  }
0x42a: {  	v8 =	vadd.s32 v1, v8;
	v12 =	vand.u32 $0x7E, v6;
	v5 =	vld [tilespmem:s12+$0xFFFFFFC0];
	[tilespmem:v16+s29+$0x0] =	vst.idx.msk $0xffff, v15  }
0x42b: {  	s9 =	sadd.s32 $0x3, s20;
	v11 =	vmov s18;
	s18 =	smov.u32 s20;
	v9 =	vadd.s32 v0, v12;
	v6 =	vld [tilespmem:s12+$0xFFFFFFD0];
	[tilespmem:v18+s29+$0x0] =	vst.idx.msk $0xffff, v17  }
0x42c: {  	v14 =	vmov s9;
	s20 =	sadd.s32 $0x4, s20;
	v13 =	vand.u32 $0x7C, v11;
	v12 =	vadd.s32 v1, v12;
	v11 =	vld [tilespmem:s12+$0xFFFFFFE0];
	[tilespmem:v20+s29+$0x0] =	vst.idx.msk $0xffff, v19  }
0x42d: {  	_ =	sdelay $0x3  }
0x42e: {  	v14 =	vand.u32 $0x7F, v14;
	v15 =	vld [tilespmem:s12+$0xFFFFFF90];
	v16 =	vadd.s32 v0, v13;
	s9 =	sadd.s32 $0x80, s12;
	[tilespmem:v10+s29+$0x0] =	vst.idx.msk $0xffff, v2  }
0x42f: {  	s20 =	sadd.s32 $0x1, s18;
	v2 =	vld [tilespmem:s9+$0xFFFFFFF0];
	v51 =	vadd.s32 v0, v14;
	[tilespmem:v7+s29+$0x0] =	vst.idx.msk $0xffff, v4  }
0x430: {  	v54 =	vadd.s32 v1, v13;
	v52 =	vmov s20;
	[tilespmem:v8+s29+$0x0] =	vst.idx.msk $0xffff, v5  }
0x431: {  	s23 =	sadd.s32 $0x2, s18;
	v53 =	vld [tilespmem:s9+$0x0];
	v14 =	vadd.s32 v1, v14;
	v4 =	vand.u32 $0x7D, v52;
	[tilespmem:v9+s29+$0x0] =	vst.idx.msk $0xffff, v6  }
0x432: {  	v55 =	vmov s23;
	v56 =	vld [tilespmem:s9+$0xFFFFFFB0];
	v57 =	vadd.s32 v0, v4;
	[tilespmem:v12+s29+$0x0] =	vst.idx.msk $0xffff, v11  }
0x433: {  	v58 =	vld [tilespmem:s9+$0xFFFFFFC0];
	v4 =	vadd.s32 v1, v4;
	v6 =	vand.u32 $0x7E, v55;
	[tilespmem:v16+s29+$0x0] =	vst.idx.msk $0xffff, v15  }
0x434: {  	v60 =	vld [tilespmem:s9+$0xFFFFFFD0];
	v61 =	vadd.s32 v0, v6;
	[tilespmem:v51+s29+$0x0] =	vst.idx.msk $0xffff, v2  }
0x435: {  	v62 =	vld [tilespmem:s9+$0xFFFFFFE0];
	v6 =	vadd.s32 v1, v6;
	[tilespmem:v54+s29+$0x0] =	vst.idx.msk $0xffff, v3  }
0x436: {  	v59 =	vmov s18;
	[tilespmem:v14+s29+$0x0] =	vst.idx.msk $0xffff, v53  }
0x437: {  	v2 =	vand.u32 $0x7C, v59;
	[tilespmem:v57+s29+$0x0] =	vst.idx.msk $0xffff, v56  }
0x438: {  	v63 =	vld [tilespmem:s9+$0xFFFFFF90];
	v12 =	vadd.s32 v0, v2;
	[tilespmem:v4+s29+$0x0] =	vst.idx.msk $0xffff, v58  }
0x439: {  	v3 =	vld [tilespmem:s9+$0xFFFFFFA0];
	v2 =	vadd.s32 v1, v2;
	s20 =	rddreg [dreg:$0xf];
	[tilespmem:v61+s29+$0x0] =	vst.idx.msk $0xffff, v60  }
0x43a: {  	s9 =	sadd.s32 s20, s11;
	[tilespmem:v6+s29+$0x0] =	vst.idx.msk $0xffff, v62  }
0x43b: {  	s9 =	sshll.u32 s9, $0x11;
	s23 =	rddreg [dreg:$0x10]  }
0x43c: {  	s9 =	sor.u32 s23, s9  }
0x43d: {  	[tilespmem:v12+s29+$0x0] =	vst.idx.msk $0xffff, v63;
	s9 =	sshrl.u32 s9, $0x3  }
0x43e: {  	[tilespmem:v2+s29+$0x0] =	vst.idx.msk $0xffff, v3;
	s9 =	sadd.s32 s3, s9  }
0x43f: {  	[hbm4b:s9+s4] =	stream.linear.scatter [tilespmem:s29], [sflag:$0x3], $0x80, $0x38;
	[tilespmem:$0x12A00] =	vst v63  }
0x440: {  	s18 =	simm.s32 $0x11988;
	s12 =	sadd.s32 $0x10, s9  }
0x441: {  	[hbm4b:s12+s4] =	stream.linear.scatter [tilespmem:s18], [sflag:$0x3], $0x80, $0x38;
	[tilespmem:$0x12A00] =	vst v63  }
0x442: {  	s23 =	simm.s32 $0x11A10;
	s20 =	sadd.s32 $0x20, s9  }
0x443: {  	[hbm4b:s20+s4] =	stream.linear.scatter [tilespmem:s23], [sflag:$0x3], $0x80, $0x38;
	[tilespmem:$0x12A00] =	vst v63  }
0x444: {  	s12 =	sadd.s32 $0x30, s9;
	s18 =	simm.s32 $0x11A98  }
0x445: {  	[hbm4b:s12+s4] =	stream.linear.scatter [tilespmem:s18], [sflag:$0x3], $0x80, $0x38;
	[tilespmem:$0x12A00] =	vst v63  }
0x446: {  	s20 =	sadd.s32 $0x40, s9;
	s23 =	simm.s32 $0x11B20  }
0x447: {  	[hbm4b:s20+s4] =	stream.linear.scatter [tilespmem:s23], [sflag:$0x3], $0x80, $0x38;
	[tilespmem:$0x12A00] =	vst v63  }
0x448: {  	s12 =	sadd.s32 $0x50, s9;
	s18 =	simm.s32 $0x11BA8  }
0x449: {  	[hbm4b:s12+s4] =	stream.linear.scatter [tilespmem:s18], [sflag:$0x3], $0x80, $0x38;
	[tilespmem:$0x12A00] =	vst v63  }
0x44a: {  	s20 =	sadd.s32 $0x60, s9;
	s23 =	simm.s32 $0x11C30  }
0x44b: {  	[hbm4b:s20+s4] =	stream.linear.scatter [tilespmem:s23], [sflag:$0x3], $0x80, $0x38;
	[tilespmem:$0x12A00] =	vst v63  }
0x44c: {  	s12 =	sadd.s32 $0x70, s9;
	s18 =	simm.s32 $0x11CB8  }
0x44d: {  	[hbm4b:s12+s4] =	stream.linear.scatter [tilespmem:s18], [sflag:$0x3], $0x80, $0x38;
	[tilespmem:$0x12A00] =	vst v63  }
0x44e: {  	s20 =	sadd.s32 $0x1000, s9;
	s23 =	simm.s32 $0x11D40  }
0x44f: {  	[hbm4b:s20+s4] =	stream.linear.scatter [tilespmem:s23], [sflag:$0x3], $0x80, $0x38;
	[tilespmem:$0x12A00] =	vst v63  }
0x450: {  	s12 =	sadd.s32 $0x1010, s9;
	s18 =	simm.s32 $0x11DC8  }
0x451: {  	[hbm4b:s12+s4] =	stream.linear.scatter [tilespmem:s18], [sflag:$0x3], $0x80, $0x38;
	[tilespmem:$0x12A00] =	vst v63  }
0x452: {  	s20 =	sadd.s32 $0x1020, s9;
	s23 =	simm.s32 $0x11E50  }
0x453: {  	[hbm4b:s20+s4] =	stream.linear.scatter [tilespmem:s23], [sflag:$0x3], $0x80, $0x38;
	[tilespmem:$0x12A00] =	vst v63  }
0x454: {  	s12 =	sadd.s32 $0x1030, s9;
	s18 =	simm.s32 $0x11ED8  }
0x455: {  	[hbm4b:s12+s4] =	stream.linear.scatter [tilespmem:s18], [sflag:$0x3], $0x80, $0x38;
	[tilespmem:$0x12A00] =	vst v63  }
0x456: {  	s20 =	sadd.s32 $0x1040, s9;
	s23 =	simm.s32 $0x11F60  }
0x457: {  	[hbm4b:s20+s4] =	stream.linear.scatter [tilespmem:s23], [sflag:$0x3], $0x80, $0x38;
	[tilespmem:$0x12A00] =	vst v63  }
0x458: {  	s12 =	sadd.s32 $0x1050, s9;
	s18 =	simm.s32 $0x11FE8  }
0x459: {  	[hbm4b:s12+s4] =	stream.linear.scatter [tilespmem:s18], [sflag:$0x3], $0x80, $0x38;
	[tilespmem:$0x12A00] =	vst v63  }
0x45a: {  	s20 =	sadd.s32 $0x1060, s9;
	s23 =	simm.s32 $0x12070  }
0x45b: {  	[hbm4b:s20+s4] =	stream.linear.scatter [tilespmem:s23], [sflag:$0x3], $0x80, $0x38;
	[tilespmem:$0x12A00] =	vst v63  }
0x45c: {  	s12 =	sadd.s32 $0x1070, s9;
	s18 =	simm.s32 $0x120F8  }
0x45d: {  	[hbm4b:s12+s4] =	stream.linear.scatter [tilespmem:s18], [sflag:$0x3], $0x80, $0x38;
	[tilespmem:$0x12A00] =	vst v63  }
0x45e: {  	s20 =	sadd.s32 $0x2000, s9;
	s23 =	simm.s32 $0x12180  }
0x45f: {  	[hbm4b:s20+s4] =	stream.linear.scatter [tilespmem:s23], [sflag:$0x3], $0x80, $0x38;
	[tilespmem:$0x12A00] =	vst v63  }
0x460: {  	s18 =	sadd.s32 $0x2010, s9;
	s20 =	simm.s32 $0x12208  }
0x461: {  	[hbm4b:s18+s4] =	stream.linear.scatter [tilespmem:s20], [sflag:$0x3], $0x80, $0x38;
	[tilespmem:$0x12A00] =	vst v63  }
0x462: {  	s23 =	sadd.s32 $0x2020, s9  }
0x463: {  	[hbm4b:s23+s4] =	stream.linear.scatter [tilespmem:s10], [sflag:$0x3], $0x80, $0x38;
	[tilespmem:$0x12A00] =	vst v63  }
0x464: {  	s12 =	sadd.s32 $0x2030, s9  }
0x465: {  	[hbm4b:s12+s4] =	stream.linear.scatter [tilespmem:s14], [sflag:$0x3], $0x80, $0x38;
	[tilespmem:$0x12A00] =	vst v63  }
0x466: {  	s18 =	sadd.s32 $0x2040, s9  }
0x467: {  	[hbm4b:s18+s4] =	stream.linear.scatter [tilespmem:s15], [sflag:$0x3], $0x80, $0x38;
	[tilespmem:$0x12A00] =	vst v63  }
0x468: {  	s20 =	sadd.s32 $0x2050, s9  }
0x469: {  	[hbm4b:s20+s4] =	stream.linear.scatter [tilespmem:s16], [sflag:$0x3], $0x80, $0x38;
	[tilespmem:$0x12A00] =	vst v63  }
0x46a: {  	s23 =	sadd.s32 $0x2060, s9  }
0x46b: {  	[hbm4b:s23+s4] =	stream.linear.scatter [tilespmem:s17], [sflag:$0x3], $0x80, $0x38;
	[tilespmem:$0x12A00] =	vst v63  }
0x46c: {  	s12 =	sadd.s32 $0x2070, s9  }
0x46d: {  	[hbm4b:s12+s4] =	stream.linear.scatter [tilespmem:s6], [sflag:$0x3], $0x80, $0x38;
	[tilespmem:$0x12A00] =	vst v63  }
0x46e: {  	s18 =	sadd.s32 $0x3000, s9  }
0x46f: {  	[hbm4b:s18+s4] =	stream.linear.scatter [tilespmem:s19], [sflag:$0x3], $0x80, $0x38;
	[tilespmem:$0x12A00] =	vst v63  }
0x470: {  	s20 =	sadd.s32 $0x3010, s9  }
0x471: {  	[hbm4b:s20+s4] =	stream.linear.scatter [tilespmem:s25], [sflag:$0x3], $0x80, $0x38;
	[tilespmem:$0x12A00] =	vst v63  }
0x472: {  	s23 =	sadd.s32 $0x3020, s9  }
0x473: {  	[hbm4b:s23+s4] =	stream.linear.scatter [tilespmem:s26], [sflag:$0x3], $0x80, $0x38;
	[tilespmem:$0x12A00] =	vst v63  }
0x474: {  	s12 =	sadd.s32 $0x3030, s9  }
0x475: {  	[hbm4b:s12+s4] =	stream.linear.scatter [tilespmem:s28], [sflag:$0x3], $0x80, $0x38;
	[tilespmem:$0x12A00] =	vst v63  }
0x476: {  	s5 =	sadd.s32 $0x1, s5;
	s18 =	sadd.s32 $0x3040, s9  }
0x477: {  	[hbm4b:s18+s4] =	stream.linear.scatter [tilespmem:s30], [sflag:$0x3], $0x80, $0x38;
	[tilespmem:$0x12A00] =	vst v63  }
0x478: {  	p0 =	sne.s32 s5, $0x4;
	s20 =	sadd.s32 $0x3050, s9  }
0x479: {  	[hbm4b:s20+s4] =	stream.linear.scatter [tilespmem:s31], [sflag:$0x3], $0x80, $0x38;
	[tilespmem:$0x12A00] =	vst v63  }
.Ltmp15:
0x47a: {  	_ = 	snop;
	(pc) =	sbr.rel @p0 .LBB2_28-.Ltmp15, $4  }
0x47b: {  	s23 =	sadd.s32 $0x3060, s9  }
0x47c: {  	[hbm4b:s23+s4] =	stream.linear.scatter [tilespmem:s2], [sflag:$0x3], $0x80, $0x38;
	[tilespmem:$0x12A00] =	vst v63  }
0x47d: {  	s13 =	sadd.s32 $0x2000, s13;
	s1 =	sadd.s32 $0x2000, s1;
	s9 =	sadd.s32 $0x3070, s9  }
0x47e: {  	[hbm4b:s9+s4] =	stream.linear.scatter [tilespmem:s0], [sflag:$0x3], $0x80, $0x38;
	[tilespmem:$0x12A00] =	vst v63  }
0x47f: {  	_ =	swait.ge [sflag:s7], $0x1000  }
0x480: {  	[sflag:s7] =	ssyncset.done $0x0  }
0x481: {  	[sflag:s7] =	ssyncadd.s32 $0xFFFFF000  }
0x482: {  	_ =	swait.ge [sflag:s7], $0x1000  }
0x483: {  	[sflag:s7] =	ssyncset.done $0x0  }
0x484: {  	[sflag:s7] =	ssyncadd.s32 $0xFFFFF000  }
0x485: {  	_ =	swait.ge [sflag:s7], $0x1000  }
0x486: {  	[sflag:s7] =	ssyncset.done $0x0  }
0x487: {  	[sflag:s7] =	ssyncadd.s32 $0xFFFFF000  }
0x488: {  	_ =	swait.ge [sflag:s7], $0x1000  }
0x489: {  	[sflag:s7] =	ssyncset.done $0x0  }
0x48a: {  	[sflag:s7] =	ssyncadd.s32 $0xFFFFF000  }
0x48b: {  	_ =	swait.ge [sflag:s7], $0x1000  }
0x48c: {  	[sflag:s7] =	ssyncset.done $0x0  }
0x48d: {  	[sflag:s7] =	ssyncadd.s32 $0xFFFFF000  }
0x48e: {  	_ =	swait.ge [sflag:s7], $0x1000  }
0x48f: {  	[sflag:s7] =	ssyncset.done $0x0  }
0x490: {  	[sflag:s7] =	ssyncadd.s32 $0xFFFFF000  }
0x491: {  	_ =	swait.ge [sflag:s7], $0x1000  }
0x492: {  	[sflag:s7] =	ssyncset.done $0x0  }
0x493: {  	[sflag:s7] =	ssyncadd.s32 $0xFFFFF000  }
0x494: {  	_ =	swait.ge [sflag:s7], $0x1000  }
0x495: {  	s5 =	rddreg [dreg:$0x12]  }
0x496: {  	s1 =	rddreg [dreg:$0x11];
	s5 =	sadd.s32 $0x1, s5  }
0x497: {  	p0 =	sne.s32 s5, s1  }
.Ltmp16:
0x498: {  	_ = 	snop;
	(pc) =	sbr.rel @p0 .LBB2_1-.Ltmp16, $3  }
0x499: {  	_ =	sdelay $0x1  }
0x49a: {  	[sflag:s7] =	ssyncset.done $0x0  }
0x49b: {  	[sflag:s7] =	ssyncadd.s32 $0xFFFFF000  }
0x49c: {  	_ =	sfence.sel $0x180000  }
0x49d: {  	[bflag:$0x0] =	sbarrier.arrive $0xFFFF  }
0x49e: {  	_ =	strace $0x90000047  }
0x49f: {  	s0 =	stileid.u32;
	[bflag:$0x2] =	sbarrier.arrive $0xFFFF  }
0x4a0: {  	p0 =	sne.s32 s0, $0x0;
	s0 =	rddreg [dreg:$0x3]  }
0x4a1: {  	s0 =	sadd.s32 @!p0 $0x100000, s0  }
0x4a2: {  	[sflag:s0] =	ssyncadd.tile.s32 @!p0 $0x1;
	_ =	shalt  }
.Lfunc_end2:
_tile_overlayer_lowered:
.L_overlay_start_2:
0x4a3: {  	(tag) =	ssettag $0x2  }
0x4a4: {  	s0 =	rddreg [dreg:$0x0];
	s2 =	stileid.u32  }
0x4a5: {  	s1 =	rddreg [dreg:$0x1];
	p0 =	sne.s32 s2, $0x0  }
0x4a6: {  	s3 =	rddreg [dreg:$0x2];
	[bflag:$0x3] =	sbarrier.arrive $0xFFFF;
	s2 =	simm.s32 @!p0 $0x1C04  }
0x4a7: {  	[timem:s3], [sflag:s2] =	dma.local @!p0 [hbm:s0], s1  }
0x4a8: {  	s0 =	simm.s32 @!p0 $0x4  }
0x4a9: {  	_ =	swait.ge @!p0 [sflag:s0], s1  }
0x4aa: {  	s1 =	ssub.s32 @!p0 $0x0, s1;
	[sflag:s0] =	ssyncset.done @!p0 $0x0  }
0x4ab: {  	[sflag:s0] =	ssyncadd.s32 @!p0 s1  }
0x4ac: {  	[bflag:$0x3] =	sbarrier.arrive $0xFFFF  }
0x4ad: {  	_ =	shalt  }

</sc_bundles>
